<compile_context>
chip_gen: v7x
topology: tpu7x:2x2x1
jax: 0.10.2.dev20260603
libtpu: 0.0.44.dev20260713+nightly
codegen_flags: <defaults>
</compile_context>

<pallas_src>
import jax
import jax.numpy as jnp
from jax import lax
from jax.experimental import pallas as pl
from jax.experimental.pallas import tpu as pltpu
from jax.experimental.pallas import tpu_sc as plsc

N = 10000
E = 320000
D = 128

NC = 2
NS = 16
NW = NC * NS

C = 125
KTOT = E // C
K = KTOT // NW
K2 = KTOT // NS
DH = D // 2
RT = 632
NA = RT * NS
RC0, RC1 = 320, RT - 320

BR = 1000
GRID = N // BR

_mesh = plsc.VectorSubcoreMesh(
    core_axis_name="c", subcore_axis_name="s", num_cores=NC, num_subcores=NS
)


def _deg_body(ei2, ones_hbm, zer_hbm, out_hbm, idx_r, ones_v, zbuf, acc):
    c = lax.axis_index("c")
    s = lax.axis_index("s")
    base = (c * NS + s) * K
    pltpu.sync_copy(ei2.at[pl.ds(base, K)], idx_r)
    pltpu.sync_copy(ones_hbm, ones_v)
    pltpu.sync_copy(zer_hbm, zbuf)
    pltpu.sync_copy(zbuf.at[pl.ds(0, RC0)], acc.at[pl.ds(s * RT, RC0)])
    pltpu.sync_copy(zbuf.at[pl.ds(0, RC1)], acc.at[pl.ds(s * RT + RC0, RC1)])
    plsc.subcore_barrier()

    def step(j, carry):
        pltpu.sync_copy(ones_v, acc.at[idx_r.at[j]], add=True)
        return carry

    lax.fori_loop(0, K, step, 0)
    plsc.subcore_barrier()
    obase = c * NA + s * RT
    pltpu.sync_copy(acc.at[pl.ds(s * RT, RC0)], zbuf.at[pl.ds(0, RC0)])
    pltpu.sync_copy(zbuf.at[pl.ds(0, RC0)], out_hbm.at[pl.ds(obase, RC0)])
    pltpu.sync_copy(acc.at[pl.ds(s * RT + RC0, RC1)], zbuf.at[pl.ds(0, RC1)])
    pltpu.sync_copy(zbuf.at[pl.ds(0, RC1)], out_hbm.at[pl.ds(obase + RC0, RC1)])


def _seg_body(tab2, ei2, zer_hbm, out_hbm, idx_r, idx_c,
              rows_a, rows_b, rows_c, rows_d, rows_e, acc,
              sem_ga, sem_gb, sem_gc, sem_gd, sem_ge,
              sem_sa, sem_sb, sem_sc, sem_sd, sem_se):
    c = lax.axis_index("c")
    s = lax.axis_index("s")
    base = s * K2
    pltpu.sync_copy(ei2.at[pl.ds(base, K2)], idx_r)
    pltpu.sync_copy(ei2.at[pl.ds(KTOT + base, K2)], idx_c)
    tab_c = tab2.at[pl.ds(c * N, N)]
    pltpu.sync_copy(zer_hbm, acc.at[pl.ds(s * RT, RC0)])
    pltpu.sync_copy(zer_hbm.at[pl.ds(0, RC1)], acc.at[pl.ds(s * RT + RC0, RC1)])
    plsc.subcore_barrier()

    rows = (rows_a, rows_b, rows_c, rows_d, rows_e)
    sg = (sem_ga, sem_gb, sem_gc, sem_gd, sem_ge)
    ss = (sem_sa, sem_sb, sem_sc, sem_sd, sem_se)
    NB = 5

    def gather(j, b):
        pltpu.async_copy(tab_c.at[idx_c.at[j]], rows[b], sg[b])

    def gwait(j, b):
        pltpu.make_async_copy(tab_c.at[idx_c.at[j]], rows[b], sg[b]).wait()

    def scatter(j, b):
        pltpu.async_copy(rows[b], acc.at[idx_r.at[j]], ss[b], add=True)

    def swait(j, b):
        pltpu.make_async_copy(rows[b], acc.at[idx_r.at[j]], ss[b]).wait()

    for b in range(NB):
        gather(b, b)

    def step(i, carry):
        j = i * NB
        for b in range(NB):
            gwait(j + b, b)
            scatter(j + b, b)
        for b in range(NB):
            swait(j + b, b)
            gather(j + NB + b, b)
        return carry

    lax.fori_loop(0, K2 // NB - 1, step, 0)
    jl = K2 - NB
    for b in range(NB):
        gwait(jl + b, b)
        scatter(jl + b, b)
    for b in range(NB):
        swait(jl + b, b)
    plsc.subcore_barrier()
    obase = c * NA + s * RT
    pltpu.sync_copy(acc.at[pl.ds(s * RT, RT)], out_hbm.at[pl.ds(obase, RT)])


_deg_pass = pl.kernel(
    _deg_body,
    out_type=jax.ShapeDtypeStruct((NC * NA, 16), jnp.float32),
    mesh=_mesh,
    compiler_params=pltpu.CompilerParams(use_tc_tiling_on_sc=False),
    scratch_types=[
        pltpu.VMEM((K, C), jnp.int32),
        pltpu.VMEM((C, 16), jnp.float32),
        pltpu.VMEM((RC0, 16), jnp.float32),
        pltpu.VMEM_SHARED((NA, 16), jnp.float32),
    ],
)

_seg_pass = pl.kernel(
    _seg_body,
    out_type=jax.ShapeDtypeStruct((NC * NA, DH), jnp.float32),
    mesh=_mesh,
    compiler_params=pltpu.CompilerParams(use_tc_tiling_on_sc=False),
    scratch_types=[
        pltpu.VMEM((K2, C), jnp.int32),
        pltpu.VMEM((K2, C), jnp.int32),
        pltpu.VMEM((C, DH), jnp.float32),
        pltpu.VMEM((C, DH), jnp.float32),
        pltpu.VMEM((C, DH), jnp.float32),
        pltpu.VMEM((C, DH), jnp.float32),
        pltpu.VMEM((C, DH), jnp.float32),
        pltpu.VMEM_SHARED((NA, DH), jnp.float32),
    ] + [pltpu.SemaphoreType.DMA] * 10,
)


def _mm_t(a, b):
    return lax.dot_general(a, b, (((1,), (1,)), ((), ())),
                           preferred_element_type=jnp.float32)


def _v3_row(W3_ref, W4_ref):
    r4 = jax.nn.relu(W4_ref[...])
    return lax.dot_general(r4, W3_ref[...], (((0,), (1,)), ((), ())),
                           preferred_element_type=jnp.float32)


def _stage0_body(x_ref, dp_ref, W1_ref, W3a_ref, W4a_ref, W2b_ref, W3b_ref, W4b_ref, o_ref):
    deg = dp_ref[0, :, 0:1] + dp_ref[1, :, 0:1]
    h1 = jax.nn.relu(_mm_t(x_ref[...], W1_ref[...]) + deg * _v3_row(W3a_ref, W4a_ref))
    g = _mm_t(h1, W2b_ref[...]) + _v3_row(W3b_ref, W4b_ref)
    o_ref[0] = g[:, :DH]
    o_ref[1] = g[:, DH:]


def _stage1_body(x_ref, p_ref, W1_ref, W2b_ref, W3b_ref, W4b_ref, o_ref):
    seg = jnp.concatenate([p_ref[0], p_ref[1]], axis=1)
    h = jax.nn.relu(_mm_t(x_ref[...], W1_ref[...]) + seg)
    g = _mm_t(h, W2b_ref[...]) + _v3_row(W3b_ref, W4b_ref)
    o_ref[0] = g[:, :DH]
    o_ref[1] = g[:, DH:]


def _stage2_body(x_ref, p_ref, W1_ref, o_ref):
    seg = jnp.concatenate([p_ref[0], p_ref[1]], axis=1)
    o_ref[...] = jax.nn.relu(_mm_t(x_ref[...], W1_ref[...]) + seg)


_xspec = pl.BlockSpec((BR, D), lambda i: (i, 0))
_wspec = pl.BlockSpec((D, D), lambda i: (0, 0))
_w4spec = pl.BlockSpec((D, 1), lambda i: (0, 0))
_ospec = pl.BlockSpec((BR, D), lambda i: (i, 0))


_gspec = pl.BlockSpec((NC, BR, DH), lambda i: (0, i, 0))

_stage0 = pl.pallas_call(
    _stage0_body,
    grid=(GRID,),
    in_specs=[_xspec, pl.BlockSpec((NC, BR, 16), lambda i: (0, i, 0)),
              _wspec, _wspec, _w4spec, _wspec, _wspec, _w4spec],
    out_specs=_gspec,
    out_shape=jax.ShapeDtypeStruct((NC, N, DH), jnp.float32),
)

_stage1 = pl.pallas_call(
    _stage1_body,
    grid=(GRID,),
    in_specs=[_xspec, pl.BlockSpec((NC, BR, DH), lambda i: (0, i, 0)),
              _wspec, _wspec, _wspec, _w4spec],
    out_specs=_gspec,
    out_shape=jax.ShapeDtypeStruct((NC, N, DH), jnp.float32),
)

_stage2 = pl.pallas_call(
    _stage2_body,
    grid=(GRID,),
    in_specs=[_xspec, pl.BlockSpec((NC, BR, DH), lambda i: (0, i, 0)), _wspec],
    out_specs=_ospec,
    out_shape=jax.ShapeDtypeStruct((N, D), jnp.float32),
)


def kernel(x, edge_index, W1_0, W2_0, W3_0, W4_0, W1_1, W2_1, W3_1, W4_1,
           W1_2, W2_2, W3_2, W4_2):
    ei2 = edge_index.reshape(2 * KTOT, C)
    zeros = jnp.zeros((RC0, DH), jnp.float32)
    zeros16 = jnp.zeros((RC0, 16), jnp.float32)
    ones16 = jnp.ones((C, 16), jnp.float32)

    dp = _deg_pass(ei2, ones16, zeros16).reshape(NC, NA, 16)
    g1 = _stage0(x, dp, W1_0, W3_0, W4_0, W2_1, W3_1, W4_1)
    p1 = _seg_pass(g1.reshape(NC * N, DH), ei2, zeros)
    g2 = _stage1(x, p1.reshape(NC, NA, DH), W1_1, W2_2, W3_2, W4_2)
    p2 = _seg_pass(g2.reshape(NC * N, DH), ei2, zeros)
    return _stage2(x, p2.reshape(NC, NA, DH), W1_2)

# --- scband reference (transcript-rebuilt; emitter-appended) ---
"""Pipeline reference for scband-s2-vencoder-46875273068981 (READ-ONLY COPY).

The authoritative reference and input builder live on the scoring server;
editing this copy changes nothing except your own understanding.
"""

import jax, jax.numpy as jnp
import numpy as np

N_NODES = 10000
N_EDGES = 320000
D_FEAT = 128
HID = 128
HOP = 3


def setup_inputs(seed: int = 0) -> dict:
    key = jax.random.key(seed)
    ks = jax.random.split(key, 2 + 4 * HOP)
    x = jax.random.normal(ks[0], (N_NODES, D_FEAT), dtype=jnp.float32)
    edge_index = jax.random.randint(ks[1], (2, N_EDGES), 0, N_NODES, dtype=jnp.int32)
    inp = {"x": x, "edge_index": edge_index}
    s_in = 1.0 / np.sqrt(D_FEAT)
    s_hid = 1.0 / np.sqrt(HID)
    for l in range(HOP):
        base = 2 + 4 * l
        inp[f"W1_{l}"] = jax.random.normal(ks[base + 0], (HID, D_FEAT), dtype=jnp.float32) * s_in
        inp[f"W2_{l}"] = jax.random.normal(ks[base + 1], (HID, HID), dtype=jnp.float32) * s_hid
        inp[f"W3_{l}"] = jax.random.normal(ks[base + 2], (HID, HID), dtype=jnp.float32) * s_hid
        inp[f"W4_{l}"] = jax.random.normal(ks[base + 3], (HID, 1), dtype=jnp.float32)
    return inp


def _s2v_layer(x, edge_index, node_embedding, W1, W2, W3, W4):
    row = edge_index[0]
    col = edge_index[1]
    node_feature_embedding = x @ W1.T
    node_embedding_aggr = jax.ops.segment_sum(node_embedding[col], row, num_segments=x.shape[0])
    edge_attr = jnp.ones((edge_index.shape[1], 1), dtype=x.dtype)
    edge_feature_embedding = jax.nn.relu(edge_attr @ W4.T)
    edge_embedding_aggr = jax.ops.segment_sum(edge_feature_embedding, row, num_segments=x.shape[0])
    return jax.nn.relu(node_feature_embedding + node_embedding_aggr @ W2.T + edge_embedding_aggr @ W3.T)


def reference(x, edge_index, W1_0, W2_0, W3_0, W4_0, W1_1, W2_1, W3_1, W4_1, W1_2, W2_2, W3_2, W4_2):
    layers = [
        (W1_0, W2_0, W3_0, W4_0),
        (W1_1, W2_1, W3_1, W4_1),
        (W1_2, W2_2, W3_2, W4_2),
    ]
    node_embedding = jnp.zeros((x.shape[0], HID), dtype=x.dtype)
    for (W1, W2, W3, W4) in layers:
        node_embedding = _s2v_layer(x, edge_index, node_embedding, W1, W2, W3, W4)
        # dropout p=0.0 -> identity
    return node_embedding

if __name__ == "__main__":
    import jax
    _d = setup_inputs()
    print(jax.jit(kernel)(*tuple(_d.values())))

</pallas_src>

<mosaic_0001>
#map = affine_map<(d0, d1) -> (0, 0)>
module attributes {stable_mosaic.version = 14 : i64} {
  func.func @_seg_body(%arg0: i32, %arg1: i32, %arg2: memref<20000x64xf32, #tpu.memory_space<hbm>>, %arg3: memref<5120x125xi32, #tpu.memory_space<hbm>>, %arg4: memref<320x64xf32, #tpu.memory_space<hbm>>, %arg5: memref<20224x64xf32, #tpu.memory_space<hbm>>, %arg6: memref<160x125xi32, #tpu.memory_space<vmem>>, %arg7: memref<160x125xi32, #tpu.memory_space<vmem>>, %arg8: memref<125x64xf32, #tpu.memory_space<vmem>>, %arg9: memref<125x64xf32, #tpu.memory_space<vmem>>, %arg10: memref<125x64xf32, #tpu.memory_space<vmem>>, %arg11: memref<125x64xf32, #tpu.memory_space<vmem>>, %arg12: memref<125x64xf32, #tpu.memory_space<vmem>>, %arg13: memref<10112x64xf32, #tpu.memory_space<vmem_shared>>, %arg14: memref<!tpu.dma_semaphore, #tpu.memory_space<semaphore_mem>>, %arg15: memref<!tpu.dma_semaphore, #tpu.memory_space<semaphore_mem>>, %arg16: memref<!tpu.dma_semaphore, #tpu.memory_space<semaphore_mem>>, %arg17: memref<!tpu.dma_semaphore, #tpu.memory_space<semaphore_mem>>, %arg18: memref<!tpu.dma_semaphore, #tpu.memory_space<semaphore_mem>>, %arg19: memref<!tpu.dma_semaphore, #tpu.memory_space<semaphore_mem>>, %arg20: memref<!tpu.dma_semaphore, #tpu.memory_space<semaphore_mem>>, %arg21: memref<!tpu.dma_semaphore, #tpu.memory_space<semaphore_mem>>, %arg22: memref<!tpu.dma_semaphore, #tpu.memory_space<semaphore_mem>>, %arg23: memref<!tpu.dma_semaphore, #tpu.memory_space<semaphore_mem>>) attributes {dimension_semantics = [#tpu.dimension_semantics<core_parallel>, #tpu.dimension_semantics<subcore_parallel>], iteration_bounds = array<i64: 2, 16>, scalar_prefetch = 0 : i64, scratch_operands = 18 : i64, tpu.core_type = #tpu.core_type<sc_vector_subcore>, window_params = [{transform_indices = #map}, {transform_indices = #map}, {transform_indices = #map}, {transform_indices = #map}]} {
    %mul3A = arith.constant 160 : i32
    %mul3A_0 = arith.muli %arg1, %mul3A : i32
    "tpu.region"() ({
      %run_scoped3A = tpu.sem_alloc : memref<!tpu.dma_semaphore, #tpu.memory_space<semaphore_mem>>
      %dma_start3A_181 = arith.constant 0 : i32
      %dma_start3A_182 = tpu.memref_slice %arg3[%mul3A_0, %dma_start3A_181] : memref<5120x125xi32, #tpu.memory_space<hbm>> -> memref<160x125xi32, #tpu.memory_space<hbm>>
      %dma_start3A_183 = arith.constant 0 : i32
      %dma_start3A_184 = tpu.memref_slice %arg3[%mul3A_0, %dma_start3A_183] : memref<5120x125xi32, #tpu.memory_space<hbm>> -> memref<160x125xi32, #tpu.memory_space<hbm>>
      tpu.enqueue_dma source(%dma_start3A_184 : memref<160x125xi32, #tpu.memory_space<hbm>>) target(%arg6 : memref<160x125xi32, #tpu.memory_space<vmem>>) target_semaphore(%run_scoped3A : memref<!tpu.dma_semaphore, #tpu.memory_space<semaphore_mem>>)
      %dma_wait3A_185 = arith.constant 0 : i32
      %dma_wait3A_186 = tpu.memref_slice %arg3[%mul3A_0, %dma_wait3A_185] : memref<5120x125xi32, #tpu.memory_space<hbm>> -> memref<160x125xi32, #tpu.memory_space<hbm>>
      %dma_wait3A_187 = arith.constant 0 : i32
      %dma_wait3A_188 = tpu.memref_slice %arg3[%mul3A_0, %dma_wait3A_187] : memref<5120x125xi32, #tpu.memory_space<hbm>> -> memref<160x125xi32, #tpu.memory_space<hbm>>
      tpu.wait_dma2 semaphore(%run_scoped3A : memref<!tpu.dma_semaphore, #tpu.memory_space<semaphore_mem>>) src(%dma_wait3A_188 : memref<160x125xi32, #tpu.memory_space<hbm>>) dst(%arg6 : memref<160x125xi32, #tpu.memory_space<vmem>>)
      tpu.yield
    }) : () -> ()
    %add3A = arith.constant 2560 : i32
    %add3A_1 = arith.addi %add3A, %mul3A_0 : i32
    "tpu.region"() ({
      %run_scoped3A = tpu.sem_alloc : memref<!tpu.dma_semaphore, #tpu.memory_space<semaphore_mem>>
      %dma_start3A_181 = arith.constant 0 : i32
      %dma_start3A_182 = tpu.memref_slice %arg3[%add3A_1, %dma_start3A_181] : memref<5120x125xi32, #tpu.memory_space<hbm>> -> memref<160x125xi32, #tpu.memory_space<hbm>>
      %dma_start3A_183 = arith.constant 0 : i32
      %dma_start3A_184 = tpu.memref_slice %arg3[%add3A_1, %dma_start3A_183] : memref<5120x125xi32, #tpu.memory_space<hbm>> -> memref<160x125xi32, #tpu.memory_space<hbm>>
      tpu.enqueue_dma source(%dma_start3A_184 : memref<160x125xi32, #tpu.memory_space<hbm>>) target(%arg7 : memref<160x125xi32, #tpu.memory_space<vmem>>) target_semaphore(%run_scoped3A : memref<!tpu.dma_semaphore, #tpu.memory_space<semaphore_mem>>)
      %dma_wait3A_185 = arith.constant 0 : i32
      %dma_wait3A_186 = tpu.memref_slice %arg3[%add3A_1, %dma_wait3A_185] : memref<5120x125xi32, #tpu.memory_space<hbm>> -> memref<160x125xi32, #tpu.memory_space<hbm>>
      %dma_wait3A_187 = arith.constant 0 : i32
      %dma_wait3A_188 = tpu.memref_slice %arg3[%add3A_1, %dma_wait3A_187] : memref<5120x125xi32, #tpu.memory_space<hbm>> -> memref<160x125xi32, #tpu.memory_space<hbm>>
      tpu.wait_dma2 semaphore(%run_scoped3A : memref<!tpu.dma_semaphore, #tpu.memory_space<semaphore_mem>>) src(%dma_wait3A_188 : memref<160x125xi32, #tpu.memory_space<hbm>>) dst(%arg7 : memref<160x125xi32, #tpu.memory_space<vmem>>)
      tpu.yield
    }) : () -> ()
    %mul3A_2 = arith.constant 10000 : i32
    %mul3A_3 = arith.muli %arg0, %mul3A_2 : i32
    %mul3A_4 = arith.constant 632 : i32
    %mul3A_5 = arith.muli %arg1, %mul3A_4 : i32
    "tpu.region"() ({
      %run_scoped3A = tpu.sem_alloc : memref<!tpu.dma_semaphore, #tpu.memory_space<semaphore_mem>>
      %dma_start3A_181 = arith.constant 0 : i32
      %dma_start3A_182 = tpu.memref_slice %arg13[%mul3A_5, %dma_start3A_181] : memref<10112x64xf32, #tpu.memory_space<vmem_shared>> -> memref<320x64xf32, #tpu.memory_space<vmem_shared>>
      tpu.enqueue_dma source(%arg4 : memref<320x64xf32, #tpu.memory_space<hbm>>) target(%dma_start3A_182 : memref<320x64xf32, #tpu.memory_space<vmem_shared>>) target_semaphore(%run_scoped3A : memref<!tpu.dma_semaphore, #tpu.memory_space<semaphore_mem>>)
      %dma_wait3A_183 = arith.constant 0 : i32
      %dma_wait3A_184 = tpu.memref_slice %arg13[%mul3A_5, %dma_wait3A_183] : memref<10112x64xf32, #tpu.memory_space<vmem_shared>> -> memref<320x64xf32, #tpu.memory_space<vmem_shared>>
      tpu.wait_dma2 semaphore(%run_scoped3A : memref<!tpu.dma_semaphore, #tpu.memory_space<semaphore_mem>>) src(%arg4 : memref<320x64xf32, #tpu.memory_space<hbm>>) dst(%dma_wait3A_184 : memref<320x64xf32, #tpu.memory_space<vmem_shared>>)
      tpu.yield
    }) : () -> ()
    %mul3A_6 = arith.constant 632 : i32
    %mul3A_7 = arith.muli %arg1, %mul3A_6 : i32
    %add3A_8 = arith.constant 320 : i32
    %add3A_9 = arith.addi %mul3A_7, %add3A_8 : i32
    "tpu.region"() ({
      %run_scoped3A = tpu.sem_alloc : memref<!tpu.dma_semaphore, #tpu.memory_space<semaphore_mem>>
      %dma_start3A_181 = arith.constant 0 : i32
      %dma_start3A_182 = tpu.memref_slice %arg13[%add3A_9, %dma_start3A_181] : memref<10112x64xf32, #tpu.memory_space<vmem_shared>> -> memref<312x64xf32, #tpu.memory_space<vmem_shared>>
      %dma_start3A_183 = arith.constant 0 : i32
      %dma_start3A_184 = arith.constant 0 : i32
      %dma_start3A_185 = tpu.memref_slice %arg4[%dma_start3A_183, %dma_start3A_184] : memref<320x64xf32, #tpu.memory_space<hbm>> -> memref<312x64xf32, #tpu.memory_space<hbm>>
      tpu.enqueue_dma source(%dma_start3A_185 : memref<312x64xf32, #tpu.memory_space<hbm>>) target(%dma_start3A_182 : memref<312x64xf32, #tpu.memory_space<vmem_shared>>) target_semaphore(%run_scoped3A : memref<!tpu.dma_semaphore, #tpu.memory_space<semaphore_mem>>)
      %dma_wait3A_186 = arith.constant 0 : i32
      %dma_wait3A_187 = tpu.memref_slice %arg13[%add3A_9, %dma_wait3A_186] : memref<10112x64xf32, #tpu.memory_space<vmem_shared>> -> memref<312x64xf32, #tpu.memory_space<vmem_shared>>
      %dma_wait3A_188 = arith.constant 0 : i32
      %dma_wait3A_189 = arith.constant 0 : i32
      %dma_wait3A_190 = tpu.memref_slice %arg4[%dma_wait3A_188, %dma_wait3A_189] : memref<320x64xf32, #tpu.memory_space<hbm>> -> memref<312x64xf32, #tpu.memory_space<hbm>>
      tpu.wait_dma2 semaphore(%run_scoped3A : memref<!tpu.dma_semaphore, #tpu.memory_space<semaphore_mem>>) src(%dma_wait3A_190 : memref<312x64xf32, #tpu.memory_space<hbm>>) dst(%dma_wait3A_187 : memref<312x64xf32, #tpu.memory_space<vmem_shared>>)
      tpu.yield
    }) : () -> ()
    %barrier3A = arith.constant 0 : index
    tpu.barrier barrier_id(%barrier3A)
    %dma_start3A = arith.constant 0 : i32
    %dma_start3A_10 = arith.constant 0 : i32
    %dma_start3A_11 = tpu.memref_slice %arg7[%dma_start3A, %dma_start3A_10] : memref<160x125xi32, #tpu.memory_space<vmem>> -> memref<1x125xi32, #tpu.memory_space<vmem>>
    %dma_start3A_12 = tpu.memref_squeeze %dma_start3A_11 : memref<1x125xi32, #tpu.memory_space<vmem>> -> memref<125xi32, #tpu.memory_space<vmem>>
    %dma_start3A_13 = arith.constant 0 : i32
    %dma_start3A_14 = tpu.memref_slice %arg2[%mul3A_3, %dma_start3A_13] : memref<20000x64xf32, #tpu.memory_space<hbm>> -> memref<10000x64xf32, #tpu.memory_space<hbm>>
    %dma_start3A_15 = arith.constant 0 : i32
    %dma_start3A_16 = arith.constant 0 : i32
    %dma_start3A_17 = tpu.memref_slice %dma_start3A_14[%dma_start3A_15, %dma_start3A_16] : memref<10000x64xf32, #tpu.memory_space<hbm>> -> memref<10000x64xf32, #tpu.memory_space<hbm>>
    tpu.enqueue_indirect_dma source(%dma_start3A_17 : memref<10000x64xf32, #tpu.memory_space<hbm>>) target(%arg8 : memref<125x64xf32, #tpu.memory_space<vmem>>) offsets(%dma_start3A_12 : memref<125xi32, #tpu.memory_space<vmem>>) semaphore(%arg14 : memref<!tpu.dma_semaphore, #tpu.memory_space<semaphore_mem>>)
    %dma_start3A_18 = arith.constant 1 : i32
    %dma_start3A_19 = arith.constant 0 : i32
    %dma_start3A_20 = tpu.memref_slice %arg7[%dma_start3A_18, %dma_start3A_19] : memref<160x125xi32, #tpu.memory_space<vmem>> -> memref<1x125xi32, #tpu.memory_space<vmem>>
    %dma_start3A_21 = tpu.memref_squeeze %dma_start3A_20 : memref<1x125xi32, #tpu.memory_space<vmem>> -> memref<125xi32, #tpu.memory_space<vmem>>
    %dma_start3A_22 = arith.constant 0 : i32
    %dma_start3A_23 = tpu.memref_slice %arg2[%mul3A_3, %dma_start3A_22] : memref<20000x64xf32, #tpu.memory_space<hbm>> -> memref<10000x64xf32, #tpu.memory_space<hbm>>
    %dma_start3A_24 = arith.constant 0 : i32
    %dma_start3A_25 = arith.constant 0 : i32
    %dma_start3A_26 = tpu.memref_slice %dma_start3A_23[%dma_start3A_24, %dma_start3A_25] : memref<10000x64xf32, #tpu.memory_space<hbm>> -> memref<10000x64xf32, #tpu.memory_space<hbm>>
    tpu.enqueue_indirect_dma source(%dma_start3A_26 : memref<10000x64xf32, #tpu.memory_space<hbm>>) target(%arg9 : memref<125x64xf32, #tpu.memory_space<vmem>>) offsets(%dma_start3A_21 : memref<125xi32, #tpu.memory_space<vmem>>) semaphore(%arg15 : memref<!tpu.dma_semaphore, #tpu.memory_space<semaphore_mem>>)
    %dma_start3A_27 = arith.constant 2 : i32
    %dma_start3A_28 = arith.constant 0 : i32
    %dma_start3A_29 = tpu.memref_slice %arg7[%dma_start3A_27, %dma_start3A_28] : memref<160x125xi32, #tpu.memory_space<vmem>> -> memref<1x125xi32, #tpu.memory_space<vmem>>
    %dma_start3A_30 = tpu.memref_squeeze %dma_start3A_29 : memref<1x125xi32, #tpu.memory_space<vmem>> -> memref<125xi32, #tpu.memory_space<vmem>>
    %dma_start3A_31 = arith.constant 0 : i32
    %dma_start3A_32 = tpu.memref_slice %arg2[%mul3A_3, %dma_start3A_31] : memref<20000x64xf32, #tpu.memory_space<hbm>> -> memref<10000x64xf32, #tpu.memory_space<hbm>>
    %dma_start3A_33 = arith.constant 0 : i32
    %dma_start3A_34 = arith.constant 0 : i32
    %dma_start3A_35 = tpu.memref_slice %dma_start3A_32[%dma_start3A_33, %dma_start3A_34] : memref<10000x64xf32, #tpu.memory_space<hbm>> -> memref<10000x64xf32, #tpu.memory_space<hbm>>
    tpu.enqueue_indirect_dma source(%dma_start3A_35 : memref<10000x64xf32, #tpu.memory_space<hbm>>) target(%arg10 : memref<125x64xf32, #tpu.memory_space<vmem>>) offsets(%dma_start3A_30 : memref<125xi32, #tpu.memory_space<vmem>>) semaphore(%arg16 : memref<!tpu.dma_semaphore, #tpu.memory_space<semaphore_mem>>)
    %dma_start3A_36 = arith.constant 3 : i32
    %dma_start3A_37 = arith.constant 0 : i32
    %dma_start3A_38 = tpu.memref_slice %arg7[%dma_start3A_36, %dma_start3A_37] : memref<160x125xi32, #tpu.memory_space<vmem>> -> memref<1x125xi32, #tpu.memory_space<vmem>>
    %dma_start3A_39 = tpu.memref_squeeze %dma_start3A_38 : memref<1x125xi32, #tpu.memory_space<vmem>> -> memref<125xi32, #tpu.memory_space<vmem>>
    %dma_start3A_40 = arith.constant 0 : i32
    %dma_start3A_41 = tpu.memref_slice %arg2[%mul3A_3, %dma_start3A_40] : memref<20000x64xf32, #tpu.memory_space<hbm>> -> memref<10000x64xf32, #tpu.memory_space<hbm>>
    %dma_start3A_42 = arith.constant 0 : i32
    %dma_start3A_43 = arith.constant 0 : i32
    %dma_start3A_44 = tpu.memref_slice %dma_start3A_41[%dma_start3A_42, %dma_start3A_43] : memref<10000x64xf32, #tpu.memory_space<hbm>> -> memref<10000x64xf32, #tpu.memory_space<hbm>>
    tpu.enqueue_indirect_dma source(%dma_start3A_44 : memref<10000x64xf32, #tpu.memory_space<hbm>>) target(%arg11 : memref<125x64xf32, #tpu.memory_space<vmem>>) offsets(%dma_start3A_39 : memref<125xi32, #tpu.memory_space<vmem>>) semaphore(%arg17 : memref<!tpu.dma_semaphore, #tpu.memory_space<semaphore_mem>>)
    %dma_start3A_45 = arith.constant 4 : i32
    %dma_start3A_46 = arith.constant 0 : i32
    %dma_start3A_47 = tpu.memref_slice %arg7[%dma_start3A_45, %dma_start3A_46] : memref<160x125xi32, #tpu.memory_space<vmem>> -> memref<1x125xi32, #tpu.memory_space<vmem>>
    %dma_start3A_48 = tpu.memref_squeeze %dma_start3A_47 : memref<1x125xi32, #tpu.memory_space<vmem>> -> memref<125xi32, #tpu.memory_space<vmem>>
    %dma_start3A_49 = arith.constant 0 : i32
    %dma_start3A_50 = tpu.memref_slice %arg2[%mul3A_3, %dma_start3A_49] : memref<20000x64xf32, #tpu.memory_space<hbm>> -> memref<10000x64xf32, #tpu.memory_space<hbm>>
    %dma_start3A_51 = arith.constant 0 : i32
    %dma_start3A_52 = arith.constant 0 : i32
    %dma_start3A_53 = tpu.memref_slice %dma_start3A_50[%dma_start3A_51, %dma_start3A_52] : memref<10000x64xf32, #tpu.memory_space<hbm>> -> memref<10000x64xf32, #tpu.memory_space<hbm>>
    tpu.enqueue_indirect_dma source(%dma_start3A_53 : memref<10000x64xf32, #tpu.memory_space<hbm>>) target(%arg12 : memref<125x64xf32, #tpu.memory_space<vmem>>) offsets(%dma_start3A_48 : memref<125xi32, #tpu.memory_space<vmem>>) semaphore(%arg18 : memref<!tpu.dma_semaphore, #tpu.memory_space<semaphore_mem>>)
    %scan3A = arith.constant 0 : i32
    %scan3A_54 = arith.constant 0 : i32
    %scan3A_55 = arith.constant 31 : i32
    %scan3A_56 = arith.addi %scan3A_54, %scan3A_55 : i32
    %scan3A_57 = arith.constant 1 : i32
    scf.for %scan3A_181 = %scan3A_54 to %scan3A_56 step %scan3A_57  : i32 {
      %mul3A_182 = arith.constant 5 : i32
      %mul3A_183 = arith.muli %scan3A_181, %mul3A_182 : i32
      %add3A_184 = arith.constant 0 : i32
      %add3A_185 = arith.addi %mul3A_183, %add3A_184 : i32
      %dma_wait3A_186 = arith.constant 0 : i32
      %dma_wait3A_187 = tpu.memref_slice %arg7[%add3A_185, %dma_wait3A_186] : memref<160x125xi32, #tpu.memory_space<vmem>> -> memref<1x125xi32, #tpu.memory_space<vmem>>
      %dma_wait3A_188 = tpu.memref_squeeze %dma_wait3A_187 : memref<1x125xi32, #tpu.memory_space<vmem>> -> memref<125xi32, #tpu.memory_space<vmem>>
      %dma_wait3A_189 = arith.constant 0 : i32
      %dma_wait3A_190 = tpu.memref_slice %arg2[%mul3A_3, %dma_wait3A_189] : memref<20000x64xf32, #tpu.memory_space<hbm>> -> memref<10000x64xf32, #tpu.memory_space<hbm>>
      %dma_wait3A_191 = arith.constant 0 : i32
      %dma_wait3A_192 = arith.constant 0 : i32
      %dma_wait3A_193 = tpu.memref_slice %dma_wait3A_190[%dma_wait3A_191, %dma_wait3A_192] : memref<10000x64xf32, #tpu.memory_space<hbm>> -> memref<10000x64xf32, #tpu.memory_space<hbm>>
      tpu.wait_indirect_dma semaphore(%arg14 : memref<!tpu.dma_semaphore, #tpu.memory_space<semaphore_mem>>) src(%dma_wait3A_193 : memref<10000x64xf32, #tpu.memory_space<hbm>>) dst(%arg8 : memref<125x64xf32, #tpu.memory_space<vmem>>)
      %add3A_194 = arith.constant 0 : i32
      %add3A_195 = arith.addi %mul3A_183, %add3A_194 : i32
      %dma_start3A_196 = arith.constant 0 : i32
      %dma_start3A_197 = tpu.memref_slice %arg6[%add3A_195, %dma_start3A_196] : memref<160x125xi32, #tpu.memory_space<vmem>> -> memref<1x125xi32, #tpu.memory_space<vmem>>
      %dma_start3A_198 = tpu.memref_squeeze %dma_start3A_197 : memref<1x125xi32, #tpu.memory_space<vmem>> -> memref<125xi32, #tpu.memory_space<vmem>>
      %dma_start3A_199 = arith.constant 0 : i32
      %dma_start3A_200 = arith.constant 0 : i32
      %dma_start3A_201 = tpu.memref_slice %arg13[%dma_start3A_199, %dma_start3A_200] : memref<10112x64xf32, #tpu.memory_space<vmem_shared>> -> memref<10112x64xf32, #tpu.memory_space<vmem_shared>>
      tpu.enqueue_indirect_dma source(%arg8 : memref<125x64xf32, #tpu.memory_space<vmem>>) target(%dma_start3A_201 : memref<10112x64xf32, #tpu.memory_space<vmem_shared>>) offsets(%dma_start3A_198 : memref<125xi32, #tpu.memory_space<vmem>>) semaphore(%arg19 : memref<!tpu.dma_semaphore, #tpu.memory_space<semaphore_mem>>) {add = true}
      %add3A_202 = arith.constant 1 : i32
      %add3A_203 = arith.addi %mul3A_183, %add3A_202 : i32
      %dma_wait3A_204 = arith.constant 0 : i32
      %dma_wait3A_205 = tpu.memref_slice %arg7[%add3A_203, %dma_wait3A_204] : memref<160x125xi32, #tpu.memory_space<vmem>> -> memref<1x125xi32, #tpu.memory_space<vmem>>
      %dma_wait3A_206 = tpu.memref_squeeze %dma_wait3A_205 : memref<1x125xi32, #tpu.memory_space<vmem>> -> memref<125xi32, #tpu.memory_space<vmem>>
      %dma_wait3A_207 = arith.constant 0 : i32
      %dma_wait3A_208 = tpu.memref_slice %arg2[%mul3A_3, %dma_wait3A_207] : memref<20000x64xf32, #tpu.memory_space<hbm>> -> memref<10000x64xf32, #tpu.memory_space<hbm>>
      %dma_wait3A_209 = arith.constant 0 : i32
      %dma_wait3A_210 = arith.constant 0 : i32
      %dma_wait3A_211 = tpu.memref_slice %dma_wait3A_208[%dma_wait3A_209, %dma_wait3A_210] : memref<10000x64xf32, #tpu.memory_space<hbm>> -> memref<10000x64xf32, #tpu.memory_space<hbm>>
      tpu.wait_indirect_dma semaphore(%arg15 : memref<!tpu.dma_semaphore, #tpu.memory_space<semaphore_mem>>) src(%dma_wait3A_211 : memref<10000x64xf32, #tpu.memory_space<hbm>>) dst(%arg9 : memref<125x64xf32, #tpu.memory_space<vmem>>)
      %add3A_212 = arith.constant 1 : i32
      %add3A_213 = arith.addi %mul3A_183, %add3A_212 : i32
      %dma_start3A_214 = arith.constant 0 : i32
      %dma_start3A_215 = tpu.memref_slice %arg6[%add3A_213, %dma_start3A_214] : memref<160x125xi32, #tpu.memory_space<vmem>> -> memref<1x125xi32, #tpu.memory_space<vmem>>
      %dma_start3A_216 = tpu.memref_squeeze %dma_start3A_215 : memref<1x125xi32, #tpu.memory_space<vmem>> -> memref<125xi32, #tpu.memory_space<vmem>>
      %dma_start3A_217 = arith.constant 0 : i32
      %dma_start3A_218 = arith.constant 0 : i32
      %dma_start3A_219 = tpu.memref_slice %arg13[%dma_start3A_217, %dma_start3A_218] : memref<10112x64xf32, #tpu.memory_space<vmem_shared>> -> memref<10112x64xf32, #tpu.memory_space<vmem_shared>>
      tpu.enqueue_indirect_dma source(%arg9 : memref<125x64xf32, #tpu.memory_space<vmem>>) target(%dma_start3A_219 : memref<10112x64xf32, #tpu.memory_space<vmem_shared>>) offsets(%dma_start3A_216 : memref<125xi32, #tpu.memory_space<vmem>>) semaphore(%arg20 : memref<!tpu.dma_semaphore, #tpu.memory_space<semaphore_mem>>) {add = true}
      %add3A_220 = arith.constant 2 : i32
      %add3A_221 = arith.addi %mul3A_183, %add3A_220 : i32
      %dma_wait3A_222 = arith.constant 0 : i32
      %dma_wait3A_223 = tpu.memref_slice %arg7[%add3A_221, %dma_wait3A_222] : memref<160x125xi32, #tpu.memory_space<vmem>> -> memref<1x125xi32, #tpu.memory_space<vmem>>
      %dma_wait3A_224 = tpu.memref_squeeze %dma_wait3A_223 : memref<1x125xi32, #tpu.memory_space<vmem>> -> memref<125xi32, #tpu.memory_space<vmem>>
      %dma_wait3A_225 = arith.constant 0 : i32
      %dma_wait3A_226 = tpu.memref_slice %arg2[%mul3A_3, %dma_wait3A_225] : memref<20000x64xf32, #tpu.memory_space<hbm>> -> memref<10000x64xf32, #tpu.memory_space<hbm>>
      %dma_wait3A_227 = arith.constant 0 : i32
      %dma_wait3A_228 = arith.constant 0 : i32
      %dma_wait3A_229 = tpu.memref_slice %dma_wait3A_226[%dma_wait3A_227, %dma_wait3A_228] : memref<10000x64xf32, #tpu.memory_space<hbm>> -> memref<10000x64xf32, #tpu.memory_space<hbm>>
      tpu.wait_indirect_dma semaphore(%arg16 : memref<!tpu.dma_semaphore, #tpu.memory_space<semaphore_mem>>) src(%dma_wait3A_229 : memref<10000x64xf32, #tpu.memory_space<hbm>>) dst(%arg10 : memref<125x64xf32, #tpu.memory_space<vmem>>)
      %add3A_230 = arith.constant 2 : i32
      %add3A_231 = arith.addi %mul3A_183, %add3A_230 : i32
      %dma_start3A_232 = arith.constant 0 : i32
      %dma_start3A_233 = tpu.memref_slice %arg6[%add3A_231, %dma_start3A_232] : memref<160x125xi32, #tpu.memory_space<vmem>> -> memref<1x125xi32, #tpu.memory_space<vmem>>
      %dma_start3A_234 = tpu.memref_squeeze %dma_start3A_233 : memref<1x125xi32, #tpu.memory_space<vmem>> -> memref<125xi32, #tpu.memory_space<vmem>>
      %dma_start3A_235 = arith.constant 0 : i32
      %dma_start3A_236 = arith.constant 0 : i32
      %dma_start3A_237 = tpu.memref_slice %arg13[%dma_start3A_235, %dma_start3A_236] : memref<10112x64xf32, #tpu.memory_space<vmem_shared>> -> memref<10112x64xf32, #tpu.memory_space<vmem_shared>>
      tpu.enqueue_indirect_dma source(%arg10 : memref<125x64xf32, #tpu.memory_space<vmem>>) target(%dma_start3A_237 : memref<10112x64xf32, #tpu.memory_space<vmem_shared>>) offsets(%dma_start3A_234 : memref<125xi32, #tpu.memory_space<vmem>>) semaphore(%arg21 : memref<!tpu.dma_semaphore, #tpu.memory_space<semaphore_mem>>) {add = true}
      %add3A_238 = arith.constant 3 : i32
      %add3A_239 = arith.addi %mul3A_183, %add3A_238 : i32
      %dma_wait3A_240 = arith.constant 0 : i32
      %dma_wait3A_241 = tpu.memref_slice %arg7[%add3A_239, %dma_wait3A_240] : memref<160x125xi32, #tpu.memory_space<vmem>> -> memref<1x125xi32, #tpu.memory_space<vmem>>
      %dma_wait3A_242 = tpu.memref_squeeze %dma_wait3A_241 : memref<1x125xi32, #tpu.memory_space<vmem>> -> memref<125xi32, #tpu.memory_space<vmem>>
      %dma_wait3A_243 = arith.constant 0 : i32
      %dma_wait3A_244 = tpu.memref_slice %arg2[%mul3A_3, %dma_wait3A_243] : memref<20000x64xf32, #tpu.memory_space<hbm>> -> memref<10000x64xf32, #tpu.memory_space<hbm>>
      %dma_wait3A_245 = arith.constant 0 : i32
      %dma_wait3A_246 = arith.constant 0 : i32
      %dma_wait3A_247 = tpu.memref_slice %dma_wait3A_244[%dma_wait3A_245, %dma_wait3A_246] : memref<10000x64xf32, #tpu.memory_space<hbm>> -> memref<10000x64xf32, #tpu.memory_space<hbm>>
      tpu.wait_indirect_dma semaphore(%arg17 : memref<!tpu.dma_semaphore, #tpu.memory_space<semaphore_mem>>) src(%dma_wait3A_247 : memref<10000x64xf32, #tpu.memory_space<hbm>>) dst(%arg11 : memref<125x64xf32, #tpu.memory_space<vmem>>)
      %add3A_248 = arith.constant 3 : i32
      %add3A_249 = arith.addi %mul3A_183, %add3A_248 : i32
      %dma_start3A_250 = arith.constant 0 : i32
      %dma_start3A_251 = tpu.memref_slice %arg6[%add3A_249, %dma_start3A_250] : memref<160x125xi32, #tpu.memory_space<vmem>> -> memref<1x125xi32, #tpu.memory_space<vmem>>
      %dma_start3A_252 = tpu.memref_squeeze %dma_start3A_251 : memref<1x125xi32, #tpu.memory_space<vmem>> -> memref<125xi32, #tpu.memory_space<vmem>>
      %dma_start3A_253 = arith.constant 0 : i32
      %dma_start3A_254 = arith.constant 0 : i32
      %dma_start3A_255 = tpu.memref_slice %arg13[%dma_start3A_253, %dma_start3A_254] : memref<10112x64xf32, #tpu.memory_space<vmem_shared>> -> memref<10112x64xf32, #tpu.memory_space<vmem_shared>>
      tpu.enqueue_indirect_dma source(%arg11 : memref<125x64xf32, #tpu.memory_space<vmem>>) target(%dma_start3A_255 : memref<10112x64xf32, #tpu.memory_space<vmem_shared>>) offsets(%dma_start3A_252 : memref<125xi32, #tpu.memory_space<vmem>>) semaphore(%arg22 : memref<!tpu.dma_semaphore, #tpu.memory_space<semaphore_mem>>) {add = true}
      %add3A_256 = arith.constant 4 : i32
      %add3A_257 = arith.addi %mul3A_183, %add3A_256 : i32
      %dma_wait3A_258 = arith.constant 0 : i32
      %dma_wait3A_259 = tpu.memref_slice %arg7[%add3A_257, %dma_wait3A_258] : memref<160x125xi32, #tpu.memory_space<vmem>> -> memref<1x125xi32, #tpu.memory_space<vmem>>
      %dma_wait3A_260 = tpu.memref_squeeze %dma_wait3A_259 : memref<1x125xi32, #tpu.memory_space<vmem>> -> memref<125xi32, #tpu.memory_space<vmem>>
      %dma_wait3A_261 = arith.constant 0 : i32
      %dma_wait3A_262 = tpu.memref_slice %arg2[%mul3A_3, %dma_wait3A_261] : memref<20000x64xf32, #tpu.memory_space<hbm>> -> memref<10000x64xf32, #tpu.memory_space<hbm>>
      %dma_wait3A_263 = arith.constant 0 : i32
      %dma_wait3A_264 = arith.constant 0 : i32
      %dma_wait3A_265 = tpu.memref_slice %dma_wait3A_262[%dma_wait3A_263, %dma_wait3A_264] : memref<10000x64xf32, #tpu.memory_space<hbm>> -> memref<10000x64xf32, #tpu.memory_space<hbm>>
      tpu.wait_indirect_dma semaphore(%arg18 : memref<!tpu.dma_semaphore, #tpu.memory_space<semaphore_mem>>) src(%dma_wait3A_265 : memref<10000x64xf32, #tpu.memory_space<hbm>>) dst(%arg12 : memref<125x64xf32, #tpu.memory_space<vmem>>)
      %add3A_266 = arith.constant 4 : i32
      %add3A_267 = arith.addi %mul3A_183, %add3A_266 : i32
      %dma_start3A_268 = arith.constant 0 : i32
      %dma_start3A_269 = tpu.memref_slice %arg6[%add3A_267, %dma_start3A_268] : memref<160x125xi32, #tpu.memory_space<vmem>> -> memref<1x125xi32, #tpu.memory_space<vmem>>
      %dma_start3A_270 = tpu.memref_squeeze %dma_start3A_269 : memref<1x125xi32, #tpu.memory_space<vmem>> -> memref<125xi32, #tpu.memory_space<vmem>>
      %dma_start3A_271 = arith.constant 0 : i32
      %dma_start3A_272 = arith.constant 0 : i32
      %dma_start3A_273 = tpu.memref_slice %arg13[%dma_start3A_271, %dma_start3A_272] : memref<10112x64xf32, #tpu.memory_space<vmem_shared>> -> memref<10112x64xf32, #tpu.memory_space<vmem_shared>>
      tpu.enqueue_indirect_dma source(%arg12 : memref<125x64xf32, #tpu.memory_space<vmem>>) target(%dma_start3A_273 : memref<10112x64xf32, #tpu.memory_space<vmem_shared>>) offsets(%dma_start3A_270 : memref<125xi32, #tpu.memory_space<vmem>>) semaphore(%arg23 : memref<!tpu.dma_semaphore, #tpu.memory_space<semaphore_mem>>) {add = true}
      %add3A_274 = arith.constant 0 : i32
      %add3A_275 = arith.addi %mul3A_183, %add3A_274 : i32
      %dma_wait3A_276 = arith.constant 0 : i32
      %dma_wait3A_277 = tpu.memref_slice %arg6[%add3A_275, %dma_wait3A_276] : memref<160x125xi32, #tpu.memory_space<vmem>> -> memref<1x125xi32, #tpu.memory_space<vmem>>
      %dma_wait3A_278 = tpu.memref_squeeze %dma_wait3A_277 : memref<1x125xi32, #tpu.memory_space<vmem>> -> memref<125xi32, #tpu.memory_space<vmem>>
      %dma_wait3A_279 = arith.constant 0 : i32
      %dma_wait3A_280 = arith.constant 0 : i32
      %dma_wait3A_281 = tpu.memref_slice %arg13[%dma_wait3A_279, %dma_wait3A_280] : memref<10112x64xf32, #tpu.memory_space<vmem_shared>> -> memref<10112x64xf32, #tpu.memory_space<vmem_shared>>
      tpu.wait_indirect_dma semaphore(%arg19 : memref<!tpu.dma_semaphore, #tpu.memory_space<semaphore_mem>>) src(%arg8 : memref<125x64xf32, #tpu.memory_space<vmem>>) dst(%dma_wait3A_281 : memref<10112x64xf32, #tpu.memory_space<vmem_shared>>)
      %add3A_282 = arith.constant 5 : i32
      %add3A_283 = arith.addi %mul3A_183, %add3A_282 : i32
      %add3A_284 = arith.constant 0 : i32
      %add3A_285 = arith.addi %add3A_283, %add3A_284 : i32
      %dma_start3A_286 = arith.constant 0 : i32
      %dma_start3A_287 = tpu.memref_slice %arg7[%add3A_285, %dma_start3A_286] : memref<160x125xi32, #tpu.memory_space<vmem>> -> memref<1x125xi32, #tpu.memory_space<vmem>>
      %dma_start3A_288 = tpu.memref_squeeze %dma_start3A_287 : memref<1x125xi32, #tpu.memory_space<vmem>> -> memref<125xi32, #tpu.memory_space<vmem>>
      %dma_start3A_289 = arith.constant 0 : i32
      %dma_start3A_290 = tpu.memref_slice %arg2[%mul3A_3, %dma_start3A_289] : memref<20000x64xf32, #tpu.memory_space<hbm>> -> memref<10000x64xf32, #tpu.memory_space<hbm>>
      %dma_start3A_291 = arith.constant 0 : i32
      %dma_start3A_292 = arith.constant 0 : i32
      %dma_start3A_293 = tpu.memref_slice %dma_start3A_290[%dma_start3A_291, %dma_start3A_292] : memref<10000x64xf32, #tpu.memory_space<hbm>> -> memref<10000x64xf32, #tpu.memory_space<hbm>>
      tpu.enqueue_indirect_dma source(%dma_start3A_293 : memref<10000x64xf32, #tpu.memory_space<hbm>>) target(%arg8 : memref<125x64xf32, #tpu.memory_space<vmem>>) offsets(%dma_start3A_288 : memref<125xi32, #tpu.memory_space<vmem>>) semaphore(%arg14 : memref<!tpu.dma_semaphore, #tpu.memory_space<semaphore_mem>>)
      %add3A_294 = arith.constant 1 : i32
      %add3A_295 = arith.addi %mul3A_183, %add3A_294 : i32
      %dma_wait3A_296 = arith.constant 0 : i32
      %dma_wait3A_297 = tpu.memref_slice %arg6[%add3A_295, %dma_wait3A_296] : memref<160x125xi32, #tpu.memory_space<vmem>> -> memref<1x125xi32, #tpu.memory_space<vmem>>
      %dma_wait3A_298 = tpu.memref_squeeze %dma_wait3A_297 : memref<1x125xi32, #tpu.memory_space<vmem>> -> memref<125xi32, #tpu.memory_space<vmem>>
      %dma_wait3A_299 = arith.constant 0 : i32
      %dma_wait3A_300 = arith.constant 0 : i32
      %dma_wait3A_301 = tpu.memref_slice %arg13[%dma_wait3A_299, %dma_wait3A_300] : memref<10112x64xf32, #tpu.memory_space<vmem_shared>> -> memref<10112x64xf32, #tpu.memory_space<vmem_shared>>
      tpu.wait_indirect_dma semaphore(%arg20 : memref<!tpu.dma_semaphore, #tpu.memory_space<semaphore_mem>>) src(%arg9 : memref<125x64xf32, #tpu.memory_space<vmem>>) dst(%dma_wait3A_301 : memref<10112x64xf32, #tpu.memory_space<vmem_shared>>)
      %add3A_302 = arith.constant 5 : i32
      %add3A_303 = arith.addi %mul3A_183, %add3A_302 : i32
      %add3A_304 = arith.constant 1 : i32
      %add3A_305 = arith.addi %add3A_303, %add3A_304 : i32
      %dma_start3A_306 = arith.constant 0 : i32
      %dma_start3A_307 = tpu.memref_slice %arg7[%add3A_305, %dma_start3A_306] : memref<160x125xi32, #tpu.memory_space<vmem>> -> memref<1x125xi32, #tpu.memory_space<vmem>>
      %dma_start3A_308 = tpu.memref_squeeze %dma_start3A_307 : memref<1x125xi32, #tpu.memory_space<vmem>> -> memref<125xi32, #tpu.memory_space<vmem>>
      %dma_start3A_309 = arith.constant 0 : i32
      %dma_start3A_310 = tpu.memref_slice %arg2[%mul3A_3, %dma_start3A_309] : memref<20000x64xf32, #tpu.memory_space<hbm>> -> memref<10000x64xf32, #tpu.memory_space<hbm>>
      %dma_start3A_311 = arith.constant 0 : i32
      %dma_start3A_312 = arith.constant 0 : i32
      %dma_start3A_313 = tpu.memref_slice %dma_start3A_310[%dma_start3A_311, %dma_start3A_312] : memref<10000x64xf32, #tpu.memory_space<hbm>> -> memref<10000x64xf32, #tpu.memory_space<hbm>>
      tpu.enqueue_indirect_dma source(%dma_start3A_313 : memref<10000x64xf32, #tpu.memory_space<hbm>>) target(%arg9 : memref<125x64xf32, #tpu.memory_space<vmem>>) offsets(%dma_start3A_308 : memref<125xi32, #tpu.memory_space<vmem>>) semaphore(%arg15 : memref<!tpu.dma_semaphore, #tpu.memory_space<semaphore_mem>>)
      %add3A_314 = arith.constant 2 : i32
      %add3A_315 = arith.addi %mul3A_183, %add3A_314 : i32
      %dma_wait3A_316 = arith.constant 0 : i32
      %dma_wait3A_317 = tpu.memref_slice %arg6[%add3A_315, %dma_wait3A_316] : memref<160x125xi32, #tpu.memory_space<vmem>> -> memref<1x125xi32, #tpu.memory_space<vmem>>
      %dma_wait3A_318 = tpu.memref_squeeze %dma_wait3A_317 : memref<1x125xi32, #tpu.memory_space<vmem>> -> memref<125xi32, #tpu.memory_space<vmem>>
      %dma_wait3A_319 = arith.constant 0 : i32
      %dma_wait3A_320 = arith.constant 0 : i32
      %dma_wait3A_321 = tpu.memref_slice %arg13[%dma_wait3A_319, %dma_wait3A_320] : memref<10112x64xf32, #tpu.memory_space<vmem_shared>> -> memref<10112x64xf32, #tpu.memory_space<vmem_shared>>
      tpu.wait_indirect_dma semaphore(%arg21 : memref<!tpu.dma_semaphore, #tpu.memory_space<semaphore_mem>>) src(%arg10 : memref<125x64xf32, #tpu.memory_space<vmem>>) dst(%dma_wait3A_321 : memref<10112x64xf32, #tpu.memory_space<vmem_shared>>)
      %add3A_322 = arith.constant 5 : i32
      %add3A_323 = arith.addi %mul3A_183, %add3A_322 : i32
      %add3A_324 = arith.constant 2 : i32
      %add3A_325 = arith.addi %add3A_323, %add3A_324 : i32
      %dma_start3A_326 = arith.constant 0 : i32
      %dma_start3A_327 = tpu.memref_slice %arg7[%add3A_325, %dma_start3A_326] : memref<160x125xi32, #tpu.memory_space<vmem>> -> memref<1x125xi32, #tpu.memory_space<vmem>>
      %dma_start3A_328 = tpu.memref_squeeze %dma_start3A_327 : memref<1x125xi32, #tpu.memory_space<vmem>> -> memref<125xi32, #tpu.memory_space<vmem>>
      %dma_start3A_329 = arith.constant 0 : i32
      %dma_start3A_330 = tpu.memref_slice %arg2[%mul3A_3, %dma_start3A_329] : memref<20000x64xf32, #tpu.memory_space<hbm>> -> memref<10000x64xf32, #tpu.memory_space<hbm>>
      %dma_start3A_331 = arith.constant 0 : i32
      %dma_start3A_332 = arith.constant 0 : i32
      %dma_start3A_333 = tpu.memref_slice %dma_start3A_330[%dma_start3A_331, %dma_start3A_332] : memref<10000x64xf32, #tpu.memory_space<hbm>> -> memref<10000x64xf32, #tpu.memory_space<hbm>>
      tpu.enqueue_indirect_dma source(%dma_start3A_333 : memref<10000x64xf32, #tpu.memory_space<hbm>>) target(%arg10 : memref<125x64xf32, #tpu.memory_space<vmem>>) offsets(%dma_start3A_328 : memref<125xi32, #tpu.memory_space<vmem>>) semaphore(%arg16 : memref<!tpu.dma_semaphore, #tpu.memory_space<semaphore_mem>>)
      %add3A_334 = arith.constant 3 : i32
      %add3A_335 = arith.addi %mul3A_183, %add3A_334 : i32
      %dma_wait3A_336 = arith.constant 0 : i32
      %dma_wait3A_337 = tpu.memref_slice %arg6[%add3A_335, %dma_wait3A_336] : memref<160x125xi32, #tpu.memory_space<vmem>> -> memref<1x125xi32, #tpu.memory_space<vmem>>
      %dma_wait3A_338 = tpu.memref_squeeze %dma_wait3A_337 : memref<1x125xi32, #tpu.memory_space<vmem>> -> memref<125xi32, #tpu.memory_space<vmem>>
      %dma_wait3A_339 = arith.constant 0 : i32
      %dma_wait3A_340 = arith.constant 0 : i32
      %dma_wait3A_341 = tpu.memref_slice %arg13[%dma_wait3A_339, %dma_wait3A_340] : memref<10112x64xf32, #tpu.memory_space<vmem_shared>> -> memref<10112x64xf32, #tpu.memory_space<vmem_shared>>
      tpu.wait_indirect_dma semaphore(%arg22 : memref<!tpu.dma_semaphore, #tpu.memory_space<semaphore_mem>>) src(%arg11 : memref<125x64xf32, #tpu.memory_space<vmem>>) dst(%dma_wait3A_341 : memref<10112x64xf32, #tpu.memory_space<vmem_shared>>)
      %add3A_342 = arith.constant 5 : i32
      %add3A_343 = arith.addi %mul3A_183, %add3A_342 : i32
      %add3A_344 = arith.constant 3 : i32
      %add3A_345 = arith.addi %add3A_343, %add3A_344 : i32
      %dma_start3A_346 = arith.constant 0 : i32
      %dma_start3A_347 = tpu.memref_slice %arg7[%add3A_345, %dma_start3A_346] : memref<160x125xi32, #tpu.memory_space<vmem>> -> memref<1x125xi32, #tpu.memory_space<vmem>>
      %dma_start3A_348 = tpu.memref_squeeze %dma_start3A_347 : memref<1x125xi32, #tpu.memory_space<vmem>> -> memref<125xi32, #tpu.memory_space<vmem>>
      %dma_start3A_349 = arith.constant 0 : i32
      %dma_start3A_350 = tpu.memref_slice %arg2[%mul3A_3, %dma_start3A_349] : memref<20000x64xf32, #tpu.memory_space<hbm>> -> memref<10000x64xf32, #tpu.memory_space<hbm>>
      %dma_start3A_351 = arith.constant 0 : i32
      %dma_start3A_352 = arith.constant 0 : i32
      %dma_start3A_353 = tpu.memref_slice %dma_start3A_350[%dma_start3A_351, %dma_start3A_352] : memref<10000x64xf32, #tpu.memory_space<hbm>> -> memref<10000x64xf32, #tpu.memory_space<hbm>>
      tpu.enqueue_indirect_dma source(%dma_start3A_353 : memref<10000x64xf32, #tpu.memory_space<hbm>>) target(%arg11 : memref<125x64xf32, #tpu.memory_space<vmem>>) offsets(%dma_start3A_348 : memref<125xi32, #tpu.memory_space<vmem>>) semaphore(%arg17 : memref<!tpu.dma_semaphore, #tpu.memory_space<semaphore_mem>>)
      %add3A_354 = arith.constant 4 : i32
      %add3A_355 = arith.addi %mul3A_183, %add3A_354 : i32
      %dma_wait3A_356 = arith.constant 0 : i32
      %dma_wait3A_357 = tpu.memref_slice %arg6[%add3A_355, %dma_wait3A_356] : memref<160x125xi32, #tpu.memory_space<vmem>> -> memref<1x125xi32, #tpu.memory_space<vmem>>
      %dma_wait3A_358 = tpu.memref_squeeze %dma_wait3A_357 : memref<1x125xi32, #tpu.memory_space<vmem>> -> memref<125xi32, #tpu.memory_space<vmem>>
      %dma_wait3A_359 = arith.constant 0 : i32
      %dma_wait3A_360 = arith.constant 0 : i32
      %dma_wait3A_361 = tpu.memref_slice %arg13[%dma_wait3A_359, %dma_wait3A_360] : memref<10112x64xf32, #tpu.memory_space<vmem_shared>> -> memref<10112x64xf32, #tpu.memory_space<vmem_shared>>
      tpu.wait_indirect_dma semaphore(%arg23 : memref<!tpu.dma_semaphore, #tpu.memory_space<semaphore_mem>>) src(%arg12 : memref<125x64xf32, #tpu.memory_space<vmem>>) dst(%dma_wait3A_361 : memref<10112x64xf32, #tpu.memory_space<vmem_shared>>)
      %add3A_362 = arith.constant 5 : i32
      %add3A_363 = arith.addi %mul3A_183, %add3A_362 : i32
      %add3A_364 = arith.constant 4 : i32
      %add3A_365 = arith.addi %add3A_363, %add3A_364 : i32
      %dma_start3A_366 = arith.constant 0 : i32
      %dma_start3A_367 = tpu.memref_slice %arg7[%add3A_365, %dma_start3A_366] : memref<160x125xi32, #tpu.memory_space<vmem>> -> memref<1x125xi32, #tpu.memory_space<vmem>>
      %dma_start3A_368 = tpu.memref_squeeze %dma_start3A_367 : memref<1x125xi32, #tpu.memory_space<vmem>> -> memref<125xi32, #tpu.memory_space<vmem>>
      %dma_start3A_369 = arith.constant 0 : i32
      %dma_start3A_370 = tpu.memref_slice %arg2[%mul3A_3, %dma_start3A_369] : memref<20000x64xf32, #tpu.memory_space<hbm>> -> memref<10000x64xf32, #tpu.memory_space<hbm>>
      %dma_start3A_371 = arith.constant 0 : i32
      %dma_start3A_372 = arith.constant 0 : i32
      %dma_start3A_373 = tpu.memref_slice %dma_start3A_370[%dma_start3A_371, %dma_start3A_372] : memref<10000x64xf32, #tpu.memory_space<hbm>> -> memref<10000x64xf32, #tpu.memory_space<hbm>>
      tpu.enqueue_indirect_dma source(%dma_start3A_373 : memref<10000x64xf32, #tpu.memory_space<hbm>>) target(%arg12 : memref<125x64xf32, #tpu.memory_space<vmem>>) offsets(%dma_start3A_368 : memref<125xi32, #tpu.memory_space<vmem>>) semaphore(%arg18 : memref<!tpu.dma_semaphore, #tpu.memory_space<semaphore_mem>>)
    }
    %scan3A_58 = arith.constant 31 : i32
    %dma_wait3A = arith.constant 155 : i32
    %dma_wait3A_59 = arith.constant 0 : i32
    %dma_wait3A_60 = tpu.memref_slice %arg7[%dma_wait3A, %dma_wait3A_59] : memref<160x125xi32, #tpu.memory_space<vmem>> -> memref<1x125xi32, #tpu.memory_space<vmem>>
    %dma_wait3A_61 = tpu.memref_squeeze %dma_wait3A_60 : memref<1x125xi32, #tpu.memory_space<vmem>> -> memref<125xi32, #tpu.memory_space<vmem>>
    %dma_wait3A_62 = arith.constant 0 : i32
    %dma_wait3A_63 = tpu.memref_slice %arg2[%mul3A_3, %dma_wait3A_62] : memref<20000x64xf32, #tpu.memory_space<hbm>> -> memref<10000x64xf32, #tpu.memory_space<hbm>>
    %dma_wait3A_64 = arith.constant 0 : i32
    %dma_wait3A_65 = arith.constant 0 : i32
    %dma_wait3A_66 = tpu.memref_slice %dma_wait3A_63[%dma_wait3A_64, %dma_wait3A_65] : memref<10000x64xf32, #tpu.memory_space<hbm>> -> memref<10000x64xf32, #tpu.memory_space<hbm>>
    tpu.wait_indirect_dma semaphore(%arg14 : memref<!tpu.dma_semaphore, #tpu.memory_space<semaphore_mem>>) src(%dma_wait3A_66 : memref<10000x64xf32, #tpu.memory_space<hbm>>) dst(%arg8 : memref<125x64xf32, #tpu.memory_space<vmem>>)
    %dma_start3A_67 = arith.constant 155 : i32
    %dma_start3A_68 = arith.constant 0 : i32
    %dma_start3A_69 = tpu.memref_slice %arg6[%dma_start3A_67, %dma_start3A_68] : memref<160x125xi32, #tpu.memory_space<vmem>> -> memref<1x125xi32, #tpu.memory_space<vmem>>
    %dma_start3A_70 = tpu.memref_squeeze %dma_start3A_69 : memref<1x125xi32, #tpu.memory_space<vmem>> -> memref<125xi32, #tpu.memory_space<vmem>>
    %dma_start3A_71 = arith.constant 0 : i32
    %dma_start3A_72 = arith.constant 0 : i32
    %dma_start3A_73 = tpu.memref_slice %arg13[%dma_start3A_71, %dma_start3A_72] : memref<10112x64xf32, #tpu.memory_space<vmem_shared>> -> memref<10112x64xf32, #tpu.memory_space<vmem_shared>>
    tpu.enqueue_indirect_dma source(%arg8 : memref<125x64xf32, #tpu.memory_space<vmem>>) target(%dma_start3A_73 : memref<10112x64xf32, #tpu.memory_space<vmem_shared>>) offsets(%dma_start3A_70 : memref<125xi32, #tpu.memory_space<vmem>>) semaphore(%arg19 : memref<!tpu.dma_semaphore, #tpu.memory_space<semaphore_mem>>) {add = true}
    %dma_wait3A_74 = arith.constant 156 : i32
    %dma_wait3A_75 = arith.constant 0 : i32
    %dma_wait3A_76 = tpu.memref_slice %arg7[%dma_wait3A_74, %dma_wait3A_75] : memref<160x125xi32, #tpu.memory_space<vmem>> -> memref<1x125xi32, #tpu.memory_space<vmem>>
    %dma_wait3A_77 = tpu.memref_squeeze %dma_wait3A_76 : memref<1x125xi32, #tpu.memory_space<vmem>> -> memref<125xi32, #tpu.memory_space<vmem>>
    %dma_wait3A_78 = arith.constant 0 : i32
    %dma_wait3A_79 = tpu.memref_slice %arg2[%mul3A_3, %dma_wait3A_78] : memref<20000x64xf32, #tpu.memory_space<hbm>> -> memref<10000x64xf32, #tpu.memory_space<hbm>>
    %dma_wait3A_80 = arith.constant 0 : i32
    %dma_wait3A_81 = arith.constant 0 : i32
    %dma_wait3A_82 = tpu.memref_slice %dma_wait3A_79[%dma_wait3A_80, %dma_wait3A_81] : memref<10000x64xf32, #tpu.memory_space<hbm>> -> memref<10000x64xf32, #tpu.memory_space<hbm>>
    tpu.wait_indirect_dma semaphore(%arg15 : memref<!tpu.dma_semaphore, #tpu.memory_space<semaphore_mem>>) src(%dma_wait3A_82 : memref<10000x64xf32, #tpu.memory_space<hbm>>) dst(%arg9 : memref<125x64xf32, #tpu.memory_space<vmem>>)
    %dma_start3A_83 = arith.constant 156 : i32
    %dma_start3A_84 = arith.constant 0 : i32
    %dma_start3A_85 = tpu.memref_slice %arg6[%dma_start3A_83, %dma_start3A_84] : memref<160x125xi32, #tpu.memory_space<vmem>> -> memref<1x125xi32, #tpu.memory_space<vmem>>
    %dma_start3A_86 = tpu.memref_squeeze %dma_start3A_85 : memref<1x125xi32, #tpu.memory_space<vmem>> -> memref<125xi32, #tpu.memory_space<vmem>>
    %dma_start3A_87 = arith.constant 0 : i32
    %dma_start3A_88 = arith.constant 0 : i32
    %dma_start3A_89 = tpu.memref_slice %arg13[%dma_start3A_87, %dma_start3A_88] : memref<10112x64xf32, #tpu.memory_space<vmem_shared>> -> memref<10112x64xf32, #tpu.memory_space<vmem_shared>>
    tpu.enqueue_indirect_dma source(%arg9 : memref<125x64xf32, #tpu.memory_space<vmem>>) target(%dma_start3A_89 : memref<10112x64xf32, #tpu.memory_space<vmem_shared>>) offsets(%dma_start3A_86 : memref<125xi32, #tpu.memory_space<vmem>>) semaphore(%arg20 : memref<!tpu.dma_semaphore, #tpu.memory_space<semaphore_mem>>) {add = true}
    %dma_wait3A_90 = arith.constant 157 : i32
    %dma_wait3A_91 = arith.constant 0 : i32
    %dma_wait3A_92 = tpu.memref_slice %arg7[%dma_wait3A_90, %dma_wait3A_91] : memref<160x125xi32, #tpu.memory_space<vmem>> -> memref<1x125xi32, #tpu.memory_space<vmem>>
    %dma_wait3A_93 = tpu.memref_squeeze %dma_wait3A_92 : memref<1x125xi32, #tpu.memory_space<vmem>> -> memref<125xi32, #tpu.memory_space<vmem>>
    %dma_wait3A_94 = arith.constant 0 : i32
    %dma_wait3A_95 = tpu.memref_slice %arg2[%mul3A_3, %dma_wait3A_94] : memref<20000x64xf32, #tpu.memory_space<hbm>> -> memref<10000x64xf32, #tpu.memory_space<hbm>>
    %dma_wait3A_96 = arith.constant 0 : i32
    %dma_wait3A_97 = arith.constant 0 : i32
    %dma_wait3A_98 = tpu.memref_slice %dma_wait3A_95[%dma_wait3A_96, %dma_wait3A_97] : memref<10000x64xf32, #tpu.memory_space<hbm>> -> memref<10000x64xf32, #tpu.memory_space<hbm>>
    tpu.wait_indirect_dma semaphore(%arg16 : memref<!tpu.dma_semaphore, #tpu.memory_space<semaphore_mem>>) src(%dma_wait3A_98 : memref<10000x64xf32, #tpu.memory_space<hbm>>) dst(%arg10 : memref<125x64xf32, #tpu.memory_space<vmem>>)
    %dma_start3A_99 = arith.constant 157 : i32
    %dma_start3A_100 = arith.constant 0 : i32
    %dma_start3A_101 = tpu.memref_slice %arg6[%dma_start3A_99, %dma_start3A_100] : memref<160x125xi32, #tpu.memory_space<vmem>> -> memref<1x125xi32, #tpu.memory_space<vmem>>
    %dma_start3A_102 = tpu.memref_squeeze %dma_start3A_101 : memref<1x125xi32, #tpu.memory_space<vmem>> -> memref<125xi32, #tpu.memory_space<vmem>>
    %dma_start3A_103 = arith.constant 0 : i32
    %dma_start3A_104 = arith.constant 0 : i32
    %dma_start3A_105 = tpu.memref_slice %arg13[%dma_start3A_103, %dma_start3A_104] : memref<10112x64xf32, #tpu.memory_space<vmem_shared>> -> memref<10112x64xf32, #tpu.memory_space<vmem_shared>>
    tpu.enqueue_indirect_dma source(%arg10 : memref<125x64xf32, #tpu.memory_space<vmem>>) target(%dma_start3A_105 : memref<10112x64xf32, #tpu.memory_space<vmem_shared>>) offsets(%dma_start3A_102 : memref<125xi32, #tpu.memory_space<vmem>>) semaphore(%arg21 : memref<!tpu.dma_semaphore, #tpu.memory_space<semaphore_mem>>) {add = true}
    %dma_wait3A_106 = arith.constant 158 : i32
    %dma_wait3A_107 = arith.constant 0 : i32
    %dma_wait3A_108 = tpu.memref_slice %arg7[%dma_wait3A_106, %dma_wait3A_107] : memref<160x125xi32, #tpu.memory_space<vmem>> -> memref<1x125xi32, #tpu.memory_space<vmem>>
    %dma_wait3A_109 = tpu.memref_squeeze %dma_wait3A_108 : memref<1x125xi32, #tpu.memory_space<vmem>> -> memref<125xi32, #tpu.memory_space<vmem>>
    %dma_wait3A_110 = arith.constant 0 : i32
    %dma_wait3A_111 = tpu.memref_slice %arg2[%mul3A_3, %dma_wait3A_110] : memref<20000x64xf32, #tpu.memory_space<hbm>> -> memref<10000x64xf32, #tpu.memory_space<hbm>>
    %dma_wait3A_112 = arith.constant 0 : i32
    %dma_wait3A_113 = arith.constant 0 : i32
    %dma_wait3A_114 = tpu.memref_slice %dma_wait3A_111[%dma_wait3A_112, %dma_wait3A_113] : memref<10000x64xf32, #tpu.memory_space<hbm>> -> memref<10000x64xf32, #tpu.memory_space<hbm>>
    tpu.wait_indirect_dma semaphore(%arg17 : memref<!tpu.dma_semaphore, #tpu.memory_space<semaphore_mem>>) src(%dma_wait3A_114 : memref<10000x64xf32, #tpu.memory_space<hbm>>) dst(%arg11 : memref<125x64xf32, #tpu.memory_space<vmem>>)
    %dma_start3A_115 = arith.constant 158 : i32
    %dma_start3A_116 = arith.constant 0 : i32
    %dma_start3A_117 = tpu.memref_slice %arg6[%dma_start3A_115, %dma_start3A_116] : memref<160x125xi32, #tpu.memory_space<vmem>> -> memref<1x125xi32, #tpu.memory_space<vmem>>
    %dma_start3A_118 = tpu.memref_squeeze %dma_start3A_117 : memref<1x125xi32, #tpu.memory_space<vmem>> -> memref<125xi32, #tpu.memory_space<vmem>>
    %dma_start3A_119 = arith.constant 0 : i32
    %dma_start3A_120 = arith.constant 0 : i32
    %dma_start3A_121 = tpu.memref_slice %arg13[%dma_start3A_119, %dma_start3A_120] : memref<10112x64xf32, #tpu.memory_space<vmem_shared>> -> memref<10112x64xf32, #tpu.memory_space<vmem_shared>>
    tpu.enqueue_indirect_dma source(%arg11 : memref<125x64xf32, #tpu.memory_space<vmem>>) target(%dma_start3A_121 : memref<10112x64xf32, #tpu.memory_space<vmem_shared>>) offsets(%dma_start3A_118 : memref<125xi32, #tpu.memory_space<vmem>>) semaphore(%arg22 : memref<!tpu.dma_semaphore, #tpu.memory_space<semaphore_mem>>) {add = true}
    %dma_wait3A_122 = arith.constant 159 : i32
    %dma_wait3A_123 = arith.constant 0 : i32
    %dma_wait3A_124 = tpu.memref_slice %arg7[%dma_wait3A_122, %dma_wait3A_123] : memref<160x125xi32, #tpu.memory_space<vmem>> -> memref<1x125xi32, #tpu.memory_space<vmem>>
    %dma_wait3A_125 = tpu.memref_squeeze %dma_wait3A_124 : memref<1x125xi32, #tpu.memory_space<vmem>> -> memref<125xi32, #tpu.memory_space<vmem>>
    %dma_wait3A_126 = arith.constant 0 : i32
    %dma_wait3A_127 = tpu.memref_slice %arg2[%mul3A_3, %dma_wait3A_126] : memref<20000x64xf32, #tpu.memory_space<hbm>> -> memref<10000x64xf32, #tpu.memory_space<hbm>>
    %dma_wait3A_128 = arith.constant 0 : i32
    %dma_wait3A_129 = arith.constant 0 : i32
    %dma_wait3A_130 = tpu.memref_slice %dma_wait3A_127[%dma_wait3A_128, %dma_wait3A_129] : memref<10000x64xf32, #tpu.memory_space<hbm>> -> memref<10000x64xf32, #tpu.memory_space<hbm>>
    tpu.wait_indirect_dma semaphore(%arg18 : memref<!tpu.dma_semaphore, #tpu.memory_space<semaphore_mem>>) src(%dma_wait3A_130 : memref<10000x64xf32, #tpu.memory_space<hbm>>) dst(%arg12 : memref<125x64xf32, #tpu.memory_space<vmem>>)
    %dma_start3A_131 = arith.constant 159 : i32
    %dma_start3A_132 = arith.constant 0 : i32
    %dma_start3A_133 = tpu.memref_slice %arg6[%dma_start3A_131, %dma_start3A_132] : memref<160x125xi32, #tpu.memory_space<vmem>> -> memref<1x125xi32, #tpu.memory_space<vmem>>
    %dma_start3A_134 = tpu.memref_squeeze %dma_start3A_133 : memref<1x125xi32, #tpu.memory_space<vmem>> -> memref<125xi32, #tpu.memory_space<vmem>>
    %dma_start3A_135 = arith.constant 0 : i32
    %dma_start3A_136 = arith.constant 0 : i32
    %dma_start3A_137 = tpu.memref_slice %arg13[%dma_start3A_135, %dma_start3A_136] : memref<10112x64xf32, #tpu.memory_space<vmem_shared>> -> memref<10112x64xf32, #tpu.memory_space<vmem_shared>>
    tpu.enqueue_indirect_dma source(%arg12 : memref<125x64xf32, #tpu.memory_space<vmem>>) target(%dma_start3A_137 : memref<10112x64xf32, #tpu.memory_space<vmem_shared>>) offsets(%dma_start3A_134 : memref<125xi32, #tpu.memory_space<vmem>>) semaphore(%arg23 : memref<!tpu.dma_semaphore, #tpu.memory_space<semaphore_mem>>) {add = true}
    %dma_wait3A_138 = arith.constant 155 : i32
    %dma_wait3A_139 = arith.constant 0 : i32
    %dma_wait3A_140 = tpu.memref_slice %arg6[%dma_wait3A_138, %dma_wait3A_139] : memref<160x125xi32, #tpu.memory_space<vmem>> -> memref<1x125xi32, #tpu.memory_space<vmem>>
    %dma_wait3A_141 = tpu.memref_squeeze %dma_wait3A_140 : memref<1x125xi32, #tpu.memory_space<vmem>> -> memref<125xi32, #tpu.memory_space<vmem>>
    %dma_wait3A_142 = arith.constant 0 : i32
    %dma_wait3A_143 = arith.constant 0 : i32
    %dma_wait3A_144 = tpu.memref_slice %arg13[%dma_wait3A_142, %dma_wait3A_143] : memref<10112x64xf32, #tpu.memory_space<vmem_shared>> -> memref<10112x64xf32, #tpu.memory_space<vmem_shared>>
    tpu.wait_indirect_dma semaphore(%arg19 : memref<!tpu.dma_semaphore, #tpu.memory_space<semaphore_mem>>) src(%arg8 : memref<125x64xf32, #tpu.memory_space<vmem>>) dst(%dma_wait3A_144 : memref<10112x64xf32, #tpu.memory_space<vmem_shared>>)
    %dma_wait3A_145 = arith.constant 156 : i32
    %dma_wait3A_146 = arith.constant 0 : i32
    %dma_wait3A_147 = tpu.memref_slice %arg6[%dma_wait3A_145, %dma_wait3A_146] : memref<160x125xi32, #tpu.memory_space<vmem>> -> memref<1x125xi32, #tpu.memory_space<vmem>>
    %dma_wait3A_148 = tpu.memref_squeeze %dma_wait3A_147 : memref<1x125xi32, #tpu.memory_space<vmem>> -> memref<125xi32, #tpu.memory_space<vmem>>
    %dma_wait3A_149 = arith.constant 0 : i32
    %dma_wait3A_150 = arith.constant 0 : i32
    %dma_wait3A_151 = tpu.memref_slice %arg13[%dma_wait3A_149, %dma_wait3A_150] : memref<10112x64xf32, #tpu.memory_space<vmem_shared>> -> memref<10112x64xf32, #tpu.memory_space<vmem_shared>>
    tpu.wait_indirect_dma semaphore(%arg20 : memref<!tpu.dma_semaphore, #tpu.memory_space<semaphore_mem>>) src(%arg9 : memref<125x64xf32, #tpu.memory_space<vmem>>) dst(%dma_wait3A_151 : memref<10112x64xf32, #tpu.memory_space<vmem_shared>>)
    %dma_wait3A_152 = arith.constant 157 : i32
    %dma_wait3A_153 = arith.constant 0 : i32
    %dma_wait3A_154 = tpu.memref_slice %arg6[%dma_wait3A_152, %dma_wait3A_153] : memref<160x125xi32, #tpu.memory_space<vmem>> -> memref<1x125xi32, #tpu.memory_space<vmem>>
    %dma_wait3A_155 = tpu.memref_squeeze %dma_wait3A_154 : memref<1x125xi32, #tpu.memory_space<vmem>> -> memref<125xi32, #tpu.memory_space<vmem>>
    %dma_wait3A_156 = arith.constant 0 : i32
    %dma_wait3A_157 = arith.constant 0 : i32
    %dma_wait3A_158 = tpu.memref_slice %arg13[%dma_wait3A_156, %dma_wait3A_157] : memref<10112x64xf32, #tpu.memory_space<vmem_shared>> -> memref<10112x64xf32, #tpu.memory_space<vmem_shared>>
    tpu.wait_indirect_dma semaphore(%arg21 : memref<!tpu.dma_semaphore, #tpu.memory_space<semaphore_mem>>) src(%arg10 : memref<125x64xf32, #tpu.memory_space<vmem>>) dst(%dma_wait3A_158 : memref<10112x64xf32, #tpu.memory_space<vmem_shared>>)
    %dma_wait3A_159 = arith.constant 158 : i32
    %dma_wait3A_160 = arith.constant 0 : i32
    %dma_wait3A_161 = tpu.memref_slice %arg6[%dma_wait3A_159, %dma_wait3A_160] : memref<160x125xi32, #tpu.memory_space<vmem>> -> memref<1x125xi32, #tpu.memory_space<vmem>>
    %dma_wait3A_162 = tpu.memref_squeeze %dma_wait3A_161 : memref<1x125xi32, #tpu.memory_space<vmem>> -> memref<125xi32, #tpu.memory_space<vmem>>
    %dma_wait3A_163 = arith.constant 0 : i32
    %dma_wait3A_164 = arith.constant 0 : i32
    %dma_wait3A_165 = tpu.memref_slice %arg13[%dma_wait3A_163, %dma_wait3A_164] : memref<10112x64xf32, #tpu.memory_space<vmem_shared>> -> memref<10112x64xf32, #tpu.memory_space<vmem_shared>>
    tpu.wait_indirect_dma semaphore(%arg22 : memref<!tpu.dma_semaphore, #tpu.memory_space<semaphore_mem>>) src(%arg11 : memref<125x64xf32, #tpu.memory_space<vmem>>) dst(%dma_wait3A_165 : memref<10112x64xf32, #tpu.memory_space<vmem_shared>>)
    %dma_wait3A_166 = arith.constant 159 : i32
    %dma_wait3A_167 = arith.constant 0 : i32
    %dma_wait3A_168 = tpu.memref_slice %arg6[%dma_wait3A_166, %dma_wait3A_167] : memref<160x125xi32, #tpu.memory_space<vmem>> -> memref<1x125xi32, #tpu.memory_space<vmem>>
    %dma_wait3A_169 = tpu.memref_squeeze %dma_wait3A_168 : memref<1x125xi32, #tpu.memory_space<vmem>> -> memref<125xi32, #tpu.memory_space<vmem>>
    %dma_wait3A_170 = arith.constant 0 : i32
    %dma_wait3A_171 = arith.constant 0 : i32
    %dma_wait3A_172 = tpu.memref_slice %arg13[%dma_wait3A_170, %dma_wait3A_171] : memref<10112x64xf32, #tpu.memory_space<vmem_shared>> -> memref<10112x64xf32, #tpu.memory_space<vmem_shared>>
    tpu.wait_indirect_dma semaphore(%arg23 : memref<!tpu.dma_semaphore, #tpu.memory_space<semaphore_mem>>) src(%arg12 : memref<125x64xf32, #tpu.memory_space<vmem>>) dst(%dma_wait3A_172 : memref<10112x64xf32, #tpu.memory_space<vmem_shared>>)
    %barrier3A_173 = arith.constant 0 : index
    tpu.barrier barrier_id(%barrier3A_173)
    %mul3A_174 = arith.constant 10112 : i32
    %mul3A_175 = arith.muli %arg0, %mul3A_174 : i32
    %mul3A_176 = arith.constant 632 : i32
    %mul3A_177 = arith.muli %arg1, %mul3A_176 : i32
    %add3A_178 = arith.addi %mul3A_175, %mul3A_177 : i32
    %mul3A_179 = arith.constant 632 : i32
    %mul3A_180 = arith.muli %arg1, %mul3A_179 : i32
    "tpu.region"() ({
      %run_scoped3A = tpu.sem_alloc : memref<!tpu.dma_semaphore, #tpu.memory_space<semaphore_mem>>
      %dma_start3A_181 = arith.constant 0 : i32
      %dma_start3A_182 = tpu.memref_slice %arg5[%add3A_178, %dma_start3A_181] : memref<20224x64xf32, #tpu.memory_space<hbm>> -> memref<632x64xf32, #tpu.memory_space<hbm>>
      %dma_start3A_183 = arith.constant 0 : i32
      %dma_start3A_184 = tpu.memref_slice %arg13[%mul3A_180, %dma_start3A_183] : memref<10112x64xf32, #tpu.memory_space<vmem_shared>> -> memref<632x64xf32, #tpu.memory_space<vmem_shared>>
      tpu.enqueue_dma source(%dma_start3A_184 : memref<632x64xf32, #tpu.memory_space<vmem_shared>>) target(%dma_start3A_182 : memref<632x64xf32, #tpu.memory_space<hbm>>) target_semaphore(%run_scoped3A : memref<!tpu.dma_semaphore, #tpu.memory_space<semaphore_mem>>)
      %dma_wait3A_185 = arith.constant 0 : i32
      %dma_wait3A_186 = tpu.memref_slice %arg5[%add3A_178, %dma_wait3A_185] : memref<20224x64xf32, #tpu.memory_space<hbm>> -> memref<632x64xf32, #tpu.memory_space<hbm>>
      %dma_wait3A_187 = arith.constant 0 : i32
      %dma_wait3A_188 = tpu.memref_slice %arg13[%mul3A_180, %dma_wait3A_187] : memref<10112x64xf32, #tpu.memory_space<vmem_shared>> -> memref<632x64xf32, #tpu.memory_space<vmem_shared>>
      tpu.wait_dma2 semaphore(%run_scoped3A : memref<!tpu.dma_semaphore, #tpu.memory_space<semaphore_mem>>) src(%dma_wait3A_188 : memref<632x64xf32, #tpu.memory_space<vmem_shared>>) dst(%dma_wait3A_186 : memref<632x64xf32, #tpu.memory_space<hbm>>)
      tpu.yield
    }) : () -> ()
    return
  }
}

#map = affine_map<(d0, d1) -> (0, 0)>
module attributes {stable_mosaic.version = 14 : i64} {
  func.func @_seg_body(%arg0: i32, %arg1: i32, %arg2: memref<20000x64xf32, #tpu.memory_space<hbm>>, %arg3: memref<5120x125xi32, #tpu.memory_space<hbm>>, %arg4: memref<320x64xf32, #tpu.memory_space<hbm>>, %arg5: memref<20224x64xf32, #tpu.memory_space<hbm>>, %arg6: memref<160x125xi32, #tpu.memory_space<vmem>>, %arg7: memref<160x125xi32, #tpu.memory_space<vmem>>, %arg8: memref<125x64xf32, #tpu.memory_space<vmem>>, %arg9: memref<125x64xf32, #tpu.memory_space<vmem>>, %arg10: memref<125x64xf32, #tpu.memory_space<vmem>>, %arg11: memref<125x64xf32, #tpu.memory_space<vmem>>, %arg12: memref<125x64xf32, #tpu.memory_space<vmem>>, %arg13: memref<10112x64xf32, #tpu.memory_space<vmem_shared>>, %arg14: memref<!tpu.dma_semaphore, #tpu.memory_space<semaphore_mem>>, %arg15: memref<!tpu.dma_semaphore, #tpu.memory_space<semaphore_mem>>, %arg16: memref<!tpu.dma_semaphore, #tpu.memory_space<semaphore_mem>>, %arg17: memref<!tpu.dma_semaphore, #tpu.memory_space<semaphore_mem>>, %arg18: memref<!tpu.dma_semaphore, #tpu.memory_space<semaphore_mem>>, %arg19: memref<!tpu.dma_semaphore, #tpu.memory_space<semaphore_mem>>, %arg20: memref<!tpu.dma_semaphore, #tpu.memory_space<semaphore_mem>>, %arg21: memref<!tpu.dma_semaphore, #tpu.memory_space<semaphore_mem>>, %arg22: memref<!tpu.dma_semaphore, #tpu.memory_space<semaphore_mem>>, %arg23: memref<!tpu.dma_semaphore, #tpu.memory_space<semaphore_mem>>) attributes {dimension_semantics = [#tpu.dimension_semantics<core_parallel>, #tpu.dimension_semantics<subcore_parallel>], iteration_bounds = array<i64: 2, 16>, scalar_prefetch = 0 : i64, scratch_operands = 18 : i64, tpu.core_type = #tpu.core_type<sc_vector_subcore>, window_params = [{transform_indices = #map}, {transform_indices = #map}, {transform_indices = #map}, {transform_indices = #map}]} {
    %mul3A = arith.constant 160 : i32
    %mul3A_0 = arith.muli %arg1, %mul3A : i32
    "tpu.region"() ({
      %run_scoped3A = tpu.sem_alloc : memref<!tpu.dma_semaphore, #tpu.memory_space<semaphore_mem>>
      %dma_start3A_181 = arith.constant 0 : i32
      %dma_start3A_182 = tpu.memref_slice %arg3[%mul3A_0, %dma_start3A_181] : memref<5120x125xi32, #tpu.memory_space<hbm>> -> memref<160x125xi32, #tpu.memory_space<hbm>>
      %dma_start3A_183 = arith.constant 0 : i32
      %dma_start3A_184 = tpu.memref_slice %arg3[%mul3A_0, %dma_start3A_183] : memref<5120x125xi32, #tpu.memory_space<hbm>> -> memref<160x125xi32, #tpu.memory_space<hbm>>
      tpu.enqueue_dma source(%dma_start3A_184 : memref<160x125xi32, #tpu.memory_space<hbm>>) target(%arg6 : memref<160x125xi32, #tpu.memory_space<vmem>>) target_semaphore(%run_scoped3A : memref<!tpu.dma_semaphore, #tpu.memory_space<semaphore_mem>>)
      %dma_wait3A_185 = arith.constant 0 : i32
      %dma_wait3A_186 = tpu.memref_slice %arg3[%mul3A_0, %dma_wait3A_185] : memref<5120x125xi32, #tpu.memory_space<hbm>> -> memref<160x125xi32, #tpu.memory_space<hbm>>
      %dma_wait3A_187 = arith.constant 0 : i32
      %dma_wait3A_188 = tpu.memref_slice %arg3[%mul3A_0, %dma_wait3A_187] : memref<5120x125xi32, #tpu.memory_space<hbm>> -> memref<160x125xi32, #tpu.memory_space<hbm>>
      tpu.wait_dma2 semaphore(%run_scoped3A : memref<!tpu.dma_semaphore, #tpu.memory_space<semaphore_mem>>) src(%dma_wait3A_188 : memref<160x125xi32, #tpu.memory_space<hbm>>) dst(%arg6 : memref<160x125xi32, #tpu.memory_space<vmem>>)
      tpu.yield
    }) : () -> ()
    %add3A = arith.constant 2560 : i32
    %add3A_1 = arith.addi %add3A, %mul3A_0 : i32
    "tpu.region"() ({
      %run_scoped3A = tpu.sem_alloc : memref<!tpu.dma_semaphore, #tpu.memory_space<semaphore_mem>>
      %dma_start3A_181 = arith.constant 0 : i32
      %dma_start3A_182 = tpu.memref_slice %arg3[%add3A_1, %dma_start3A_181] : memref<5120x125xi32, #tpu.memory_space<hbm>> -> memref<160x125xi32, #tpu.memory_space<hbm>>
      %dma_start3A_183 = arith.constant 0 : i32
      %dma_start3A_184 = tpu.memref_slice %arg3[%add3A_1, %dma_start3A_183] : memref<5120x125xi32, #tpu.memory_space<hbm>> -> memref<160x125xi32, #tpu.memory_space<hbm>>
      tpu.enqueue_dma source(%dma_start3A_184 : memref<160x125xi32, #tpu.memory_space<hbm>>) target(%arg7 : memref<160x125xi32, #tpu.memory_space<vmem>>) target_semaphore(%run_scoped3A : memref<!tpu.dma_semaphore, #tpu.memory_space<semaphore_mem>>)
      %dma_wait3A_185 = arith.constant 0 : i32
      %dma_wait3A_186 = tpu.memref_slice %arg3[%add3A_1, %dma_wait3A_185] : memref<5120x125xi32, #tpu.memory_space<hbm>> -> memref<160x125xi32, #tpu.memory_space<hbm>>
      %dma_wait3A_187 = arith.constant 0 : i32
      %dma_wait3A_188 = tpu.memref_slice %arg3[%add3A_1, %dma_wait3A_187] : memref<5120x125xi32, #tpu.memory_space<hbm>> -> memref<160x125xi32, #tpu.memory_space<hbm>>
      tpu.wait_dma2 semaphore(%run_scoped3A : memref<!tpu.dma_semaphore, #tpu.memory_space<semaphore_mem>>) src(%dma_wait3A_188 : memref<160x125xi32, #tpu.memory_space<hbm>>) dst(%arg7 : memref<160x125xi32, #tpu.memory_space<vmem>>)
      tpu.yield
    }) : () -> ()
    %mul3A_2 = arith.constant 10000 : i32
    %mul3A_3 = arith.muli %arg0, %mul3A_2 : i32
    %mul3A_4 = arith.constant 632 : i32
    %mul3A_5 = arith.muli %arg1, %mul3A_4 : i32
    "tpu.region"() ({
      %run_scoped3A = tpu.sem_alloc : memref<!tpu.dma_semaphore, #tpu.memory_space<semaphore_mem>>
      %dma_start3A_181 = arith.constant 0 : i32
      %dma_start3A_182 = tpu.memref_slice %arg13[%mul3A_5, %dma_start3A_181] : memref<10112x64xf32, #tpu.memory_space<vmem_shared>> -> memref<320x64xf32, #tpu.memory_space<vmem_shared>>
      tpu.enqueue_dma source(%arg4 : memref<320x64xf32, #tpu.memory_space<hbm>>) target(%dma_start3A_182 : memref<320x64xf32, #tpu.memory_space<vmem_shared>>) target_semaphore(%run_scoped3A : memref<!tpu.dma_semaphore, #tpu.memory_space<semaphore_mem>>)
      %dma_wait3A_183 = arith.constant 0 : i32
      %dma_wait3A_184 = tpu.memref_slice %arg13[%mul3A_5, %dma_wait3A_183] : memref<10112x64xf32, #tpu.memory_space<vmem_shared>> -> memref<320x64xf32, #tpu.memory_space<vmem_shared>>
      tpu.wait_dma2 semaphore(%run_scoped3A : memref<!tpu.dma_semaphore, #tpu.memory_space<semaphore_mem>>) src(%arg4 : memref<320x64xf32, #tpu.memory_space<hbm>>) dst(%dma_wait3A_184 : memref<320x64xf32, #tpu.memory_space<vmem_shared>>)
      tpu.yield
    }) : () -> ()
    %mul3A_6 = arith.constant 632 : i32
    %mul3A_7 = arith.muli %arg1, %mul3A_6 : i32
    %add3A_8 = arith.constant 320 : i32
    %add3A_9 = arith.addi %mul3A_7, %add3A_8 : i32
    "tpu.region"() ({
      %run_scoped3A = tpu.sem_alloc : memref<!tpu.dma_semaphore, #tpu.memory_space<semaphore_mem>>
      %dma_start3A_181 = arith.constant 0 : i32
      %dma_start3A_182 = tpu.memref_slice %arg13[%add3A_9, %dma_start3A_181] : memref<10112x64xf32, #tpu.memory_space<vmem_shared>> -> memref<312x64xf32, #tpu.memory_space<vmem_shared>>
      %dma_start3A_183 = arith.constant 0 : i32
      %dma_start3A_184 = arith.constant 0 : i32
      %dma_start3A_185 = tpu.memref_slice %arg4[%dma_start3A_183, %dma_start3A_184] : memref<320x64xf32, #tpu.memory_space<hbm>> -> memref<312x64xf32, #tpu.memory_space<hbm>>
      tpu.enqueue_dma source(%dma_start3A_185 : memref<312x64xf32, #tpu.memory_space<hbm>>) target(%dma_start3A_182 : memref<312x64xf32, #tpu.memory_space<vmem_shared>>) target_semaphore(%run_scoped3A : memref<!tpu.dma_semaphore, #tpu.memory_space<semaphore_mem>>)
      %dma_wait3A_186 = arith.constant 0 : i32
      %dma_wait3A_187 = tpu.memref_slice %arg13[%add3A_9, %dma_wait3A_186] : memref<10112x64xf32, #tpu.memory_space<vmem_shared>> -> memref<312x64xf32, #tpu.memory_space<vmem_shared>>
      %dma_wait3A_188 = arith.constant 0 : i32
      %dma_wait3A_189 = arith.constant 0 : i32
      %dma_wait3A_190 = tpu.memref_slice %arg4[%dma_wait3A_188, %dma_wait3A_189] : memref<320x64xf32, #tpu.memory_space<hbm>> -> memref<312x64xf32, #tpu.memory_space<hbm>>
      tpu.wait_dma2 semaphore(%run_scoped3A : memref<!tpu.dma_semaphore, #tpu.memory_space<semaphore_mem>>) src(%dma_wait3A_190 : memref<312x64xf32, #tpu.memory_space<hbm>>) dst(%dma_wait3A_187 : memref<312x64xf32, #tpu.memory_space<vmem_shared>>)
      tpu.yield
    }) : () -> ()
    %barrier3A = arith.constant 0 : index
    tpu.barrier barrier_id(%barrier3A)
    %dma_start3A = arith.constant 0 : i32
    %dma_start3A_10 = arith.constant 0 : i32
    %dma_start3A_11 = tpu.memref_slice %arg7[%dma_start3A, %dma_start3A_10] : memref<160x125xi32, #tpu.memory_space<vmem>> -> memref<1x125xi32, #tpu.memory_space<vmem>>
    %dma_start3A_12 = tpu.memref_squeeze %dma_start3A_11 : memref<1x125xi32, #tpu.memory_space<vmem>> -> memref<125xi32, #tpu.memory_space<vmem>>
    %dma_start3A_13 = arith.constant 0 : i32
    %dma_start3A_14 = tpu.memref_slice %arg2[%mul3A_3, %dma_start3A_13] : memref<20000x64xf32, #tpu.memory_space<hbm>> -> memref<10000x64xf32, #tpu.memory_space<hbm>>
    %dma_start3A_15 = arith.constant 0 : i32
    %dma_start3A_16 = arith.constant 0 : i32
    %dma_start3A_17 = tpu.memref_slice %dma_start3A_14[%dma_start3A_15, %dma_start3A_16] : memref<10000x64xf32, #tpu.memory_space<hbm>> -> memref<10000x64xf32, #tpu.memory_space<hbm>>
    tpu.enqueue_indirect_dma source(%dma_start3A_17 : memref<10000x64xf32, #tpu.memory_space<hbm>>) target(%arg8 : memref<125x64xf32, #tpu.memory_space<vmem>>) offsets(%dma_start3A_12 : memref<125xi32, #tpu.memory_space<vmem>>) semaphore(%arg14 : memref<!tpu.dma_semaphore, #tpu.memory_space<semaphore_mem>>)
    %dma_start3A_18 = arith.constant 1 : i32
    %dma_start3A_19 = arith.constant 0 : i32
    %dma_start3A_20 = tpu.memref_slice %arg7[%dma_start3A_18, %dma_start3A_19] : memref<160x125xi32, #tpu.memory_space<vmem>> -> memref<1x125xi32, #tpu.memory_space<vmem>>
    %dma_start3A_21 = tpu.memref_squeeze %dma_start3A_20 : memref<1x125xi32, #tpu.memory_space<vmem>> -> memref<125xi32, #tpu.memory_space<vmem>>
    %dma_start3A_22 = arith.constant 0 : i32
    %dma_start3A_23 = tpu.memref_slice %arg2[%mul3A_3, %dma_start3A_22] : memref<20000x64xf32, #tpu.memory_space<hbm>> -> memref<10000x64xf32, #tpu.memory_space<hbm>>
    %dma_start3A_24 = arith.constant 0 : i32
    %dma_start3A_25 = arith.constant 0 : i32
    %dma_start3A_26 = tpu.memref_slice %dma_start3A_23[%dma_start3A_24, %dma_start3A_25] : memref<10000x64xf32, #tpu.memory_space<hbm>> -> memref<10000x64xf32, #tpu.memory_space<hbm>>
    tpu.enqueue_indirect_dma source(%dma_start3A_26 : memref<10000x64xf32, #tpu.memory_space<hbm>>) target(%arg9 : memref<125x64xf32, #tpu.memory_space<vmem>>) offsets(%dma_start3A_21 : memref<125xi32, #tpu.memory_space<vmem>>) semaphore(%arg15 : memref<!tpu.dma_semaphore, #tpu.memory_space<semaphore_mem>>)
    %dma_start3A_27 = arith.constant 2 : i32
    %dma_start3A_28 = arith.constant 0 : i32
    %dma_start3A_29 = tpu.memref_slice %arg7[%dma_start3A_27, %dma_start3A_28] : memref<160x125xi32, #tpu.memory_space<vmem>> -> memref<1x125xi32, #tpu.memory_space<vmem>>
    %dma_start3A_30 = tpu.memref_squeeze %dma_start3A_29 : memref<1x125xi32, #tpu.memory_space<vmem>> -> memref<125xi32, #tpu.memory_space<vmem>>
    %dma_start3A_31 = arith.constant 0 : i32
    %dma_start3A_32 = tpu.memref_slice %arg2[%mul3A_3, %dma_start3A_31] : memref<20000x64xf32, #tpu.memory_space<hbm>> -> memref<10000x64xf32, #tpu.memory_space<hbm>>
    %dma_start3A_33 = arith.constant 0 : i32
    %dma_start3A_34 = arith.constant 0 : i32
    %dma_start3A_35 = tpu.memref_slice %dma_start3A_32[%dma_start3A_33, %dma_start3A_34] : memref<10000x64xf32, #tpu.memory_space<hbm>> -> memref<10000x64xf32, #tpu.memory_space<hbm>>
    tpu.enqueue_indirect_dma source(%dma_start3A_35 : memref<10000x64xf32, #tpu.memory_space<hbm>>) target(%arg10 : memref<125x64xf32, #tpu.memory_space<vmem>>) offsets(%dma_start3A_30 : memref<125xi32, #tpu.memory_space<vmem>>) semaphore(%arg16 : memref<!tpu.dma_semaphore, #tpu.memory_space<semaphore_mem>>)
    %dma_start3A_36 = arith.constant 3 : i32
    %dma_start3A_37 = arith.constant 0 : i32
    %dma_start3A_38 = tpu.memref_slice %arg7[%dma_start3A_36, %dma_start3A_37] : memref<160x125xi32, #tpu.memory_space<vmem>> -> memref<1x125xi32, #tpu.memory_space<vmem>>
    %dma_start3A_39 = tpu.memref_squeeze %dma_start3A_38 : memref<1x125xi32, #tpu.memory_space<vmem>> -> memref<125xi32, #tpu.memory_space<vmem>>
    %dma_start3A_40 = arith.constant 0 : i32
    %dma_start3A_41 = tpu.memref_slice %arg2[%mul3A_3, %dma_start3A_40] : memref<20000x64xf32, #tpu.memory_space<hbm>> -> memref<10000x64xf32, #tpu.memory_space<hbm>>
    %dma_start3A_42 = arith.constant 0 : i32
    %dma_start3A_43 = arith.constant 0 : i32
    %dma_start3A_44 = tpu.memref_slice %dma_start3A_41[%dma_start3A_42, %dma_start3A_43] : memref<10000x64xf32, #tpu.memory_space<hbm>> -> memref<10000x64xf32, #tpu.memory_space<hbm>>
    tpu.enqueue_indirect_dma source(%dma_start3A_44 : memref<10000x64xf32, #tpu.memory_space<hbm>>) target(%arg11 : memref<125x64xf32, #tpu.memory_space<vmem>>) offsets(%dma_start3A_39 : memref<125xi32, #tpu.memory_space<vmem>>) semaphore(%arg17 : memref<!tpu.dma_semaphore, #tpu.memory_space<semaphore_mem>>)
    %dma_start3A_45 = arith.constant 4 : i32
    %dma_start3A_46 = arith.constant 0 : i32
    %dma_start3A_47 = tpu.memref_slice %arg7[%dma_start3A_45, %dma_start3A_46] : memref<160x125xi32, #tpu.memory_space<vmem>> -> memref<1x125xi32, #tpu.memory_space<vmem>>
    %dma_start3A_48 = tpu.memref_squeeze %dma_start3A_47 : memref<1x125xi32, #tpu.memory_space<vmem>> -> memref<125xi32, #tpu.memory_space<vmem>>
    %dma_start3A_49 = arith.constant 0 : i32
    %dma_start3A_50 = tpu.memref_slice %arg2[%mul3A_3, %dma_start3A_49] : memref<20000x64xf32, #tpu.memory_space<hbm>> -> memref<10000x64xf32, #tpu.memory_space<hbm>>
    %dma_start3A_51 = arith.constant 0 : i32
    %dma_start3A_52 = arith.constant 0 : i32
    %dma_start3A_53 = tpu.memref_slice %dma_start3A_50[%dma_start3A_51, %dma_start3A_52] : memref<10000x64xf32, #tpu.memory_space<hbm>> -> memref<10000x64xf32, #tpu.memory_space<hbm>>
    tpu.enqueue_indirect_dma source(%dma_start3A_53 : memref<10000x64xf32, #tpu.memory_space<hbm>>) target(%arg12 : memref<125x64xf32, #tpu.memory_space<vmem>>) offsets(%dma_start3A_48 : memref<125xi32, #tpu.memory_space<vmem>>) semaphore(%arg18 : memref<!tpu.dma_semaphore, #tpu.memory_space<semaphore_mem>>)
    %scan3A = arith.constant 0 : i32
    %scan3A_54 = arith.constant 0 : i32
    %scan3A_55 = arith.constant 31 : i32
    %scan3A_56 = arith.addi %scan3A_54, %scan3A_55 : i32
    %scan3A_57 = arith.constant 1 : i32
    scf.for %scan3A_181 = %scan3A_54 to %scan3A_56 step %scan3A_57  : i32 {
      %mul3A_182 = arith.constant 5 : i32
      %mul3A_183 = arith.muli %scan3A_181, %mul3A_182 : i32
      %add3A_184 = arith.constant 0 : i32
      %add3A_185 = arith.addi %mul3A_183, %add3A_184 : i32
      %dma_wait3A_186 = arith.constant 0 : i32
      %dma_wait3A_187 = tpu.memref_slice %arg7[%add3A_185, %dma_wait3A_186] : memref<160x125xi32, #tpu.memory_space<vmem>> -> memref<1x125xi32, #tpu.memory_space<vmem>>
      %dma_wait3A_188 = tpu.memref_squeeze %dma_wait3A_187 : memref<1x125xi32, #tpu.memory_space<vmem>> -> memref<125xi32, #tpu.memory_space<vmem>>
      %dma_wait3A_189 = arith.constant 0 : i32
      %dma_wait3A_190 = tpu.memref_slice %arg2[%mul3A_3, %dma_wait3A_189] : memref<20000x64xf32, #tpu.memory_space<hbm>> -> memref<10000x64xf32, #tpu.memory_space<hbm>>
      %dma_wait3A_191 = arith.constant 0 : i32
      %dma_wait3A_192 = arith.constant 0 : i32
      %dma_wait3A_193 = tpu.memref_slice %dma_wait3A_190[%dma_wait3A_191, %dma_wait3A_192] : memref<10000x64xf32, #tpu.memory_space<hbm>> -> memref<10000x64xf32, #tpu.memory_space<hbm>>
      tpu.wait_indirect_dma semaphore(%arg14 : memref<!tpu.dma_semaphore, #tpu.memory_space<semaphore_mem>>) src(%dma_wait3A_193 : memref<10000x64xf32, #tpu.memory_space<hbm>>) dst(%arg8 : memref<125x64xf32, #tpu.memory_space<vmem>>)
      %add3A_194 = arith.constant 0 : i32
      %add3A_195 = arith.addi %mul3A_183, %add3A_194 : i32
      %dma_start3A_196 = arith.constant 0 : i32
      %dma_start3A_197 = tpu.memref_slice %arg6[%add3A_195, %dma_start3A_196] : memref<160x125xi32, #tpu.memory_space<vmem>> -> memref<1x125xi32, #tpu.memory_space<vmem>>
      %dma_start3A_198 = tpu.memref_squeeze %dma_start3A_197 : memref<1x125xi32, #tpu.memory_space<vmem>> -> memref<125xi32, #tpu.memory_space<vmem>>
      %dma_start3A_199 = arith.constant 0 : i32
      %dma_start3A_200 = arith.constant 0 : i32
      %dma_start3A_201 = tpu.memref_slice %arg13[%dma_start3A_199, %dma_start3A_200] : memref<10112x64xf32, #tpu.memory_space<vmem_shared>> -> memref<10112x64xf32, #tpu.memory_space<vmem_shared>>
      tpu.enqueue_indirect_dma source(%arg8 : memref<125x64xf32, #tpu.memory_space<vmem>>) target(%dma_start3A_201 : memref<10112x64xf32, #tpu.memory_space<vmem_shared>>) offsets(%dma_start3A_198 : memref<125xi32, #tpu.memory_space<vmem>>) semaphore(%arg19 : memref<!tpu.dma_semaphore, #tpu.memory_space<semaphore_mem>>) {add = true}
      %add3A_202 = arith.constant 1 : i32
      %add3A_203 = arith.addi %mul3A_183, %add3A_202 : i32
      %dma_wait3A_204 = arith.constant 0 : i32
      %dma_wait3A_205 = tpu.memref_slice %arg7[%add3A_203, %dma_wait3A_204] : memref<160x125xi32, #tpu.memory_space<vmem>> -> memref<1x125xi32, #tpu.memory_space<vmem>>
      %dma_wait3A_206 = tpu.memref_squeeze %dma_wait3A_205 : memref<1x125xi32, #tpu.memory_space<vmem>> -> memref<125xi32, #tpu.memory_space<vmem>>
      %dma_wait3A_207 = arith.constant 0 : i32
      %dma_wait3A_208 = tpu.memref_slice %arg2[%mul3A_3, %dma_wait3A_207] : memref<20000x64xf32, #tpu.memory_space<hbm>> -> memref<10000x64xf32, #tpu.memory_space<hbm>>
      %dma_wait3A_209 = arith.constant 0 : i32
      %dma_wait3A_210 = arith.constant 0 : i32
      %dma_wait3A_211 = tpu.memref_slice %dma_wait3A_208[%dma_wait3A_209, %dma_wait3A_210] : memref<10000x64xf32, #tpu.memory_space<hbm>> -> memref<10000x64xf32, #tpu.memory_space<hbm>>
      tpu.wait_indirect_dma semaphore(%arg15 : memref<!tpu.dma_semaphore, #tpu.memory_space<semaphore_mem>>) src(%dma_wait3A_211 : memref<10000x64xf32, #tpu.memory_space<hbm>>) dst(%arg9 : memref<125x64xf32, #tpu.memory_space<vmem>>)
      %add3A_212 = arith.constant 1 : i32
      %add3A_213 = arith.addi %mul3A_183, %add3A_212 : i32
      %dma_start3A_214 = arith.constant 0 : i32
      %dma_start3A_215 = tpu.memref_slice %arg6[%add3A_213, %dma_start3A_214] : memref<160x125xi32, #tpu.memory_space<vmem>> -> memref<1x125xi32, #tpu.memory_space<vmem>>
      %dma_start3A_216 = tpu.memref_squeeze %dma_start3A_215 : memref<1x125xi32, #tpu.memory_space<vmem>> -> memref<125xi32, #tpu.memory_space<vmem>>
      %dma_start3A_217 = arith.constant 0 : i32
      %dma_start3A_218 = arith.constant 0 : i32
      %dma_start3A_219 = tpu.memref_slice %arg13[%dma_start3A_217, %dma_start3A_218] : memref<10112x64xf32, #tpu.memory_space<vmem_shared>> -> memref<10112x64xf32, #tpu.memory_space<vmem_shared>>
      tpu.enqueue_indirect_dma source(%arg9 : memref<125x64xf32, #tpu.memory_space<vmem>>) target(%dma_start3A_219 : memref<10112x64xf32, #tpu.memory_space<vmem_shared>>) offsets(%dma_start3A_216 : memref<125xi32, #tpu.memory_space<vmem>>) semaphore(%arg20 : memref<!tpu.dma_semaphore, #tpu.memory_space<semaphore_mem>>) {add = true}
      %add3A_220 = arith.constant 2 : i32
      %add3A_221 = arith.addi %mul3A_183, %add3A_220 : i32
      %dma_wait3A_222 = arith.constant 0 : i32
      %dma_wait3A_223 = tpu.memref_slice %arg7[%add3A_221, %dma_wait3A_222] : memref<160x125xi32, #tpu.memory_space<vmem>> -> memref<1x125xi32, #tpu.memory_space<vmem>>
      %dma_wait3A_224 = tpu.memref_squeeze %dma_wait3A_223 : memref<1x125xi32, #tpu.memory_space<vmem>> -> memref<125xi32, #tpu.memory_space<vmem>>
      %dma_wait3A_225 = arith.constant 0 : i32
      %dma_wait3A_226 = tpu.memref_slice %arg2[%mul3A_3, %dma_wait3A_225] : memref<20000x64xf32, #tpu.memory_space<hbm>> -> memref<10000x64xf32, #tpu.memory_space<hbm>>
      %dma_wait3A_227 = arith.constant 0 : i32
      %dma_wait3A_228 = arith.constant 0 : i32
      %dma_wait3A_229 = tpu.memref_slice %dma_wait3A_226[%dma_wait3A_227, %dma_wait3A_228] : memref<10000x64xf32, #tpu.memory_space<hbm>> -> memref<10000x64xf32, #tpu.memory_space<hbm>>
      tpu.wait_indirect_dma semaphore(%arg16 : memref<!tpu.dma_semaphore, #tpu.memory_space<semaphore_mem>>) src(%dma_wait3A_229 : memref<10000x64xf32, #tpu.memory_space<hbm>>) dst(%arg10 : memref<125x64xf32, #tpu.memory_space<vmem>>)
      %add3A_230 = arith.constant 2 : i32
      %add3A_231 = arith.addi %mul3A_183, %add3A_230 : i32
      %dma_start3A_232 = arith.constant 0 : i32
      %dma_start3A_233 = tpu.memref_slice %arg6[%add3A_231, %dma_start3A_232] : memref<160x125xi32, #tpu.memory_space<vmem>> -> memref<1x125xi32, #tpu.memory_space<vmem>>
      %dma_start3A_234 = tpu.memref_squeeze %dma_start3A_233 : memref<1x125xi32, #tpu.memory_space<vmem>> -> memref<125xi32, #tpu.memory_space<vmem>>
      %dma_start3A_235 = arith.constant 0 : i32
      %dma_start3A_236 = arith.constant 0 : i32
      %dma_start3A_237 = tpu.memref_slice %arg13[%dma_start3A_235, %dma_start3A_236] : memref<10112x64xf32, #tpu.memory_space<vmem_shared>> -> memref<10112x64xf32, #tpu.memory_space<vmem_shared>>
      tpu.enqueue_indirect_dma source(%arg10 : memref<125x64xf32, #tpu.memory_space<vmem>>) target(%dma_start3A_237 : memref<10112x64xf32, #tpu.memory_space<vmem_shared>>) offsets(%dma_start3A_234 : memref<125xi32, #tpu.memory_space<vmem>>) semaphore(%arg21 : memref<!tpu.dma_semaphore, #tpu.memory_space<semaphore_mem>>) {add = true}
      %add3A_238 = arith.constant 3 : i32
      %add3A_239 = arith.addi %mul3A_183, %add3A_238 : i32
      %dma_wait3A_240 = arith.constant 0 : i32
      %dma_wait3A_241 = tpu.memref_slice %arg7[%add3A_239, %dma_wait3A_240] : memref<160x125xi32, #tpu.memory_space<vmem>> -> memref<1x125xi32, #tpu.memory_space<vmem>>
      %dma_wait3A_242 = tpu.memref_squeeze %dma_wait3A_241 : memref<1x125xi32, #tpu.memory_space<vmem>> -> memref<125xi32, #tpu.memory_space<vmem>>
      %dma_wait3A_243 = arith.constant 0 : i32
      %dma_wait3A_244 = tpu.memref_slice %arg2[%mul3A_3, %dma_wait3A_243] : memref<20000x64xf32, #tpu.memory_space<hbm>> -> memref<10000x64xf32, #tpu.memory_space<hbm>>
      %dma_wait3A_245 = arith.constant 0 : i32
      %dma_wait3A_246 = arith.constant 0 : i32
      %dma_wait3A_247 = tpu.memref_slice %dma_wait3A_244[%dma_wait3A_245, %dma_wait3A_246] : memref<10000x64xf32, #tpu.memory_space<hbm>> -> memref<10000x64xf32, #tpu.memory_space<hbm>>
      tpu.wait_indirect_dma semaphore(%arg17 : memref<!tpu.dma_semaphore, #tpu.memory_space<semaphore_mem>>) src(%dma_wait3A_247 : memref<10000x64xf32, #tpu.memory_space<hbm>>) dst(%arg11 : memref<125x64xf32, #tpu.memory_space<vmem>>)
      %add3A_248 = arith.constant 3 : i32
      %add3A_249 = arith.addi %mul3A_183, %add3A_248 : i32
      %dma_start3A_250 = arith.constant 0 : i32
      %dma_start3A_251 = tpu.memref_slice %arg6[%add3A_249, %dma_start3A_250] : memref<160x125xi32, #tpu.memory_space<vmem>> -> memref<1x125xi32, #tpu.memory_space<vmem>>
      %dma_start3A_252 = tpu.memref_squeeze %dma_start3A_251 : memref<1x125xi32, #tpu.memory_space<vmem>> -> memref<125xi32, #tpu.memory_space<vmem>>
      %dma_start3A_253 = arith.constant 0 : i32
      %dma_start3A_254 = arith.constant 0 : i32
      %dma_start3A_255 = tpu.memref_slice %arg13[%dma_start3A_253, %dma_start3A_254] : memref<10112x64xf32, #tpu.memory_space<vmem_shared>> -> memref<10112x64xf32, #tpu.memory_space<vmem_shared>>
      tpu.enqueue_indirect_dma source(%arg11 : memref<125x64xf32, #tpu.memory_space<vmem>>) target(%dma_start3A_255 : memref<10112x64xf32, #tpu.memory_space<vmem_shared>>) offsets(%dma_start3A_252 : memref<125xi32, #tpu.memory_space<vmem>>) semaphore(%arg22 : memref<!tpu.dma_semaphore, #tpu.memory_space<semaphore_mem>>) {add = true}
      %add3A_256 = arith.constant 4 : i32
      %add3A_257 = arith.addi %mul3A_183, %add3A_256 : i32
      %dma_wait3A_258 = arith.constant 0 : i32
      %dma_wait3A_259 = tpu.memref_slice %arg7[%add3A_257, %dma_wait3A_258] : memref<160x125xi32, #tpu.memory_space<vmem>> -> memref<1x125xi32, #tpu.memory_space<vmem>>
      %dma_wait3A_260 = tpu.memref_squeeze %dma_wait3A_259 : memref<1x125xi32, #tpu.memory_space<vmem>> -> memref<125xi32, #tpu.memory_space<vmem>>
      %dma_wait3A_261 = arith.constant 0 : i32
      %dma_wait3A_262 = tpu.memref_slice %arg2[%mul3A_3, %dma_wait3A_261] : memref<20000x64xf32, #tpu.memory_space<hbm>> -> memref<10000x64xf32, #tpu.memory_space<hbm>>
      %dma_wait3A_263 = arith.constant 0 : i32
      %dma_wait3A_264 = arith.constant 0 : i32
      %dma_wait3A_265 = tpu.memref_slice %dma_wait3A_262[%dma_wait3A_263, %dma_wait3A_264] : memref<10000x64xf32, #tpu.memory_space<hbm>> -> memref<10000x64xf32, #tpu.memory_space<hbm>>
      tpu.wait_indirect_dma semaphore(%arg18 : memref<!tpu.dma_semaphore, #tpu.memory_space<semaphore_mem>>) src(%dma_wait3A_265 : memref<10000x64xf32, #tpu.memory_space<hbm>>) dst(%arg12 : memref<125x64xf32, #tpu.memory_space<vmem>>)
      %add3A_266 = arith.constant 4 : i32
      %add3A_267 = arith.addi %mul3A_183, %add3A_266 : i32
      %dma_start3A_268 = arith.constant 0 : i32
      %dma_start3A_269 = tpu.memref_slice %arg6[%add3A_267, %dma_start3A_268] : memref<160x125xi32, #tpu.memory_space<vmem>> -> memref<1x125xi32, #tpu.memory_space<vmem>>
      %dma_start3A_270 = tpu.memref_squeeze %dma_start3A_269 : memref<1x125xi32, #tpu.memory_space<vmem>> -> memref<125xi32, #tpu.memory_space<vmem>>
      %dma_start3A_271 = arith.constant 0 : i32
      %dma_start3A_272 = arith.constant 0 : i32
      %dma_start3A_273 = tpu.memref_slice %arg13[%dma_start3A_271, %dma_start3A_272] : memref<10112x64xf32, #tpu.memory_space<vmem_shared>> -> memref<10112x64xf32, #tpu.memory_space<vmem_shared>>
      tpu.enqueue_indirect_dma source(%arg12 : memref<125x64xf32, #tpu.memory_space<vmem>>) target(%dma_start3A_273 : memref<10112x64xf32, #tpu.memory_space<vmem_shared>>) offsets(%dma_start3A_270 : memref<125xi32, #tpu.memory_space<vmem>>) semaphore(%arg23 : memref<!tpu.dma_semaphore, #tpu.memory_space<semaphore_mem>>) {add = true}
      %add3A_274 = arith.constant 0 : i32
      %add3A_275 = arith.addi %mul3A_183, %add3A_274 : i32
      %dma_wait3A_276 = arith.constant 0 : i32
      %dma_wait3A_277 = tpu.memref_slice %arg6[%add3A_275, %dma_wait3A_276] : memref<160x125xi32, #tpu.memory_space<vmem>> -> memref<1x125xi32, #tpu.memory_space<vmem>>
      %dma_wait3A_278 = tpu.memref_squeeze %dma_wait3A_277 : memref<1x125xi32, #tpu.memory_space<vmem>> -> memref<125xi32, #tpu.memory_space<vmem>>
      %dma_wait3A_279 = arith.constant 0 : i32
      %dma_wait3A_280 = arith.constant 0 : i32
      %dma_wait3A_281 = tpu.memref_slice %arg13[%dma_wait3A_279, %dma_wait3A_280] : memref<10112x64xf32, #tpu.memory_space<vmem_shared>> -> memref<10112x64xf32, #tpu.memory_space<vmem_shared>>
      tpu.wait_indirect_dma semaphore(%arg19 : memref<!tpu.dma_semaphore, #tpu.memory_space<semaphore_mem>>) src(%arg8 : memref<125x64xf32, #tpu.memory_space<vmem>>) dst(%dma_wait3A_281 : memref<10112x64xf32, #tpu.memory_space<vmem_shared>>)
      %add3A_282 = arith.constant 5 : i32
      %add3A_283 = arith.addi %mul3A_183, %add3A_282 : i32
      %add3A_284 = arith.constant 0 : i32
      %add3A_285 = arith.addi %add3A_283, %add3A_284 : i32
      %dma_start3A_286 = arith.constant 0 : i32
      %dma_start3A_287 = tpu.memref_slice %arg7[%add3A_285, %dma_start3A_286] : memref<160x125xi32, #tpu.memory_space<vmem>> -> memref<1x125xi32, #tpu.memory_space<vmem>>
      %dma_start3A_288 = tpu.memref_squeeze %dma_start3A_287 : memref<1x125xi32, #tpu.memory_space<vmem>> -> memref<125xi32, #tpu.memory_space<vmem>>
      %dma_start3A_289 = arith.constant 0 : i32
      %dma_start3A_290 = tpu.memref_slice %arg2[%mul3A_3, %dma_start3A_289] : memref<20000x64xf32, #tpu.memory_space<hbm>> -> memref<10000x64xf32, #tpu.memory_space<hbm>>
      %dma_start3A_291 = arith.constant 0 : i32
      %dma_start3A_292 = arith.constant 0 : i32
      %dma_start3A_293 = tpu.memref_slice %dma_start3A_290[%dma_start3A_291, %dma_start3A_292] : memref<10000x64xf32, #tpu.memory_space<hbm>> -> memref<10000x64xf32, #tpu.memory_space<hbm>>
      tpu.enqueue_indirect_dma source(%dma_start3A_293 : memref<10000x64xf32, #tpu.memory_space<hbm>>) target(%arg8 : memref<125x64xf32, #tpu.memory_space<vmem>>) offsets(%dma_start3A_288 : memref<125xi32, #tpu.memory_space<vmem>>) semaphore(%arg14 : memref<!tpu.dma_semaphore, #tpu.memory_space<semaphore_mem>>)
      %add3A_294 = arith.constant 1 : i32
      %add3A_295 = arith.addi %mul3A_183, %add3A_294 : i32
      %dma_wait3A_296 = arith.constant 0 : i32
      %dma_wait3A_297 = tpu.memref_slice %arg6[%add3A_295, %dma_wait3A_296] : memref<160x125xi32, #tpu.memory_space<vmem>> -> memref<1x125xi32, #tpu.memory_space<vmem>>
      %dma_wait3A_298 = tpu.memref_squeeze %dma_wait3A_297 : memref<1x125xi32, #tpu.memory_space<vmem>> -> memref<125xi32, #tpu.memory_space<vmem>>
      %dma_wait3A_299 = arith.constant 0 : i32
      %dma_wait3A_300 = arith.constant 0 : i32
      %dma_wait3A_301 = tpu.memref_slice %arg13[%dma_wait3A_299, %dma_wait3A_300] : memref<10112x64xf32, #tpu.memory_space<vmem_shared>> -> memref<10112x64xf32, #tpu.memory_space<vmem_shared>>
      tpu.wait_indirect_dma semaphore(%arg20 : memref<!tpu.dma_semaphore, #tpu.memory_space<semaphore_mem>>) src(%arg9 : memref<125x64xf32, #tpu.memory_space<vmem>>) dst(%dma_wait3A_301 : memref<10112x64xf32, #tpu.memory_space<vmem_shared>>)
      %add3A_302 = arith.constant 5 : i32
      %add3A_303 = arith.addi %mul3A_183, %add3A_302 : i32
      %add3A_304 = arith.constant 1 : i32
      %add3A_305 = arith.addi %add3A_303, %add3A_304 : i32
      %dma_start3A_306 = arith.constant 0 : i32
      %dma_start3A_307 = tpu.memref_slice %arg7[%add3A_305, %dma_start3A_306] : memref<160x125xi32, #tpu.memory_space<vmem>> -> memref<1x125xi32, #tpu.memory_space<vmem>>
      %dma_start3A_308 = tpu.memref_squeeze %dma_start3A_307 : memref<1x125xi32, #tpu.memory_space<vmem>> -> memref<125xi32, #tpu.memory_space<vmem>>
      %dma_start3A_309 = arith.constant 0 : i32
      %dma_start3A_310 = tpu.memref_slice %arg2[%mul3A_3, %dma_start3A_309] : memref<20000x64xf32, #tpu.memory_space<hbm>> -> memref<10000x64xf32, #tpu.memory_space<hbm>>
      %dma_start3A_311 = arith.constant 0 : i32
      %dma_start3A_312 = arith.constant 0 : i32
      %dma_start3A_313 = tpu.memref_slice %dma_start3A_310[%dma_start3A_311, %dma_start3A_312] : memref<10000x64xf32, #tpu.memory_space<hbm>> -> memref<10000x64xf32, #tpu.memory_space<hbm>>
      tpu.enqueue_indirect_dma source(%dma_start3A_313 : memref<10000x64xf32, #tpu.memory_space<hbm>>) target(%arg9 : memref<125x64xf32, #tpu.memory_space<vmem>>) offsets(%dma_start3A_308 : memref<125xi32, #tpu.memory_space<vmem>>) semaphore(%arg15 : memref<!tpu.dma_semaphore, #tpu.memory_space<semaphore_mem>>)
      %add3A_314 = arith.constant 2 : i32
      %add3A_315 = arith.addi %mul3A_183, %add3A_314 : i32
      %dma_wait3A_316 = arith.constant 0 : i32
      %dma_wait3A_317 = tpu.memref_slice %arg6[%add3A_315, %dma_wait3A_316] : memref<160x125xi32, #tpu.memory_space<vmem>> -> memref<1x125xi32, #tpu.memory_space<vmem>>
      %dma_wait3A_318 = tpu.memref_squeeze %dma_wait3A_317 : memref<1x125xi32, #tpu.memory_space<vmem>> -> memref<125xi32, #tpu.memory_space<vmem>>
      %dma_wait3A_319 = arith.constant 0 : i32
      %dma_wait3A_320 = arith.constant 0 : i32
      %dma_wait3A_321 = tpu.memref_slice %arg13[%dma_wait3A_319, %dma_wait3A_320] : memref<10112x64xf32, #tpu.memory_space<vmem_shared>> -> memref<10112x64xf32, #tpu.memory_space<vmem_shared>>
      tpu.wait_indirect_dma semaphore(%arg21 : memref<!tpu.dma_semaphore, #tpu.memory_space<semaphore_mem>>) src(%arg10 : memref<125x64xf32, #tpu.memory_space<vmem>>) dst(%dma_wait3A_321 : memref<10112x64xf32, #tpu.memory_space<vmem_shared>>)
      %add3A_322 = arith.constant 5 : i32
      %add3A_323 = arith.addi %mul3A_183, %add3A_322 : i32
      %add3A_324 = arith.constant 2 : i32
      %add3A_325 = arith.addi %add3A_323, %add3A_324 : i32
      %dma_start3A_326 = arith.constant 0 : i32
      %dma_start3A_327 = tpu.memref_slice %arg7[%add3A_325, %dma_start3A_326] : memref<160x125xi32, #tpu.memory_space<vmem>> -> memref<1x125xi32, #tpu.memory_space<vmem>>
      %dma_start3A_328 = tpu.memref_squeeze %dma_start3A_327 : memref<1x125xi32, #tpu.memory_space<vmem>> -> memref<125xi32, #tpu.memory_space<vmem>>
      %dma_start3A_329 = arith.constant 0 : i32
      %dma_start3A_330 = tpu.memref_slice %arg2[%mul3A_3, %dma_start3A_329] : memref<20000x64xf32, #tpu.memory_space<hbm>> -> memref<10000x64xf32, #tpu.memory_space<hbm>>
      %dma_start3A_331 = arith.constant 0 : i32
      %dma_start3A_332 = arith.constant 0 : i32
      %dma_start3A_333 = tpu.memref_slice %dma_start3A_330[%dma_start3A_331, %dma_start3A_332] : memref<10000x64xf32, #tpu.memory_space<hbm>> -> memref<10000x64xf32, #tpu.memory_space<hbm>>
      tpu.enqueue_indirect_dma source(%dma_start3A_333 : memref<10000x64xf32, #tpu.memory_space<hbm>>) target(%arg10 : memref<125x64xf32, #tpu.memory_space<vmem>>) offsets(%dma_start3A_328 : memref<125xi32, #tpu.memory_space<vmem>>) semaphore(%arg16 : memref<!tpu.dma_semaphore, #tpu.memory_space<semaphore_mem>>)
      %add3A_334 = arith.constant 3 : i32
      %add3A_335 = arith.addi %mul3A_183, %add3A_334 : i32
      %dma_wait3A_336 = arith.constant 0 : i32
      %dma_wait3A_337 = tpu.memref_slice %arg6[%add3A_335, %dma_wait3A_336] : memref<160x125xi32, #tpu.memory_space<vmem>> -> memref<1x125xi32, #tpu.memory_space<vmem>>
      %dma_wait3A_338 = tpu.memref_squeeze %dma_wait3A_337 : memref<1x125xi32, #tpu.memory_space<vmem>> -> memref<125xi32, #tpu.memory_space<vmem>>
      %dma_wait3A_339 = arith.constant 0 : i32
      %dma_wait3A_340 = arith.constant 0 : i32
      %dma_wait3A_341 = tpu.memref_slice %arg13[%dma_wait3A_339, %dma_wait3A_340] : memref<10112x64xf32, #tpu.memory_space<vmem_shared>> -> memref<10112x64xf32, #tpu.memory_space<vmem_shared>>
      tpu.wait_indirect_dma semaphore(%arg22 : memref<!tpu.dma_semaphore, #tpu.memory_space<semaphore_mem>>) src(%arg11 : memref<125x64xf32, #tpu.memory_space<vmem>>) dst(%dma_wait3A_341 : memref<10112x64xf32, #tpu.memory_space<vmem_shared>>)
      %add3A_342 = arith.constant 5 : i32
      %add3A_343 = arith.addi %mul3A_183, %add3A_342 : i32
      %add3A_344 = arith.constant 3 : i32
      %add3A_345 = arith.addi %add3A_343, %add3A_344 : i32
      %dma_start3A_346 = arith.constant 0 : i32
      %dma_start3A_347 = tpu.memref_slice %arg7[%add3A_345, %dma_start3A_346] : memref<160x125xi32, #tpu.memory_space<vmem>> -> memref<1x125xi32, #tpu.memory_space<vmem>>
      %dma_start3A_348 = tpu.memref_squeeze %dma_start3A_347 : memref<1x125xi32, #tpu.memory_space<vmem>> -> memref<125xi32, #tpu.memory_space<vmem>>
      %dma_start3A_349 = arith.constant 0 : i32
      %dma_start3A_350 = tpu.memref_slice %arg2[%mul3A_3, %dma_start3A_349] : memref<20000x64xf32, #tpu.memory_space<hbm>> -> memref<10000x64xf32, #tpu.memory_space<hbm>>
      %dma_start3A_351 = arith.constant 0 : i32
      %dma_start3A_352 = arith.constant 0 : i32
      %dma_start3A_353 = tpu.memref_slice %dma_start3A_350[%dma_start3A_351, %dma_start3A_352] : memref<10000x64xf32, #tpu.memory_space<hbm>> -> memref<10000x64xf32, #tpu.memory_space<hbm>>
      tpu.enqueue_indirect_dma source(%dma_start3A_353 : memref<10000x64xf32, #tpu.memory_space<hbm>>) target(%arg11 : memref<125x64xf32, #tpu.memory_space<vmem>>) offsets(%dma_start3A_348 : memref<125xi32, #tpu.memory_space<vmem>>) semaphore(%arg17 : memref<!tpu.dma_semaphore, #tpu.memory_space<semaphore_mem>>)
      %add3A_354 = arith.constant 4 : i32
      %add3A_355 = arith.addi %mul3A_183, %add3A_354 : i32
      %dma_wait3A_356 = arith.constant 0 : i32
      %dma_wait3A_357 = tpu.memref_slice %arg6[%add3A_355, %dma_wait3A_356] : memref<160x125xi32, #tpu.memory_space<vmem>> -> memref<1x125xi32, #tpu.memory_space<vmem>>
      %dma_wait3A_358 = tpu.memref_squeeze %dma_wait3A_357 : memref<1x125xi32, #tpu.memory_space<vmem>> -> memref<125xi32, #tpu.memory_space<vmem>>
      %dma_wait3A_359 = arith.constant 0 : i32
      %dma_wait3A_360 = arith.constant 0 : i32
      %dma_wait3A_361 = tpu.memref_slice %arg13[%dma_wait3A_359, %dma_wait3A_360] : memref<10112x64xf32, #tpu.memory_space<vmem_shared>> -> memref<10112x64xf32, #tpu.memory_space<vmem_shared>>
      tpu.wait_indirect_dma semaphore(%arg23 : memref<!tpu.dma_semaphore, #tpu.memory_space<semaphore_mem>>) src(%arg12 : memref<125x64xf32, #tpu.memory_space<vmem>>) dst(%dma_wait3A_361 : memref<10112x64xf32, #tpu.memory_space<vmem_shared>>)
      %add3A_362 = arith.constant 5 : i32
      %add3A_363 = arith.addi %mul3A_183, %add3A_362 : i32
      %add3A_364 = arith.constant 4 : i32
      %add3A_365 = arith.addi %add3A_363, %add3A_364 : i32
      %dma_start3A_366 = arith.constant 0 : i32
      %dma_start3A_367 = tpu.memref_slice %arg7[%add3A_365, %dma_start3A_366] : memref<160x125xi32, #tpu.memory_space<vmem>> -> memref<1x125xi32, #tpu.memory_space<vmem>>
      %dma_start3A_368 = tpu.memref_squeeze %dma_start3A_367 : memref<1x125xi32, #tpu.memory_space<vmem>> -> memref<125xi32, #tpu.memory_space<vmem>>
      %dma_start3A_369 = arith.constant 0 : i32
      %dma_start3A_370 = tpu.memref_slice %arg2[%mul3A_3, %dma_start3A_369] : memref<20000x64xf32, #tpu.memory_space<hbm>> -> memref<10000x64xf32, #tpu.memory_space<hbm>>
      %dma_start3A_371 = arith.constant 0 : i32
      %dma_start3A_372 = arith.constant 0 : i32
      %dma_start3A_373 = tpu.memref_slice %dma_start3A_370[%dma_start3A_371, %dma_start3A_372] : memref<10000x64xf32, #tpu.memory_space<hbm>> -> memref<10000x64xf32, #tpu.memory_space<hbm>>
      tpu.enqueue_indirect_dma source(%dma_start3A_373 : memref<10000x64xf32, #tpu.memory_space<hbm>>) target(%arg12 : memref<125x64xf32, #tpu.memory_space<vmem>>) offsets(%dma_start3A_368 : memref<125xi32, #tpu.memory_space<vmem>>) semaphore(%arg18 : memref<!tpu.dma_semaphore, #tpu.memory_space<semaphore_mem>>)
    }
    %scan3A_58 = arith.constant 31 : i32
    %dma_wait3A = arith.constant 155 : i32
    %dma_wait3A_59 = arith.constant 0 : i32
    %dma_wait3A_60 = tpu.memref_slice %arg7[%dma_wait3A, %dma_wait3A_59] : memref<160x125xi32, #tpu.memory_space<vmem>> -> memref<1x125xi32, #tpu.memory_space<vmem>>
    %dma_wait3A_61 = tpu.memref_squeeze %dma_wait3A_60 : memref<1x125xi32, #tpu.memory_space<vmem>> -> memref<125xi32, #tpu.memory_space<vmem>>
    %dma_wait3A_62 = arith.constant 0 : i32
    %dma_wait3A_63 = tpu.memref_slice %arg2[%mul3A_3, %dma_wait3A_62] : memref<20000x64xf32, #tpu.memory_space<hbm>> -> memref<10000x64xf32, #tpu.memory_space<hbm>>
    %dma_wait3A_64 = arith.constant 0 : i32
    %dma_wait3A_65 = arith.constant 0 : i32
    %dma_wait3A_66 = tpu.memref_slice %dma_wait3A_63[%dma_wait3A_64, %dma_wait3A_65] : memref<10000x64xf32, #tpu.memory_space<hbm>> -> memref<10000x64xf32, #tpu.memory_space<hbm>>
    tpu.wait_indirect_dma semaphore(%arg14 : memref<!tpu.dma_semaphore, #tpu.memory_space<semaphore_mem>>) src(%dma_wait3A_66 : memref<10000x64xf32, #tpu.memory_space<hbm>>) dst(%arg8 : memref<125x64xf32, #tpu.memory_space<vmem>>)
    %dma_start3A_67 = arith.constant 155 : i32
    %dma_start3A_68 = arith.constant 0 : i32
    %dma_start3A_69 = tpu.memref_slice %arg6[%dma_start3A_67, %dma_start3A_68] : memref<160x125xi32, #tpu.memory_space<vmem>> -> memref<1x125xi32, #tpu.memory_space<vmem>>
    %dma_start3A_70 = tpu.memref_squeeze %dma_start3A_69 : memref<1x125xi32, #tpu.memory_space<vmem>> -> memref<125xi32, #tpu.memory_space<vmem>>
    %dma_start3A_71 = arith.constant 0 : i32
    %dma_start3A_72 = arith.constant 0 : i32
    %dma_start3A_73 = tpu.memref_slice %arg13[%dma_start3A_71, %dma_start3A_72] : memref<10112x64xf32, #tpu.memory_space<vmem_shared>> -> memref<10112x64xf32, #tpu.memory_space<vmem_shared>>
    tpu.enqueue_indirect_dma source(%arg8 : memref<125x64xf32, #tpu.memory_space<vmem>>) target(%dma_start3A_73 : memref<10112x64xf32, #tpu.memory_space<vmem_shared>>) offsets(%dma_start3A_70 : memref<125xi32, #tpu.memory_space<vmem>>) semaphore(%arg19 : memref<!tpu.dma_semaphore, #tpu.memory_space<semaphore_mem>>) {add = true}
    %dma_wait3A_74 = arith.constant 156 : i32
    %dma_wait3A_75 = arith.constant 0 : i32
    %dma_wait3A_76 = tpu.memref_slice %arg7[%dma_wait3A_74, %dma_wait3A_75] : memref<160x125xi32, #tpu.memory_space<vmem>> -> memref<1x125xi32, #tpu.memory_space<vmem>>
    %dma_wait3A_77 = tpu.memref_squeeze %dma_wait3A_76 : memref<1x125xi32, #tpu.memory_space<vmem>> -> memref<125xi32, #tpu.memory_space<vmem>>
    %dma_wait3A_78 = arith.constant 0 : i32
    %dma_wait3A_79 = tpu.memref_slice %arg2[%mul3A_3, %dma_wait3A_78] : memref<20000x64xf32, #tpu.memory_space<hbm>> -> memref<10000x64xf32, #tpu.memory_space<hbm>>
    %dma_wait3A_80 = arith.constant 0 : i32
    %dma_wait3A_81 = arith.constant 0 : i32
    %dma_wait3A_82 = tpu.memref_slice %dma_wait3A_79[%dma_wait3A_80, %dma_wait3A_81] : memref<10000x64xf32, #tpu.memory_space<hbm>> -> memref<10000x64xf32, #tpu.memory_space<hbm>>
    tpu.wait_indirect_dma semaphore(%arg15 : memref<!tpu.dma_semaphore, #tpu.memory_space<semaphore_mem>>) src(%dma_wait3A_82 : memref<10000x64xf32, #tpu.memory_space<hbm>>) dst(%arg9 : memref<125x64xf32, #tpu.memory_space<vmem>>)
    %dma_start3A_83 = arith.constant 156 : i32
    %dma_start3A_84 = arith.constant 0 : i32
    %dma_start3A_85 = tpu.memref_slice %arg6[%dma_start3A_83, %dma_start3A_84] : memref<160x125xi32, #tpu.memory_space<vmem>> -> memref<1x125xi32, #tpu.memory_space<vmem>>
    %dma_start3A_86 = tpu.memref_squeeze %dma_start3A_85 : memref<1x125xi32, #tpu.memory_space<vmem>> -> memref<125xi32, #tpu.memory_space<vmem>>
    %dma_start3A_87 = arith.constant 0 : i32
    %dma_start3A_88 = arith.constant 0 : i32
    %dma_start3A_89 = tpu.memref_slice %arg13[%dma_start3A_87, %dma_start3A_88] : memref<10112x64xf32, #tpu.memory_space<vmem_shared>> -> memref<10112x64xf32, #tpu.memory_space<vmem_shared>>
    tpu.enqueue_indirect_dma source(%arg9 : memref<125x64xf32, #tpu.memory_space<vmem>>) target(%dma_start3A_89 : memref<10112x64xf32, #tpu.memory_space<vmem_shared>>) offsets(%dma_start3A_86 : memref<125xi32, #tpu.memory_space<vmem>>) semaphore(%arg20 : memref<!tpu.dma_semaphore, #tpu.memory_space<semaphore_mem>>) {add = true}
    %dma_wait3A_90 = arith.constant 157 : i32
    %dma_wait3A_91 = arith.constant 0 : i32
    %dma_wait3A_92 = tpu.memref_slice %arg7[%dma_wait3A_90, %dma_wait3A_91] : memref<160x125xi32, #tpu.memory_space<vmem>> -> memref<1x125xi32, #tpu.memory_space<vmem>>
    %dma_wait3A_93 = tpu.memref_squeeze %dma_wait3A_92 : memref<1x125xi32, #tpu.memory_space<vmem>> -> memref<125xi32, #tpu.memory_space<vmem>>
    %dma_wait3A_94 = arith.constant 0 : i32
    %dma_wait3A_95 = tpu.memref_slice %arg2[%mul3A_3, %dma_wait3A_94] : memref<20000x64xf32, #tpu.memory_space<hbm>> -> memref<10000x64xf32, #tpu.memory_space<hbm>>
    %dma_wait3A_96 = arith.constant 0 : i32
    %dma_wait3A_97 = arith.constant 0 : i32
    %dma_wait3A_98 = tpu.memref_slice %dma_wait3A_95[%dma_wait3A_96, %dma_wait3A_97] : memref<10000x64xf32, #tpu.memory_space<hbm>> -> memref<10000x64xf32, #tpu.memory_space<hbm>>
    tpu.wait_indirect_dma semaphore(%arg16 : memref<!tpu.dma_semaphore, #tpu.memory_space<semaphore_mem>>) src(%dma_wait3A_98 : memref<10000x64xf32, #tpu.memory_space<hbm>>) dst(%arg10 : memref<125x64xf32, #tpu.memory_space<vmem>>)
    %dma_start3A_99 = arith.constant 157 : i32
    %dma_start3A_100 = arith.constant 0 : i32
    %dma_start3A_101 = tpu.memref_slice %arg6[%dma_start3A_99, %dma_start3A_100] : memref<160x125xi32, #tpu.memory_space<vmem>> -> memref<1x125xi32, #tpu.memory_space<vmem>>
    %dma_start3A_102 = tpu.memref_squeeze %dma_start3A_101 : memref<1x125xi32, #tpu.memory_space<vmem>> -> memref<125xi32, #tpu.memory_space<vmem>>
    %dma_start3A_103 = arith.constant 0 : i32
    %dma_start3A_104 = arith.constant 0 : i32
    %dma_start3A_105 = tpu.memref_slice %arg13[%dma_start3A_103, %dma_start3A_104] : memref<10112x64xf32, #tpu.memory_space<vmem_shared>> -> memref<10112x64xf32, #tpu.memory_space<vmem_shared>>
    tpu.enqueue_indirect_dma source(%arg10 : memref<125x64xf32, #tpu.memory_space<vmem>>) target(%dma_start3A_105 : memref<10112x64xf32, #tpu.memory_space<vmem_shared>>) offsets(%dma_start3A_102 : memref<125xi32, #tpu.memory_space<vmem>>) semaphore(%arg21 : memref<!tpu.dma_semaphore, #tpu.memory_space<semaphore_mem>>) {add = true}
    %dma_wait3A_106 = arith.constant 158 : i32
    %dma_wait3A_107 = arith.constant 0 : i32
    %dma_wait3A_108 = tpu.memref_slice %arg7[%dma_wait3A_106, %dma_wait3A_107] : memref<160x125xi32, #tpu.memory_space<vmem>> -> memref<1x125xi32, #tpu.memory_space<vmem>>
    %dma_wait3A_109 = tpu.memref_squeeze %dma_wait3A_108 : memref<1x125xi32, #tpu.memory_space<vmem>> -> memref<125xi32, #tpu.memory_space<vmem>>
    %dma_wait3A_110 = arith.constant 0 : i32
    %dma_wait3A_111 = tpu.memref_slice %arg2[%mul3A_3, %dma_wait3A_110] : memref<20000x64xf32, #tpu.memory_space<hbm>> -> memref<10000x64xf32, #tpu.memory_space<hbm>>
    %dma_wait3A_112 = arith.constant 0 : i32
    %dma_wait3A_113 = arith.constant 0 : i32
    %dma_wait3A_114 = tpu.memref_slice %dma_wait3A_111[%dma_wait3A_112, %dma_wait3A_113] : memref<10000x64xf32, #tpu.memory_space<hbm>> -> memref<10000x64xf32, #tpu.memory_space<hbm>>
    tpu.wait_indirect_dma semaphore(%arg17 : memref<!tpu.dma_semaphore, #tpu.memory_space<semaphore_mem>>) src(%dma_wait3A_114 : memref<10000x64xf32, #tpu.memory_space<hbm>>) dst(%arg11 : memref<125x64xf32, #tpu.memory_space<vmem>>)
    %dma_start3A_115 = arith.constant 158 : i32
    %dma_start3A_116 = arith.constant 0 : i32
    %dma_start3A_117 = tpu.memref_slice %arg6[%dma_start3A_115, %dma_start3A_116] : memref<160x125xi32, #tpu.memory_space<vmem>> -> memref<1x125xi32, #tpu.memory_space<vmem>>
    %dma_start3A_118 = tpu.memref_squeeze %dma_start3A_117 : memref<1x125xi32, #tpu.memory_space<vmem>> -> memref<125xi32, #tpu.memory_space<vmem>>
    %dma_start3A_119 = arith.constant 0 : i32
    %dma_start3A_120 = arith.constant 0 : i32
    %dma_start3A_121 = tpu.memref_slice %arg13[%dma_start3A_119, %dma_start3A_120] : memref<10112x64xf32, #tpu.memory_space<vmem_shared>> -> memref<10112x64xf32, #tpu.memory_space<vmem_shared>>
    tpu.enqueue_indirect_dma source(%arg11 : memref<125x64xf32, #tpu.memory_space<vmem>>) target(%dma_start3A_121 : memref<10112x64xf32, #tpu.memory_space<vmem_shared>>) offsets(%dma_start3A_118 : memref<125xi32, #tpu.memory_space<vmem>>) semaphore(%arg22 : memref<!tpu.dma_semaphore, #tpu.memory_space<semaphore_mem>>) {add = true}
    %dma_wait3A_122 = arith.constant 159 : i32
    %dma_wait3A_123 = arith.constant 0 : i32
    %dma_wait3A_124 = tpu.memref_slice %arg7[%dma_wait3A_122, %dma_wait3A_123] : memref<160x125xi32, #tpu.memory_space<vmem>> -> memref<1x125xi32, #tpu.memory_space<vmem>>
    %dma_wait3A_125 = tpu.memref_squeeze %dma_wait3A_124 : memref<1x125xi32, #tpu.memory_space<vmem>> -> memref<125xi32, #tpu.memory_space<vmem>>
    %dma_wait3A_126 = arith.constant 0 : i32
    %dma_wait3A_127 = tpu.memref_slice %arg2[%mul3A_3, %dma_wait3A_126] : memref<20000x64xf32, #tpu.memory_space<hbm>> -> memref<10000x64xf32, #tpu.memory_space<hbm>>
    %dma_wait3A_128 = arith.constant 0 : i32
    %dma_wait3A_129 = arith.constant 0 : i32
    %dma_wait3A_130 = tpu.memref_slice %dma_wait3A_127[%dma_wait3A_128, %dma_wait3A_129] : memref<10000x64xf32, #tpu.memory_space<hbm>> -> memref<10000x64xf32, #tpu.memory_space<hbm>>
    tpu.wait_indirect_dma semaphore(%arg18 : memref<!tpu.dma_semaphore, #tpu.memory_space<semaphore_mem>>) src(%dma_wait3A_130 : memref<10000x64xf32, #tpu.memory_space<hbm>>) dst(%arg12 : memref<125x64xf32, #tpu.memory_space<vmem>>)
    %dma_start3A_131 = arith.constant 159 : i32
    %dma_start3A_132 = arith.constant 0 : i32
    %dma_start3A_133 = tpu.memref_slice %arg6[%dma_start3A_131, %dma_start3A_132] : memref<160x125xi32, #tpu.memory_space<vmem>> -> memref<1x125xi32, #tpu.memory_space<vmem>>
    %dma_start3A_134 = tpu.memref_squeeze %dma_start3A_133 : memref<1x125xi32, #tpu.memory_space<vmem>> -> memref<125xi32, #tpu.memory_space<vmem>>
    %dma_start3A_135 = arith.constant 0 : i32
    %dma_start3A_136 = arith.constant 0 : i32
    %dma_start3A_137 = tpu.memref_slice %arg13[%dma_start3A_135, %dma_start3A_136] : memref<10112x64xf32, #tpu.memory_space<vmem_shared>> -> memref<10112x64xf32, #tpu.memory_space<vmem_shared>>
    tpu.enqueue_indirect_dma source(%arg12 : memref<125x64xf32, #tpu.memory_space<vmem>>) target(%dma_start3A_137 : memref<10112x64xf32, #tpu.memory_space<vmem_shared>>) offsets(%dma_start3A_134 : memref<125xi32, #tpu.memory_space<vmem>>) semaphore(%arg23 : memref<!tpu.dma_semaphore, #tpu.memory_space<semaphore_mem>>) {add = true}
    %dma_wait3A_138 = arith.constant 155 : i32
    %dma_wait3A_139 = arith.constant 0 : i32
    %dma_wait3A_140 = tpu.memref_slice %arg6[%dma_wait3A_138, %dma_wait3A_139] : memref<160x125xi32, #tpu.memory_space<vmem>> -> memref<1x125xi32, #tpu.memory_space<vmem>>
    %dma_wait3A_141 = tpu.memref_squeeze %dma_wait3A_140 : memref<1x125xi32, #tpu.memory_space<vmem>> -> memref<125xi32, #tpu.memory_space<vmem>>
    %dma_wait3A_142 = arith.constant 0 : i32
    %dma_wait3A_143 = arith.constant 0 : i32
    %dma_wait3A_144 = tpu.memref_slice %arg13[%dma_wait3A_142, %dma_wait3A_143] : memref<10112x64xf32, #tpu.memory_space<vmem_shared>> -> memref<10112x64xf32, #tpu.memory_space<vmem_shared>>
    tpu.wait_indirect_dma semaphore(%arg19 : memref<!tpu.dma_semaphore, #tpu.memory_space<semaphore_mem>>) src(%arg8 : memref<125x64xf32, #tpu.memory_space<vmem>>) dst(%dma_wait3A_144 : memref<10112x64xf32, #tpu.memory_space<vmem_shared>>)
    %dma_wait3A_145 = arith.constant 156 : i32
    %dma_wait3A_146 = arith.constant 0 : i32
    %dma_wait3A_147 = tpu.memref_slice %arg6[%dma_wait3A_145, %dma_wait3A_146] : memref<160x125xi32, #tpu.memory_space<vmem>> -> memref<1x125xi32, #tpu.memory_space<vmem>>
    %dma_wait3A_148 = tpu.memref_squeeze %dma_wait3A_147 : memref<1x125xi32, #tpu.memory_space<vmem>> -> memref<125xi32, #tpu.memory_space<vmem>>
    %dma_wait3A_149 = arith.constant 0 : i32
    %dma_wait3A_150 = arith.constant 0 : i32
    %dma_wait3A_151 = tpu.memref_slice %arg13[%dma_wait3A_149, %dma_wait3A_150] : memref<10112x64xf32, #tpu.memory_space<vmem_shared>> -> memref<10112x64xf32, #tpu.memory_space<vmem_shared>>
    tpu.wait_indirect_dma semaphore(%arg20 : memref<!tpu.dma_semaphore, #tpu.memory_space<semaphore_mem>>) src(%arg9 : memref<125x64xf32, #tpu.memory_space<vmem>>) dst(%dma_wait3A_151 : memref<10112x64xf32, #tpu.memory_space<vmem_shared>>)
    %dma_wait3A_152 = arith.constant 157 : i32
    %dma_wait3A_153 = arith.constant 0 : i32
    %dma_wait3A_154 = tpu.memref_slice %arg6[%dma_wait3A_152, %dma_wait3A_153] : memref<160x125xi32, #tpu.memory_space<vmem>> -> memref<1x125xi32, #tpu.memory_space<vmem>>
    %dma_wait3A_155 = tpu.memref_squeeze %dma_wait3A_154 : memref<1x125xi32, #tpu.memory_space<vmem>> -> memref<125xi32, #tpu.memory_space<vmem>>
    %dma_wait3A_156 = arith.constant 0 : i32
    %dma_wait3A_157 = arith.constant 0 : i32
    %dma_wait3A_158 = tpu.memref_slice %arg13[%dma_wait3A_156, %dma_wait3A_157] : memref<10112x64xf32, #tpu.memory_space<vmem_shared>> -> memref<10112x64xf32, #tpu.memory_space<vmem_shared>>
    tpu.wait_indirect_dma semaphore(%arg21 : memref<!tpu.dma_semaphore, #tpu.memory_space<semaphore_mem>>) src(%arg10 : memref<125x64xf32, #tpu.memory_space<vmem>>) dst(%dma_wait3A_158 : memref<10112x64xf32, #tpu.memory_space<vmem_shared>>)
    %dma_wait3A_159 = arith.constant 158 : i32
    %dma_wait3A_160 = arith.constant 0 : i32
    %dma_wait3A_161 = tpu.memref_slice %arg6[%dma_wait3A_159, %dma_wait3A_160] : memref<160x125xi32, #tpu.memory_space<vmem>> -> memref<1x125xi32, #tpu.memory_space<vmem>>
    %dma_wait3A_162 = tpu.memref_squeeze %dma_wait3A_161 : memref<1x125xi32, #tpu.memory_space<vmem>> -> memref<125xi32, #tpu.memory_space<vmem>>
    %dma_wait3A_163 = arith.constant 0 : i32
    %dma_wait3A_164 = arith.constant 0 : i32
    %dma_wait3A_165 = tpu.memref_slice %arg13[%dma_wait3A_163, %dma_wait3A_164] : memref<10112x64xf32, #tpu.memory_space<vmem_shared>> -> memref<10112x64xf32, #tpu.memory_space<vmem_shared>>
    tpu.wait_indirect_dma semaphore(%arg22 : memref<!tpu.dma_semaphore, #tpu.memory_space<semaphore_mem>>) src(%arg11 : memref<125x64xf32, #tpu.memory_space<vmem>>) dst(%dma_wait3A_165 : memref<10112x64xf32, #tpu.memory_space<vmem_shared>>)
    %dma_wait3A_166 = arith.constant 159 : i32
    %dma_wait3A_167 = arith.constant 0 : i32
    %dma_wait3A_168 = tpu.memref_slice %arg6[%dma_wait3A_166, %dma_wait3A_167] : memref<160x125xi32, #tpu.memory_space<vmem>> -> memref<1x125xi32, #tpu.memory_space<vmem>>
    %dma_wait3A_169 = tpu.memref_squeeze %dma_wait3A_168 : memref<1x125xi32, #tpu.memory_space<vmem>> -> memref<125xi32, #tpu.memory_space<vmem>>
    %dma_wait3A_170 = arith.constant 0 : i32
    %dma_wait3A_171 = arith.constant 0 : i32
    %dma_wait3A_172 = tpu.memref_slice %arg13[%dma_wait3A_170, %dma_wait3A_171] : memref<10112x64xf32, #tpu.memory_space<vmem_shared>> -> memref<10112x64xf32, #tpu.memory_space<vmem_shared>>
    tpu.wait_indirect_dma semaphore(%arg23 : memref<!tpu.dma_semaphore, #tpu.memory_space<semaphore_mem>>) src(%arg12 : memref<125x64xf32, #tpu.memory_space<vmem>>) dst(%dma_wait3A_172 : memref<10112x64xf32, #tpu.memory_space<vmem_shared>>)
    %barrier3A_173 = arith.constant 0 : index
    tpu.barrier barrier_id(%barrier3A_173)
    %mul3A_174 = arith.constant 10112 : i32
    %mul3A_175 = arith.muli %arg0, %mul3A_174 : i32
    %mul3A_176 = arith.constant 632 : i32
    %mul3A_177 = arith.muli %arg1, %mul3A_176 : i32
    %add3A_178 = arith.addi %mul3A_175, %mul3A_177 : i32
    %mul3A_179 = arith.constant 632 : i32
    %mul3A_180 = arith.muli %arg1, %mul3A_179 : i32
    "tpu.region"() ({
      %run_scoped3A = tpu.sem_alloc : memref<!tpu.dma_semaphore, #tpu.memory_space<semaphore_mem>>
      %dma_start3A_181 = arith.constant 0 : i32
      %dma_start3A_182 = tpu.memref_slice %arg5[%add3A_178, %dma_start3A_181] : memref<20224x64xf32, #tpu.memory_space<hbm>> -> memref<632x64xf32, #tpu.memory_space<hbm>>
      %dma_start3A_183 = arith.constant 0 : i32
      %dma_start3A_184 = tpu.memref_slice %arg13[%mul3A_180, %dma_start3A_183] : memref<10112x64xf32, #tpu.memory_space<vmem_shared>> -> memref<632x64xf32, #tpu.memory_space<vmem_shared>>
      tpu.enqueue_dma source(%dma_start3A_184 : memref<632x64xf32, #tpu.memory_space<vmem_shared>>) target(%dma_start3A_182 : memref<632x64xf32, #tpu.memory_space<hbm>>) target_semaphore(%run_scoped3A : memref<!tpu.dma_semaphore, #tpu.memory_space<semaphore_mem>>)
      %dma_wait3A_185 = arith.constant 0 : i32
      %dma_wait3A_186 = tpu.memref_slice %arg5[%add3A_178, %dma_wait3A_185] : memref<20224x64xf32, #tpu.memory_space<hbm>> -> memref<632x64xf32, #tpu.memory_space<hbm>>
      %dma_wait3A_187 = arith.constant 0 : i32
      %dma_wait3A_188 = tpu.memref_slice %arg13[%mul3A_180, %dma_wait3A_187] : memref<10112x64xf32, #tpu.memory_space<vmem_shared>> -> memref<632x64xf32, #tpu.memory_space<vmem_shared>>
      tpu.wait_dma2 semaphore(%run_scoped3A : memref<!tpu.dma_semaphore, #tpu.memory_space<semaphore_mem>>) src(%dma_wait3A_188 : memref<632x64xf32, #tpu.memory_space<vmem_shared>>) dst(%dma_wait3A_186 : memref<632x64xf32, #tpu.memory_space<hbm>>)
      tpu.yield
    }) : () -> ()
    return
  }
}

#map = affine_map<(d0, d1) -> (0, 0)>
module attributes {stable_mosaic.version = 14 : i64} {
  func.func @_deg_body(%arg0: i32, %arg1: i32, %arg2: memref<5120x125xi32, #tpu.memory_space<hbm>>, %arg3: memref<125x16xf32, #tpu.memory_space<hbm>>, %arg4: memref<320x16xf32, #tpu.memory_space<hbm>>, %arg5: memref<20224x16xf32, #tpu.memory_space<hbm>>, %arg6: memref<80x125xi32, #tpu.memory_space<vmem>>, %arg7: memref<125x16xf32, #tpu.memory_space<vmem>>, %arg8: memref<320x16xf32, #tpu.memory_space<vmem>>, %arg9: memref<10112x16xf32, #tpu.memory_space<vmem_shared>>) attributes {dimension_semantics = [#tpu.dimension_semantics<core_parallel>, #tpu.dimension_semantics<subcore_parallel>], iteration_bounds = array<i64: 2, 16>, scalar_prefetch = 0 : i64, scratch_operands = 4 : i64, tpu.core_type = #tpu.core_type<sc_vector_subcore>, window_params = [{transform_indices = #map}, {transform_indices = #map}, {transform_indices = #map}, {transform_indices = #map}]} {
    %mul3A = arith.constant 16 : i32
    %mul3A_0 = arith.muli %arg0, %mul3A : i32
    %add3A = arith.addi %mul3A_0, %arg1 : i32
    %mul3A_1 = arith.constant 80 : i32
    %mul3A_2 = arith.muli %add3A, %mul3A_1 : i32
    "tpu.region"() ({
      %run_scoped3A = tpu.sem_alloc : memref<!tpu.dma_semaphore, #tpu.memory_space<semaphore_mem>>
      %dma_start3A = arith.constant 0 : i32
      %dma_start3A_28 = tpu.memref_slice %arg2[%mul3A_2, %dma_start3A] : memref<5120x125xi32, #tpu.memory_space<hbm>> -> memref<80x125xi32, #tpu.memory_space<hbm>>
      %dma_start3A_29 = arith.constant 0 : i32
      %dma_start3A_30 = tpu.memref_slice %arg2[%mul3A_2, %dma_start3A_29] : memref<5120x125xi32, #tpu.memory_space<hbm>> -> memref<80x125xi32, #tpu.memory_space<hbm>>
      tpu.enqueue_dma source(%dma_start3A_30 : memref<80x125xi32, #tpu.memory_space<hbm>>) target(%arg6 : memref<80x125xi32, #tpu.memory_space<vmem>>) target_semaphore(%run_scoped3A : memref<!tpu.dma_semaphore, #tpu.memory_space<semaphore_mem>>)
      %dma_wait3A = arith.constant 0 : i32
      %dma_wait3A_31 = tpu.memref_slice %arg2[%mul3A_2, %dma_wait3A] : memref<5120x125xi32, #tpu.memory_space<hbm>> -> memref<80x125xi32, #tpu.memory_space<hbm>>
      %dma_wait3A_32 = arith.constant 0 : i32
      %dma_wait3A_33 = tpu.memref_slice %arg2[%mul3A_2, %dma_wait3A_32] : memref<5120x125xi32, #tpu.memory_space<hbm>> -> memref<80x125xi32, #tpu.memory_space<hbm>>
      tpu.wait_dma2 semaphore(%run_scoped3A : memref<!tpu.dma_semaphore, #tpu.memory_space<semaphore_mem>>) src(%dma_wait3A_33 : memref<80x125xi32, #tpu.memory_space<hbm>>) dst(%arg6 : memref<80x125xi32, #tpu.memory_space<vmem>>)
      tpu.yield
    }) : () -> ()
    "tpu.region"() ({
      %run_scoped3A = tpu.sem_alloc : memref<!tpu.dma_semaphore, #tpu.memory_space<semaphore_mem>>
      tpu.enqueue_dma source(%arg3 : memref<125x16xf32, #tpu.memory_space<hbm>>) target(%arg7 : memref<125x16xf32, #tpu.memory_space<vmem>>) target_semaphore(%run_scoped3A : memref<!tpu.dma_semaphore, #tpu.memory_space<semaphore_mem>>)
      tpu.wait_dma2 semaphore(%run_scoped3A : memref<!tpu.dma_semaphore, #tpu.memory_space<semaphore_mem>>) src(%arg3 : memref<125x16xf32, #tpu.memory_space<hbm>>) dst(%arg7 : memref<125x16xf32, #tpu.memory_space<vmem>>)
      tpu.yield
    }) : () -> ()
    "tpu.region"() ({
      %run_scoped3A = tpu.sem_alloc : memref<!tpu.dma_semaphore, #tpu.memory_space<semaphore_mem>>
      tpu.enqueue_dma source(%arg4 : memref<320x16xf32, #tpu.memory_space<hbm>>) target(%arg8 : memref<320x16xf32, #tpu.memory_space<vmem>>) target_semaphore(%run_scoped3A : memref<!tpu.dma_semaphore, #tpu.memory_space<semaphore_mem>>)
      tpu.wait_dma2 semaphore(%run_scoped3A : memref<!tpu.dma_semaphore, #tpu.memory_space<semaphore_mem>>) src(%arg4 : memref<320x16xf32, #tpu.memory_space<hbm>>) dst(%arg8 : memref<320x16xf32, #tpu.memory_space<vmem>>)
      tpu.yield
    }) : () -> ()
    %mul3A_3 = arith.constant 632 : i32
    %mul3A_4 = arith.muli %arg1, %mul3A_3 : i32
    "tpu.region"() ({
      %run_scoped3A = tpu.sem_alloc : memref<!tpu.dma_semaphore, #tpu.memory_space<semaphore_mem>>
      %dma_start3A = arith.constant 0 : i32
      %dma_start3A_28 = arith.constant 0 : i32
      %dma_start3A_29 = tpu.memref_slice %arg8[%dma_start3A, %dma_start3A_28] : memref<320x16xf32, #tpu.memory_space<vmem>> -> memref<320x16xf32, #tpu.memory_space<vmem>>
      %dma_start3A_30 = arith.constant 0 : i32
      %dma_start3A_31 = tpu.memref_slice %arg9[%mul3A_4, %dma_start3A_30] : memref<10112x16xf32, #tpu.memory_space<vmem_shared>> -> memref<320x16xf32, #tpu.memory_space<vmem_shared>>
      %dma_start3A_32 = arith.constant 0 : i32
      %dma_start3A_33 = tpu.memref_slice %arg9[%mul3A_4, %dma_start3A_32] : memref<10112x16xf32, #tpu.memory_space<vmem_shared>> -> memref<320x16xf32, #tpu.memory_space<vmem_shared>>
      %dma_start3A_34 = arith.constant 0 : i32
      %dma_start3A_35 = arith.constant 0 : i32
      %dma_start3A_36 = tpu.memref_slice %arg8[%dma_start3A_34, %dma_start3A_35] : memref<320x16xf32, #tpu.memory_space<vmem>> -> memref<320x16xf32, #tpu.memory_space<vmem>>
      tpu.enqueue_dma source(%dma_start3A_36 : memref<320x16xf32, #tpu.memory_space<vmem>>) target(%dma_start3A_33 : memref<320x16xf32, #tpu.memory_space<vmem_shared>>) target_semaphore(%run_scoped3A : memref<!tpu.dma_semaphore, #tpu.memory_space<semaphore_mem>>)
      %dma_wait3A = arith.constant 0 : i32
      %dma_wait3A_37 = arith.constant 0 : i32
      %dma_wait3A_38 = tpu.memref_slice %arg8[%dma_wait3A, %dma_wait3A_37] : memref<320x16xf32, #tpu.memory_space<vmem>> -> memref<320x16xf32, #tpu.memory_space<vmem>>
      %dma_wait3A_39 = arith.constant 0 : i32
      %dma_wait3A_40 = tpu.memref_slice %arg9[%mul3A_4, %dma_wait3A_39] : memref<10112x16xf32, #tpu.memory_space<vmem_shared>> -> memref<320x16xf32, #tpu.memory_space<vmem_shared>>
      %dma_wait3A_41 = arith.constant 0 : i32
      %dma_wait3A_42 = tpu.memref_slice %arg9[%mul3A_4, %dma_wait3A_41] : memref<10112x16xf32, #tpu.memory_space<vmem_shared>> -> memref<320x16xf32, #tpu.memory_space<vmem_shared>>
      %dma_wait3A_43 = arith.constant 0 : i32
      %dma_wait3A_44 = arith.constant 0 : i32
      %dma_wait3A_45 = tpu.memref_slice %arg8[%dma_wait3A_43, %dma_wait3A_44] : memref<320x16xf32, #tpu.memory_space<vmem>> -> memref<320x16xf32, #tpu.memory_space<vmem>>
      tpu.wait_dma2 semaphore(%run_scoped3A : memref<!tpu.dma_semaphore, #tpu.memory_space<semaphore_mem>>) src(%dma_wait3A_45 : memref<320x16xf32, #tpu.memory_space<vmem>>) dst(%dma_wait3A_42 : memref<320x16xf32, #tpu.memory_space<vmem_shared>>)
      tpu.yield
    }) : () -> ()
    %mul3A_5 = arith.constant 632 : i32
    %mul3A_6 = arith.muli %arg1, %mul3A_5 : i32
    %add3A_7 = arith.constant 320 : i32
    %add3A_8 = arith.addi %mul3A_6, %add3A_7 : i32
    "tpu.region"() ({
      %run_scoped3A = tpu.sem_alloc : memref<!tpu.dma_semaphore, #tpu.memory_space<semaphore_mem>>
      %dma_start3A = arith.constant 0 : i32
      %dma_start3A_28 = arith.constant 0 : i32
      %dma_start3A_29 = tpu.memref_slice %arg8[%dma_start3A, %dma_start3A_28] : memref<320x16xf32, #tpu.memory_space<vmem>> -> memref<312x16xf32, #tpu.memory_space<vmem>>
      %dma_start3A_30 = arith.constant 0 : i32
      %dma_start3A_31 = tpu.memref_slice %arg9[%add3A_8, %dma_start3A_30] : memref<10112x16xf32, #tpu.memory_space<vmem_shared>> -> memref<312x16xf32, #tpu.memory_space<vmem_shared>>
      %dma_start3A_32 = arith.constant 0 : i32
      %dma_start3A_33 = tpu.memref_slice %arg9[%add3A_8, %dma_start3A_32] : memref<10112x16xf32, #tpu.memory_space<vmem_shared>> -> memref<312x16xf32, #tpu.memory_space<vmem_shared>>
      %dma_start3A_34 = arith.constant 0 : i32
      %dma_start3A_35 = arith.constant 0 : i32
      %dma_start3A_36 = tpu.memref_slice %arg8[%dma_start3A_34, %dma_start3A_35] : memref<320x16xf32, #tpu.memory_space<vmem>> -> memref<312x16xf32, #tpu.memory_space<vmem>>
      tpu.enqueue_dma source(%dma_start3A_36 : memref<312x16xf32, #tpu.memory_space<vmem>>) target(%dma_start3A_33 : memref<312x16xf32, #tpu.memory_space<vmem_shared>>) target_semaphore(%run_scoped3A : memref<!tpu.dma_semaphore, #tpu.memory_space<semaphore_mem>>)
      %dma_wait3A = arith.constant 0 : i32
      %dma_wait3A_37 = arith.constant 0 : i32
      %dma_wait3A_38 = tpu.memref_slice %arg8[%dma_wait3A, %dma_wait3A_37] : memref<320x16xf32, #tpu.memory_space<vmem>> -> memref<312x16xf32, #tpu.memory_space<vmem>>
      %dma_wait3A_39 = arith.constant 0 : i32
      %dma_wait3A_40 = tpu.memref_slice %arg9[%add3A_8, %dma_wait3A_39] : memref<10112x16xf32, #tpu.memory_space<vmem_shared>> -> memref<312x16xf32, #tpu.memory_space<vmem_shared>>
      %dma_wait3A_41 = arith.constant 0 : i32
      %dma_wait3A_42 = tpu.memref_slice %arg9[%add3A_8, %dma_wait3A_41] : memref<10112x16xf32, #tpu.memory_space<vmem_shared>> -> memref<312x16xf32, #tpu.memory_space<vmem_shared>>
      %dma_wait3A_43 = arith.constant 0 : i32
      %dma_wait3A_44 = arith.constant 0 : i32
      %dma_wait3A_45 = tpu.memref_slice %arg8[%dma_wait3A_43, %dma_wait3A_44] : memref<320x16xf32, #tpu.memory_space<vmem>> -> memref<312x16xf32, #tpu.memory_space<vmem>>
      tpu.wait_dma2 semaphore(%run_scoped3A : memref<!tpu.dma_semaphore, #tpu.memory_space<semaphore_mem>>) src(%dma_wait3A_45 : memref<312x16xf32, #tpu.memory_space<vmem>>) dst(%dma_wait3A_42 : memref<312x16xf32, #tpu.memory_space<vmem_shared>>)
      tpu.yield
    }) : () -> ()
    %barrier3A = arith.constant 0 : index
    tpu.barrier barrier_id(%barrier3A)
    %scan3A = arith.constant 0 : i32
    %scan3A_9 = arith.constant 0 : i32
    %scan3A_10 = arith.constant 80 : i32
    %scan3A_11 = arith.addi %scan3A_9, %scan3A_10 : i32
    %scan3A_12 = arith.constant 1 : i32
    scf.for %scan3A_28 = %scan3A_9 to %scan3A_11 step %scan3A_12  : i32 {
      "tpu.region"() ({
        %run_scoped3A = tpu.sem_alloc : memref<!tpu.dma_semaphore, #tpu.memory_space<semaphore_mem>>
        %dma_start3A = arith.constant 0 : i32
        %dma_start3A_29 = tpu.memref_slice %arg6[%scan3A_28, %dma_start3A] : memref<80x125xi32, #tpu.memory_space<vmem>> -> memref<1x125xi32, #tpu.memory_space<vmem>>
        %dma_start3A_30 = tpu.memref_squeeze %dma_start3A_29 : memref<1x125xi32, #tpu.memory_space<vmem>> -> memref<125xi32, #tpu.memory_space<vmem>>
        %dma_start3A_31 = arith.constant 0 : i32
        %dma_start3A_32 = arith.constant 0 : i32
        %dma_start3A_33 = tpu.memref_slice %arg9[%dma_start3A_31, %dma_start3A_32] : memref<10112x16xf32, #tpu.memory_space<vmem_shared>> -> memref<10112x16xf32, #tpu.memory_space<vmem_shared>>
        tpu.enqueue_indirect_dma source(%arg7 : memref<125x16xf32, #tpu.memory_space<vmem>>) target(%dma_start3A_33 : memref<10112x16xf32, #tpu.memory_space<vmem_shared>>) offsets(%dma_start3A_30 : memref<125xi32, #tpu.memory_space<vmem>>) semaphore(%run_scoped3A : memref<!tpu.dma_semaphore, #tpu.memory_space<semaphore_mem>>) {add = true}
        %dma_wait3A = arith.constant 0 : i32
        %dma_wait3A_34 = tpu.memref_slice %arg6[%scan3A_28, %dma_wait3A] : memref<80x125xi32, #tpu.memory_space<vmem>> -> memref<1x125xi32, #tpu.memory_space<vmem>>
        %dma_wait3A_35 = tpu.memref_squeeze %dma_wait3A_34 : memref<1x125xi32, #tpu.memory_space<vmem>> -> memref<125xi32, #tpu.memory_space<vmem>>
        %dma_wait3A_36 = arith.constant 0 : i32
        %dma_wait3A_37 = arith.constant 0 : i32
        %dma_wait3A_38 = tpu.memref_slice %arg9[%dma_wait3A_36, %dma_wait3A_37] : memref<10112x16xf32, #tpu.memory_space<vmem_shared>> -> memref<10112x16xf32, #tpu.memory_space<vmem_shared>>
        tpu.wait_indirect_dma semaphore(%run_scoped3A : memref<!tpu.dma_semaphore, #tpu.memory_space<semaphore_mem>>) src(%arg7 : memref<125x16xf32, #tpu.memory_space<vmem>>) dst(%dma_wait3A_38 : memref<10112x16xf32, #tpu.memory_space<vmem_shared>>)
        tpu.yield
      }) : () -> ()
    }
    %scan3A_13 = arith.constant 80 : i32
    %barrier3A_14 = arith.constant 0 : index
    tpu.barrier barrier_id(%barrier3A_14)
    %mul3A_15 = arith.constant 10112 : i32
    %mul3A_16 = arith.muli %arg0, %mul3A_15 : i32
    %mul3A_17 = arith.constant 632 : i32
    %mul3A_18 = arith.muli %arg1, %mul3A_17 : i32
    %add3A_19 = arith.addi %mul3A_16, %mul3A_18 : i32
    %mul3A_20 = arith.constant 632 : i32
    %mul3A_21 = arith.muli %arg1, %mul3A_20 : i32
    "tpu.region"() ({
      %run_scoped3A = tpu.sem_alloc : memref<!tpu.dma_semaphore, #tpu.memory_space<semaphore_mem>>
      %dma_start3A = arith.constant 0 : i32
      %dma_start3A_28 = arith.constant 0 : i32
      %dma_start3A_29 = tpu.memref_slice %arg8[%dma_start3A, %dma_start3A_28] : memref<320x16xf32, #tpu.memory_space<vmem>> -> memref<320x16xf32, #tpu.memory_space<vmem>>
      %dma_start3A_30 = arith.constant 0 : i32
      %dma_start3A_31 = tpu.memref_slice %arg9[%mul3A_21, %dma_start3A_30] : memref<10112x16xf32, #tpu.memory_space<vmem_shared>> -> memref<320x16xf32, #tpu.memory_space<vmem_shared>>
      %dma_start3A_32 = arith.constant 0 : i32
      %dma_start3A_33 = arith.constant 0 : i32
      %dma_start3A_34 = tpu.memref_slice %arg8[%dma_start3A_32, %dma_start3A_33] : memref<320x16xf32, #tpu.memory_space<vmem>> -> memref<320x16xf32, #tpu.memory_space<vmem>>
      %dma_start3A_35 = arith.constant 0 : i32
      %dma_start3A_36 = tpu.memref_slice %arg9[%mul3A_21, %dma_start3A_35] : memref<10112x16xf32, #tpu.memory_space<vmem_shared>> -> memref<320x16xf32, #tpu.memory_space<vmem_shared>>
      tpu.enqueue_dma source(%dma_start3A_36 : memref<320x16xf32, #tpu.memory_space<vmem_shared>>) target(%dma_start3A_34 : memref<320x16xf32, #tpu.memory_space<vmem>>) target_semaphore(%run_scoped3A : memref<!tpu.dma_semaphore, #tpu.memory_space<semaphore_mem>>)
      %dma_wait3A = arith.constant 0 : i32
      %dma_wait3A_37 = arith.constant 0 : i32
      %dma_wait3A_38 = tpu.memref_slice %arg8[%dma_wait3A, %dma_wait3A_37] : memref<320x16xf32, #tpu.memory_space<vmem>> -> memref<320x16xf32, #tpu.memory_space<vmem>>
      %dma_wait3A_39 = arith.constant 0 : i32
      %dma_wait3A_40 = tpu.memref_slice %arg9[%mul3A_21, %dma_wait3A_39] : memref<10112x16xf32, #tpu.memory_space<vmem_shared>> -> memref<320x16xf32, #tpu.memory_space<vmem_shared>>
      %dma_wait3A_41 = arith.constant 0 : i32
      %dma_wait3A_42 = arith.constant 0 : i32
      %dma_wait3A_43 = tpu.memref_slice %arg8[%dma_wait3A_41, %dma_wait3A_42] : memref<320x16xf32, #tpu.memory_space<vmem>> -> memref<320x16xf32, #tpu.memory_space<vmem>>
      %dma_wait3A_44 = arith.constant 0 : i32
      %dma_wait3A_45 = tpu.memref_slice %arg9[%mul3A_21, %dma_wait3A_44] : memref<10112x16xf32, #tpu.memory_space<vmem_shared>> -> memref<320x16xf32, #tpu.memory_space<vmem_shared>>
      tpu.wait_dma2 semaphore(%run_scoped3A : memref<!tpu.dma_semaphore, #tpu.memory_space<semaphore_mem>>) src(%dma_wait3A_45 : memref<320x16xf32, #tpu.memory_space<vmem_shared>>) dst(%dma_wait3A_43 : memref<320x16xf32, #tpu.memory_space<vmem>>)
      tpu.yield
    }) : () -> ()
    "tpu.region"() ({
      %run_scoped3A = tpu.sem_alloc : memref<!tpu.dma_semaphore, #tpu.memory_space<semaphore_mem>>
      %dma_start3A = arith.constant 0 : i32
      %dma_start3A_28 = arith.constant 0 : i32
      %dma_start3A_29 = tpu.memref_slice %arg8[%dma_start3A, %dma_start3A_28] : memref<320x16xf32, #tpu.memory_space<vmem>> -> memref<320x16xf32, #tpu.memory_space<vmem>>
      %dma_start3A_30 = arith.constant 0 : i32
      %dma_start3A_31 = tpu.memref_slice %arg5[%add3A_19, %dma_start3A_30] : memref<20224x16xf32, #tpu.memory_space<hbm>> -> memref<320x16xf32, #tpu.memory_space<hbm>>
      %dma_start3A_32 = arith.constant 0 : i32
      %dma_start3A_33 = tpu.memref_slice %arg5[%add3A_19, %dma_start3A_32] : memref<20224x16xf32, #tpu.memory_space<hbm>> -> memref<320x16xf32, #tpu.memory_space<hbm>>
      %dma_start3A_34 = arith.constant 0 : i32
      %dma_start3A_35 = arith.constant 0 : i32
      %dma_start3A_36 = tpu.memref_slice %arg8[%dma_start3A_34, %dma_start3A_35] : memref<320x16xf32, #tpu.memory_space<vmem>> -> memref<320x16xf32, #tpu.memory_space<vmem>>
      tpu.enqueue_dma source(%dma_start3A_36 : memref<320x16xf32, #tpu.memory_space<vmem>>) target(%dma_start3A_33 : memref<320x16xf32, #tpu.memory_space<hbm>>) target_semaphore(%run_scoped3A : memref<!tpu.dma_semaphore, #tpu.memory_space<semaphore_mem>>)
      %dma_wait3A = arith.constant 0 : i32
      %dma_wait3A_37 = arith.constant 0 : i32
      %dma_wait3A_38 = tpu.memref_slice %arg8[%dma_wait3A, %dma_wait3A_37] : memref<320x16xf32, #tpu.memory_space<vmem>> -> memref<320x16xf32, #tpu.memory_space<vmem>>
      %dma_wait3A_39 = arith.constant 0 : i32
      %dma_wait3A_40 = tpu.memref_slice %arg5[%add3A_19, %dma_wait3A_39] : memref<20224x16xf32, #tpu.memory_space<hbm>> -> memref<320x16xf32, #tpu.memory_space<hbm>>
      %dma_wait3A_41 = arith.constant 0 : i32
      %dma_wait3A_42 = tpu.memref_slice %arg5[%add3A_19, %dma_wait3A_41] : memref<20224x16xf32, #tpu.memory_space<hbm>> -> memref<320x16xf32, #tpu.memory_space<hbm>>
      %dma_wait3A_43 = arith.constant 0 : i32
      %dma_wait3A_44 = arith.constant 0 : i32
      %dma_wait3A_45 = tpu.memref_slice %arg8[%dma_wait3A_43, %dma_wait3A_44] : memref<320x16xf32, #tpu.memory_space<vmem>> -> memref<320x16xf32, #tpu.memory_space<vmem>>
      tpu.wait_dma2 semaphore(%run_scoped3A : memref<!tpu.dma_semaphore, #tpu.memory_space<semaphore_mem>>) src(%dma_wait3A_45 : memref<320x16xf32, #tpu.memory_space<vmem>>) dst(%dma_wait3A_42 : memref<320x16xf32, #tpu.memory_space<hbm>>)
      tpu.yield
    }) : () -> ()
    %mul3A_22 = arith.constant 632 : i32
    %mul3A_23 = arith.muli %arg1, %mul3A_22 : i32
    %add3A_24 = arith.constant 320 : i32
    %add3A_25 = arith.addi %mul3A_23, %add3A_24 : i32
    "tpu.region"() ({
      %run_scoped3A = tpu.sem_alloc : memref<!tpu.dma_semaphore, #tpu.memory_space<semaphore_mem>>
      %dma_start3A = arith.constant 0 : i32
      %dma_start3A_28 = arith.constant 0 : i32
      %dma_start3A_29 = tpu.memref_slice %arg8[%dma_start3A, %dma_start3A_28] : memref<320x16xf32, #tpu.memory_space<vmem>> -> memref<312x16xf32, #tpu.memory_space<vmem>>
      %dma_start3A_30 = arith.constant 0 : i32
      %dma_start3A_31 = tpu.memref_slice %arg9[%add3A_25, %dma_start3A_30] : memref<10112x16xf32, #tpu.memory_space<vmem_shared>> -> memref<312x16xf32, #tpu.memory_space<vmem_shared>>
      %dma_start3A_32 = arith.constant 0 : i32
      %dma_start3A_33 = arith.constant 0 : i32
      %dma_start3A_34 = tpu.memref_slice %arg8[%dma_start3A_32, %dma_start3A_33] : memref<320x16xf32, #tpu.memory_space<vmem>> -> memref<312x16xf32, #tpu.memory_space<vmem>>
      %dma_start3A_35 = arith.constant 0 : i32
      %dma_start3A_36 = tpu.memref_slice %arg9[%add3A_25, %dma_start3A_35] : memref<10112x16xf32, #tpu.memory_space<vmem_shared>> -> memref<312x16xf32, #tpu.memory_space<vmem_shared>>
      tpu.enqueue_dma source(%dma_start3A_36 : memref<312x16xf32, #tpu.memory_space<vmem_shared>>) target(%dma_start3A_34 : memref<312x16xf32, #tpu.memory_space<vmem>>) target_semaphore(%run_scoped3A : memref<!tpu.dma_semaphore, #tpu.memory_space<semaphore_mem>>)
      %dma_wait3A = arith.constant 0 : i32
      %dma_wait3A_37 = arith.constant 0 : i32
      %dma_wait3A_38 = tpu.memref_slice %arg8[%dma_wait3A, %dma_wait3A_37] : memref<320x16xf32, #tpu.memory_space<vmem>> -> memref<312x16xf32, #tpu.memory_space<vmem>>
      %dma_wait3A_39 = arith.constant 0 : i32
      %dma_wait3A_40 = tpu.memref_slice %arg9[%add3A_25, %dma_wait3A_39] : memref<10112x16xf32, #tpu.memory_space<vmem_shared>> -> memref<312x16xf32, #tpu.memory_space<vmem_shared>>
      %dma_wait3A_41 = arith.constant 0 : i32
      %dma_wait3A_42 = arith.constant 0 : i32
      %dma_wait3A_43 = tpu.memref_slice %arg8[%dma_wait3A_41, %dma_wait3A_42] : memref<320x16xf32, #tpu.memory_space<vmem>> -> memref<312x16xf32, #tpu.memory_space<vmem>>
      %dma_wait3A_44 = arith.constant 0 : i32
      %dma_wait3A_45 = tpu.memref_slice %arg9[%add3A_25, %dma_wait3A_44] : memref<10112x16xf32, #tpu.memory_space<vmem_shared>> -> memref<312x16xf32, #tpu.memory_space<vmem_shared>>
      tpu.wait_dma2 semaphore(%run_scoped3A : memref<!tpu.dma_semaphore, #tpu.memory_space<semaphore_mem>>) src(%dma_wait3A_45 : memref<312x16xf32, #tpu.memory_space<vmem_shared>>) dst(%dma_wait3A_43 : memref<312x16xf32, #tpu.memory_space<vmem>>)
      tpu.yield
    }) : () -> ()
    %add3A_26 = arith.constant 320 : i32
    %add3A_27 = arith.addi %add3A_19, %add3A_26 : i32
    "tpu.region"() ({
      %run_scoped3A = tpu.sem_alloc : memref<!tpu.dma_semaphore, #tpu.memory_space<semaphore_mem>>
      %dma_start3A = arith.constant 0 : i32
      %dma_start3A_28 = arith.constant 0 : i32
      %dma_start3A_29 = tpu.memref_slice %arg8[%dma_start3A, %dma_start3A_28] : memref<320x16xf32, #tpu.memory_space<vmem>> -> memref<312x16xf32, #tpu.memory_space<vmem>>
      %dma_start3A_30 = arith.constant 0 : i32
      %dma_start3A_31 = tpu.memref_slice %arg5[%add3A_27, %dma_start3A_30] : memref<20224x16xf32, #tpu.memory_space<hbm>> -> memref<312x16xf32, #tpu.memory_space<hbm>>
      %dma_start3A_32 = arith.constant 0 : i32
      %dma_start3A_33 = tpu.memref_slice %arg5[%add3A_27, %dma_start3A_32] : memref<20224x16xf32, #tpu.memory_space<hbm>> -> memref<312x16xf32, #tpu.memory_space<hbm>>
      %dma_start3A_34 = arith.constant 0 : i32
      %dma_start3A_35 = arith.constant 0 : i32
      %dma_start3A_36 = tpu.memref_slice %arg8[%dma_start3A_34, %dma_start3A_35] : memref<320x16xf32, #tpu.memory_space<vmem>> -> memref<312x16xf32, #tpu.memory_space<vmem>>
      tpu.enqueue_dma source(%dma_start3A_36 : memref<312x16xf32, #tpu.memory_space<vmem>>) target(%dma_start3A_33 : memref<312x16xf32, #tpu.memory_space<hbm>>) target_semaphore(%run_scoped3A : memref<!tpu.dma_semaphore, #tpu.memory_space<semaphore_mem>>)
      %dma_wait3A = arith.constant 0 : i32
      %dma_wait3A_37 = arith.constant 0 : i32
      %dma_wait3A_38 = tpu.memref_slice %arg8[%dma_wait3A, %dma_wait3A_37] : memref<320x16xf32, #tpu.memory_space<vmem>> -> memref<312x16xf32, #tpu.memory_space<vmem>>
      %dma_wait3A_39 = arith.constant 0 : i32
      %dma_wait3A_40 = tpu.memref_slice %arg5[%add3A_27, %dma_wait3A_39] : memref<20224x16xf32, #tpu.memory_space<hbm>> -> memref<312x16xf32, #tpu.memory_space<hbm>>
      %dma_wait3A_41 = arith.constant 0 : i32
      %dma_wait3A_42 = tpu.memref_slice %arg5[%add3A_27, %dma_wait3A_41] : memref<20224x16xf32, #tpu.memory_space<hbm>> -> memref<312x16xf32, #tpu.memory_space<hbm>>
      %dma_wait3A_43 = arith.constant 0 : i32
      %dma_wait3A_44 = arith.constant 0 : i32
      %dma_wait3A_45 = tpu.memref_slice %arg8[%dma_wait3A_43, %dma_wait3A_44] : memref<320x16xf32, #tpu.memory_space<vmem>> -> memref<312x16xf32, #tpu.memory_space<vmem>>
      tpu.wait_dma2 semaphore(%run_scoped3A : memref<!tpu.dma_semaphore, #tpu.memory_space<semaphore_mem>>) src(%dma_wait3A_45 : memref<312x16xf32, #tpu.memory_space<vmem>>) dst(%dma_wait3A_42 : memref<312x16xf32, #tpu.memory_space<hbm>>)
      tpu.yield
    }) : () -> ()
    return
  }
}

module attributes {stable_mosaic.version = 14 : i64} {
  func.func @_stage0_body(%arg0: i32, %arg1: memref<1000x128xf32, #tpu.memory_space<vmem>>, %arg2: memref<2x1000x16xf32, #tpu.memory_space<vmem>>, %arg3: memref<128x128xf32, #tpu.memory_space<vmem>>, %arg4: memref<128x128xf32, #tpu.memory_space<vmem>>, %arg5: memref<128x1xf32, #tpu.memory_space<vmem>>, %arg6: memref<128x128xf32, #tpu.memory_space<vmem>>, %arg7: memref<128x128xf32, #tpu.memory_space<vmem>>, %arg8: memref<128x1xf32, #tpu.memory_space<vmem>>, %arg9: memref<2x1000x64xf32, #tpu.memory_space<vmem>>) attributes {dimension_semantics = [#tpu.dimension_semantics<arbitrary>], iteration_bounds = array<i64: 10>, scalar_prefetch = 0 : i64, scratch_operands = 0 : i64, tpu.core_type = #tpu.core_type<tc>, window_params = [{transform_indices = @transform_0, window_bounds = array<i64: 1000, 128>}, {transform_indices = @transform_1, window_bounds = array<i64: 2, 1000, 16>}, {pipeline_mode = #tpu.pipeline_mode<synchronous>, transform_indices = @transform_2, window_bounds = array<i64: 128, 128>}, {pipeline_mode = #tpu.pipeline_mode<synchronous>, transform_indices = @transform_3, window_bounds = array<i64: 128, 128>}, {pipeline_mode = #tpu.pipeline_mode<synchronous>, transform_indices = @transform_4, window_bounds = array<i64: 128, 1>}, {pipeline_mode = #tpu.pipeline_mode<synchronous>, transform_indices = @transform_5, window_bounds = array<i64: 128, 128>}, {pipeline_mode = #tpu.pipeline_mode<synchronous>, transform_indices = @transform_6, window_bounds = array<i64: 128, 128>}, {pipeline_mode = #tpu.pipeline_mode<synchronous>, transform_indices = @transform_7, window_bounds = array<i64: 128, 1>}, {transform_indices = @transform_8, window_bounds = array<i64: 2, 1000, 64>}]} {
    %get3A = arith.constant 0 : index
    %get3A_0 = arith.constant 0 : index
    %get3A_1 = arith.constant 0 : index
    %get3A_2 = vector.load %arg2[%get3A, %get3A_0, %get3A_1] : memref<2x1000x16xf32, #tpu.memory_space<vmem>>, vector<1x1000x1xf32>
    %get3A_3 = vector.shape_cast %get3A_2 : vector<1x1000x1xf32> to vector<1000x1xf32>
    %get3A_4 = arith.constant 1 : index
    %get3A_5 = arith.constant 0 : index
    %get3A_6 = arith.constant 0 : index
    %get3A_7 = vector.load %arg2[%get3A_4, %get3A_5, %get3A_6] : memref<2x1000x16xf32, #tpu.memory_space<vmem>>, vector<1x1000x1xf32>
    %get3A_8 = vector.shape_cast %get3A_7 : vector<1x1000x1xf32> to vector<1000x1xf32>
    %add3A = arith.addf %get3A_3, %get3A_8 : vector<1000x1xf32>
    %get3A_9 = arith.constant 0 : index
    %get3A_10 = arith.constant 0 : index
    %get3A_11 = vector.load %arg1[%get3A_9, %get3A_10] : memref<1000x128xf32, #tpu.memory_space<vmem>>, vector<1000x128xf32>
    %get3A_12 = arith.constant 0 : index
    %get3A_13 = arith.constant 0 : index
    %get3A_14 = vector.load %arg3[%get3A_12, %get3A_13] : memref<128x128xf32, #tpu.memory_space<vmem>>, vector<128x128xf32>
    %dot_general3A = arith.constant dense<0.000000e+00> : vector<1000x128xf32>
    %dot_general3A_15 = tpu.matmul %get3A_11, %get3A_14, %dot_general3A {dimension_numbers = #tpu.dot_dimension_numbers<[1], [1], [0], [0], [0, 0, 1, 0], [], []>, transpose_lhs_hint = false} : vector<1000x128xf32>, vector<128x128xf32>, vector<1000x128xf32> -> vector<1000x128xf32>
    %get3A_16 = arith.constant 0 : index
    %get3A_17 = arith.constant 0 : index
    %get3A_18 = vector.load %arg5[%get3A_16, %get3A_17] : memref<128x1xf32, #tpu.memory_space<vmem>>, vector<128x1xf32>
    %max3A = arith.constant 0.000000e+00 : f32
    %max3A_19 = vector.broadcast %max3A : f32 to vector<128x1xf32>
    %max3A_20 = arith.maximumf %get3A_18, %max3A_19 : vector<128x1xf32>
    %get3A_21 = arith.constant 0 : index
    %get3A_22 = arith.constant 0 : index
    %get3A_23 = vector.load %arg4[%get3A_21, %get3A_22] : memref<128x128xf32, #tpu.memory_space<vmem>>, vector<128x128xf32>
    %dot_general3A_24 = arith.constant dense<0.000000e+00> : vector<1x128xf32>
    %dot_general3A_25 = tpu.matmul %max3A_20, %get3A_23, %dot_general3A_24 {dimension_numbers = #tpu.dot_dimension_numbers<[0], [1], [1], [0], [0, 1, 1, 0], [], []>, transpose_lhs_hint = false} : vector<128x1xf32>, vector<128x128xf32>, vector<1x128xf32> -> vector<1x128xf32>
    %mul3A = vector.broadcast %add3A : vector<1000x1xf32> to vector<1000x128xf32>
    %mul3A_26 = vector.broadcast %dot_general3A_25 : vector<1x128xf32> to vector<1000x128xf32>
    %mul3A_27 = arith.mulf %mul3A, %mul3A_26 : vector<1000x128xf32>
    %add3A_28 = arith.addf %dot_general3A_15, %mul3A_27 : vector<1000x128xf32>
    %max3A_29 = arith.constant 0.000000e+00 : f32
    %max3A_30 = vector.broadcast %max3A_29 : f32 to vector<1000x128xf32>
    %max3A_31 = arith.maximumf %add3A_28, %max3A_30 : vector<1000x128xf32>
    %get3A_32 = arith.constant 0 : index
    %get3A_33 = arith.constant 0 : index
    %get3A_34 = vector.load %arg6[%get3A_32, %get3A_33] : memref<128x128xf32, #tpu.memory_space<vmem>>, vector<128x128xf32>
    %dot_general3A_35 = arith.constant dense<0.000000e+00> : vector<1000x128xf32>
    %dot_general3A_36 = tpu.matmul %max3A_31, %get3A_34, %dot_general3A_35 {dimension_numbers = #tpu.dot_dimension_numbers<[1], [1], [0], [0], [0, 0, 1, 0], [], []>, transpose_lhs_hint = false} : vector<1000x128xf32>, vector<128x128xf32>, vector<1000x128xf32> -> vector<1000x128xf32>
    %get3A_37 = arith.constant 0 : index
    %get3A_38 = arith.constant 0 : index
    %get3A_39 = vector.load %arg8[%get3A_37, %get3A_38] : memref<128x1xf32, #tpu.memory_space<vmem>>, vector<128x1xf32>
    %max3A_40 = arith.constant 0.000000e+00 : f32
    %max3A_41 = vector.broadcast %max3A_40 : f32 to vector<128x1xf32>
    %max3A_42 = arith.maximumf %get3A_39, %max3A_41 : vector<128x1xf32>
    %get3A_43 = arith.constant 0 : index
    %get3A_44 = arith.constant 0 : index
    %get3A_45 = vector.load %arg7[%get3A_43, %get3A_44] : memref<128x128xf32, #tpu.memory_space<vmem>>, vector<128x128xf32>
    %dot_general3A_46 = arith.constant dense<0.000000e+00> : vector<1x128xf32>
    %dot_general3A_47 = tpu.matmul %max3A_42, %get3A_45, %dot_general3A_46 {dimension_numbers = #tpu.dot_dimension_numbers<[0], [1], [1], [0], [0, 1, 1, 0], [], []>, transpose_lhs_hint = false} : vector<128x1xf32>, vector<128x128xf32>, vector<1x128xf32> -> vector<1x128xf32>
    %add3A_48 = vector.broadcast %dot_general3A_47 : vector<1x128xf32> to vector<1000x128xf32>
    %add3A_49 = arith.addf %dot_general3A_36, %add3A_48 : vector<1000x128xf32>
    %slice3A = vector.extract_strided_slice %add3A_49 {offsets = [0, 0], sizes = [1000, 64], strides = [1, 1]} : vector<1000x128xf32> to vector<1000x64xf32>
    %swap3A = arith.constant 0 : index
    %swap3A_50 = arith.constant 0 : index
    %swap3A_51 = arith.constant 0 : index
    %swap3A_52 = vector.load %arg9[%swap3A, %swap3A_50, %swap3A_51] : memref<2x1000x64xf32, #tpu.memory_space<vmem>>, vector<1x1000x64xf32>
    %swap3A_53 = vector.shape_cast %swap3A_52 : vector<1x1000x64xf32> to vector<1000x64xf32>
    %swap3A_54 = vector.shape_cast %slice3A : vector<1000x64xf32> to vector<1x1000x64xf32>
    tpu.vector_store %arg9[%swap3A, %swap3A_50, %swap3A_51], %swap3A_54 {strides = array<i32>} : memref<2x1000x64xf32, #tpu.memory_space<vmem>>, vector<1x1000x64xf32>,
    %slice3A_55 = vector.extract_strided_slice %add3A_49 {offsets = [0, 64], sizes = [1000, 64], strides = [1, 1]} : vector<1000x128xf32> to vector<1000x64xf32>
    %swap3A_56 = arith.constant 1 : index
    %swap3A_57 = arith.constant 0 : index
    %swap3A_58 = arith.constant 0 : index
    %swap3A_59 = vector.load %arg9[%swap3A_56, %swap3A_57, %swap3A_58] : memref<2x1000x64xf32, #tpu.memory_space<vmem>>, vector<1x1000x64xf32>
    %swap3A_60 = vector.shape_cast %swap3A_59 : vector<1x1000x64xf32> to vector<1000x64xf32>
    %swap3A_61 = vector.shape_cast %slice3A_55 : vector<1000x64xf32> to vector<1x1000x64xf32>
    tpu.vector_store %arg9[%swap3A_56, %swap3A_57, %swap3A_58], %swap3A_61 {strides = array<i32>} : memref<2x1000x64xf32, #tpu.memory_space<vmem>>, vector<1x1000x64xf32>,
    return
  }
  func.func @transform_0(%arg0: i32) -> (i32, i32) {
    %c0_i32 = arith.constant 0 : i32
    %c0_i32_0 = arith.constant 0 : i32
    return %arg0, %c0_i32 : i32, i32
  }
  func.func @transform_1(%arg0: i32) -> (i32, i32, i32) {
    %c0_i32 = arith.constant 0 : i32
    %c0_i32_0 = arith.constant 0 : i32
    %c0_i32_1 = arith.constant 0 : i32
    return %c0_i32, %arg0, %c0_i32_0 : i32, i32, i32
  }
  func.func @transform_2(%arg0: i32) -> (i32, i32) {
    %c0_i32 = arith.constant 0 : i32
    %c0_i32_0 = arith.constant 0 : i32
    %c0_i32_1 = arith.constant 0 : i32
    return %c0_i32, %c0_i32_0 : i32, i32
  }
  func.func @transform_3(%arg0: i32) -> (i32, i32) {
    %c0_i32 = arith.constant 0 : i32
    %c0_i32_0 = arith.constant 0 : i32
    %c0_i32_1 = arith.constant 0 : i32
    return %c0_i32, %c0_i32_0 : i32, i32
  }
  func.func @transform_4(%arg0: i32) -> (i32, i32) {
    %c0_i32 = arith.constant 0 : i32
    %c0_i32_0 = arith.constant 0 : i32
    %c0_i32_1 = arith.constant 0 : i32
    return %c0_i32, %c0_i32_0 : i32, i32
  }
  func.func @transform_5(%arg0: i32) -> (i32, i32) {
    %c0_i32 = arith.constant 0 : i32
    %c0_i32_0 = arith.constant 0 : i32
    %c0_i32_1 = arith.constant 0 : i32
    return %c0_i32, %c0_i32_0 : i32, i32
  }
  func.func @transform_6(%arg0: i32) -> (i32, i32) {
    %c0_i32 = arith.constant 0 : i32
    %c0_i32_0 = arith.constant 0 : i32
    %c0_i32_1 = arith.constant 0 : i32
    return %c0_i32, %c0_i32_0 : i32, i32
  }
  func.func @transform_7(%arg0: i32) -> (i32, i32) {
    %c0_i32 = arith.constant 0 : i32
    %c0_i32_0 = arith.constant 0 : i32
    %c0_i32_1 = arith.constant 0 : i32
    return %c0_i32, %c0_i32_0 : i32, i32
  }
  func.func @transform_8(%arg0: i32) -> (i32, i32, i32) {
    %c0_i32 = arith.constant 0 : i32
    %c0_i32_0 = arith.constant 0 : i32
    %c0_i32_1 = arith.constant 0 : i32
    return %c0_i32, %arg0, %c0_i32_0 : i32, i32, i32
  }
}

module attributes {stable_mosaic.version = 14 : i64} {
  func.func @_stage1_body(%arg0: i32, %arg1: memref<1000x128xf32, #tpu.memory_space<vmem>>, %arg2: memref<2x1000x64xf32, #tpu.memory_space<vmem>>, %arg3: memref<128x128xf32, #tpu.memory_space<vmem>>, %arg4: memref<128x128xf32, #tpu.memory_space<vmem>>, %arg5: memref<128x128xf32, #tpu.memory_space<vmem>>, %arg6: memref<128x1xf32, #tpu.memory_space<vmem>>, %arg7: memref<2x1000x64xf32, #tpu.memory_space<vmem>>) attributes {dimension_semantics = [#tpu.dimension_semantics<arbitrary>], iteration_bounds = array<i64: 10>, scalar_prefetch = 0 : i64, scratch_operands = 0 : i64, tpu.core_type = #tpu.core_type<tc>, window_params = [{transform_indices = @transform_0, window_bounds = array<i64: 1000, 128>}, {transform_indices = @transform_1, window_bounds = array<i64: 2, 1000, 64>}, {pipeline_mode = #tpu.pipeline_mode<synchronous>, transform_indices = @transform_2, window_bounds = array<i64: 128, 128>}, {pipeline_mode = #tpu.pipeline_mode<synchronous>, transform_indices = @transform_3, window_bounds = array<i64: 128, 128>}, {pipeline_mode = #tpu.pipeline_mode<synchronous>, transform_indices = @transform_4, window_bounds = array<i64: 128, 128>}, {pipeline_mode = #tpu.pipeline_mode<synchronous>, transform_indices = @transform_5, window_bounds = array<i64: 128, 1>}, {transform_indices = @transform_6, window_bounds = array<i64: 2, 1000, 64>}]} {
    %get3A = arith.constant 0 : index
    %get3A_0 = arith.constant 0 : index
    %get3A_1 = arith.constant 0 : index
    %get3A_2 = vector.load %arg2[%get3A, %get3A_0, %get3A_1] : memref<2x1000x64xf32, #tpu.memory_space<vmem>>, vector<1x1000x64xf32>
    %get3A_3 = vector.shape_cast %get3A_2 : vector<1x1000x64xf32> to vector<1000x64xf32>
    %get3A_4 = arith.constant 1 : index
    %get3A_5 = arith.constant 0 : index
    %get3A_6 = arith.constant 0 : index
    %get3A_7 = vector.load %arg2[%get3A_4, %get3A_5, %get3A_6] : memref<2x1000x64xf32, #tpu.memory_space<vmem>>, vector<1x1000x64xf32>
    %get3A_8 = vector.shape_cast %get3A_7 : vector<1x1000x64xf32> to vector<1000x64xf32>
    %concatenate3A = tpu.concatenate %get3A_3, %get3A_8 in 1 : vector<1000x64xf32>, vector<1000x64xf32> -> vector<1000x128xf32>
    %get3A_9 = arith.constant 0 : index
    %get3A_10 = arith.constant 0 : index
    %get3A_11 = vector.load %arg1[%get3A_9, %get3A_10] : memref<1000x128xf32, #tpu.memory_space<vmem>>, vector<1000x128xf32>
    %get3A_12 = arith.constant 0 : index
    %get3A_13 = arith.constant 0 : index
    %get3A_14 = vector.load %arg3[%get3A_12, %get3A_13] : memref<128x128xf32, #tpu.memory_space<vmem>>, vector<128x128xf32>
    %dot_general3A = arith.constant dense<0.000000e+00> : vector<1000x128xf32>
    %dot_general3A_15 = tpu.matmul %get3A_11, %get3A_14, %dot_general3A {dimension_numbers = #tpu.dot_dimension_numbers<[1], [1], [0], [0], [0, 0, 1, 0], [], []>, transpose_lhs_hint = false} : vector<1000x128xf32>, vector<128x128xf32>, vector<1000x128xf32> -> vector<1000x128xf32>
    %add3A = arith.addf %dot_general3A_15, %concatenate3A : vector<1000x128xf32>
    %max3A = arith.constant 0.000000e+00 : f32
    %max3A_16 = vector.broadcast %max3A : f32 to vector<1000x128xf32>
    %max3A_17 = arith.maximumf %add3A, %max3A_16 : vector<1000x128xf32>
    %get3A_18 = arith.constant 0 : index
    %get3A_19 = arith.constant 0 : index
    %get3A_20 = vector.load %arg4[%get3A_18, %get3A_19] : memref<128x128xf32, #tpu.memory_space<vmem>>, vector<128x128xf32>
    %dot_general3A_21 = arith.constant dense<0.000000e+00> : vector<1000x128xf32>
    %dot_general3A_22 = tpu.matmul %max3A_17, %get3A_20, %dot_general3A_21 {dimension_numbers = #tpu.dot_dimension_numbers<[1], [1], [0], [0], [0, 0, 1, 0], [], []>, transpose_lhs_hint = false} : vector<1000x128xf32>, vector<128x128xf32>, vector<1000x128xf32> -> vector<1000x128xf32>
    %get3A_23 = arith.constant 0 : index
    %get3A_24 = arith.constant 0 : index
    %get3A_25 = vector.load %arg6[%get3A_23, %get3A_24] : memref<128x1xf32, #tpu.memory_space<vmem>>, vector<128x1xf32>
    %max3A_26 = arith.constant 0.000000e+00 : f32
    %max3A_27 = vector.broadcast %max3A_26 : f32 to vector<128x1xf32>
    %max3A_28 = arith.maximumf %get3A_25, %max3A_27 : vector<128x1xf32>
    %get3A_29 = arith.constant 0 : index
    %get3A_30 = arith.constant 0 : index
    %get3A_31 = vector.load %arg5[%get3A_29, %get3A_30] : memref<128x128xf32, #tpu.memory_space<vmem>>, vector<128x128xf32>
    %dot_general3A_32 = arith.constant dense<0.000000e+00> : vector<1x128xf32>
    %dot_general3A_33 = tpu.matmul %max3A_28, %get3A_31, %dot_general3A_32 {dimension_numbers = #tpu.dot_dimension_numbers<[0], [1], [1], [0], [0, 1, 1, 0], [], []>, transpose_lhs_hint = false} : vector<128x1xf32>, vector<128x128xf32>, vector<1x128xf32> -> vector<1x128xf32>
    %add3A_34 = vector.broadcast %dot_general3A_33 : vector<1x128xf32> to vector<1000x128xf32>
    %add3A_35 = arith.addf %dot_general3A_22, %add3A_34 : vector<1000x128xf32>
    %slice3A = vector.extract_strided_slice %add3A_35 {offsets = [0, 0], sizes = [1000, 64], strides = [1, 1]} : vector<1000x128xf32> to vector<1000x64xf32>
    %swap3A = arith.constant 0 : index
    %swap3A_36 = arith.constant 0 : index
    %swap3A_37 = arith.constant 0 : index
    %swap3A_38 = vector.load %arg7[%swap3A, %swap3A_36, %swap3A_37] : memref<2x1000x64xf32, #tpu.memory_space<vmem>>, vector<1x1000x64xf32>
    %swap3A_39 = vector.shape_cast %swap3A_38 : vector<1x1000x64xf32> to vector<1000x64xf32>
    %swap3A_40 = vector.shape_cast %slice3A : vector<1000x64xf32> to vector<1x1000x64xf32>
    tpu.vector_store %arg7[%swap3A, %swap3A_36, %swap3A_37], %swap3A_40 {strides = array<i32>} : memref<2x1000x64xf32, #tpu.memory_space<vmem>>, vector<1x1000x64xf32>,
    %slice3A_41 = vector.extract_strided_slice %add3A_35 {offsets = [0, 64], sizes = [1000, 64], strides = [1, 1]} : vector<1000x128xf32> to vector<1000x64xf32>
    %swap3A_42 = arith.constant 1 : index
    %swap3A_43 = arith.constant 0 : index
    %swap3A_44 = arith.constant 0 : index
    %swap3A_45 = vector.load %arg7[%swap3A_42, %swap3A_43, %swap3A_44] : memref<2x1000x64xf32, #tpu.memory_space<vmem>>, vector<1x1000x64xf32>
    %swap3A_46 = vector.shape_cast %swap3A_45 : vector<1x1000x64xf32> to vector<1000x64xf32>
    %swap3A_47 = vector.shape_cast %slice3A_41 : vector<1000x64xf32> to vector<1x1000x64xf32>
    tpu.vector_store %arg7[%swap3A_42, %swap3A_43, %swap3A_44], %swap3A_47 {strides = array<i32>} : memref<2x1000x64xf32, #tpu.memory_space<vmem>>, vector<1x1000x64xf32>,
    return
  }
  func.func @transform_0(%arg0: i32) -> (i32, i32) {
    %c0_i32 = arith.constant 0 : i32
    %c0_i32_0 = arith.constant 0 : i32
    return %arg0, %c0_i32 : i32, i32
  }
  func.func @transform_1(%arg0: i32) -> (i32, i32, i32) {
    %c0_i32 = arith.constant 0 : i32
    %c0_i32_0 = arith.constant 0 : i32
    %c0_i32_1 = arith.constant 0 : i32
    return %c0_i32, %arg0, %c0_i32_0 : i32, i32, i32
  }
  func.func @transform_2(%arg0: i32) -> (i32, i32) {
    %c0_i32 = arith.constant 0 : i32
    %c0_i32_0 = arith.constant 0 : i32
    %c0_i32_1 = arith.constant 0 : i32
    return %c0_i32, %c0_i32_0 : i32, i32
  }
  func.func @transform_3(%arg0: i32) -> (i32, i32) {
    %c0_i32 = arith.constant 0 : i32
    %c0_i32_0 = arith.constant 0 : i32
    %c0_i32_1 = arith.constant 0 : i32
    return %c0_i32, %c0_i32_0 : i32, i32
  }
  func.func @transform_4(%arg0: i32) -> (i32, i32) {
    %c0_i32 = arith.constant 0 : i32
    %c0_i32_0 = arith.constant 0 : i32
    %c0_i32_1 = arith.constant 0 : i32
    return %c0_i32, %c0_i32_0 : i32, i32
  }
  func.func @transform_5(%arg0: i32) -> (i32, i32) {
    %c0_i32 = arith.constant 0 : i32
    %c0_i32_0 = arith.constant 0 : i32
    %c0_i32_1 = arith.constant 0 : i32
    return %c0_i32, %c0_i32_0 : i32, i32
  }
  func.func @transform_6(%arg0: i32) -> (i32, i32, i32) {
    %c0_i32 = arith.constant 0 : i32
    %c0_i32_0 = arith.constant 0 : i32
    %c0_i32_1 = arith.constant 0 : i32
    return %c0_i32, %arg0, %c0_i32_0 : i32, i32, i32
  }
}

module attributes {stable_mosaic.version = 14 : i64} {
  func.func @_stage2_body(%arg0: i32, %arg1: memref<1000x128xf32, #tpu.memory_space<vmem>>, %arg2: memref<2x1000x64xf32, #tpu.memory_space<vmem>>, %arg3: memref<128x128xf32, #tpu.memory_space<vmem>>, %arg4: memref<1000x128xf32, #tpu.memory_space<vmem>>) attributes {dimension_semantics = [#tpu.dimension_semantics<arbitrary>], iteration_bounds = array<i64: 10>, scalar_prefetch = 0 : i64, scratch_operands = 0 : i64, tpu.core_type = #tpu.core_type<tc>, window_params = [{transform_indices = @transform_0, window_bounds = array<i64: 1000, 128>}, {transform_indices = @transform_1, window_bounds = array<i64: 2, 1000, 64>}, {pipeline_mode = #tpu.pipeline_mode<synchronous>, transform_indices = @transform_2, window_bounds = array<i64: 128, 128>}, {transform_indices = @transform_3, window_bounds = array<i64: 1000, 128>}]} {
    %get3A = arith.constant 0 : index
    %get3A_0 = arith.constant 0 : index
    %get3A_1 = arith.constant 0 : index
    %get3A_2 = vector.load %arg2[%get3A, %get3A_0, %get3A_1] : memref<2x1000x64xf32, #tpu.memory_space<vmem>>, vector<1x1000x64xf32>
    %get3A_3 = vector.shape_cast %get3A_2 : vector<1x1000x64xf32> to vector<1000x64xf32>
    %get3A_4 = arith.constant 1 : index
    %get3A_5 = arith.constant 0 : index
    %get3A_6 = arith.constant 0 : index
    %get3A_7 = vector.load %arg2[%get3A_4, %get3A_5, %get3A_6] : memref<2x1000x64xf32, #tpu.memory_space<vmem>>, vector<1x1000x64xf32>
    %get3A_8 = vector.shape_cast %get3A_7 : vector<1x1000x64xf32> to vector<1000x64xf32>
    %concatenate3A = tpu.concatenate %get3A_3, %get3A_8 in 1 : vector<1000x64xf32>, vector<1000x64xf32> -> vector<1000x128xf32>
    %get3A_9 = arith.constant 0 : index
    %get3A_10 = arith.constant 0 : index
    %get3A_11 = vector.load %arg1[%get3A_9, %get3A_10] : memref<1000x128xf32, #tpu.memory_space<vmem>>, vector<1000x128xf32>
    %get3A_12 = arith.constant 0 : index
    %get3A_13 = arith.constant 0 : index
    %get3A_14 = vector.load %arg3[%get3A_12, %get3A_13] : memref<128x128xf32, #tpu.memory_space<vmem>>, vector<128x128xf32>
    %dot_general3A = arith.constant dense<0.000000e+00> : vector<1000x128xf32>
    %dot_general3A_15 = tpu.matmul %get3A_11, %get3A_14, %dot_general3A {dimension_numbers = #tpu.dot_dimension_numbers<[1], [1], [0], [0], [0, 0, 1, 0], [], []>, transpose_lhs_hint = false} : vector<1000x128xf32>, vector<128x128xf32>, vector<1000x128xf32> -> vector<1000x128xf32>
    %add3A = arith.addf %dot_general3A_15, %concatenate3A : vector<1000x128xf32>
    %max3A = arith.constant 0.000000e+00 : f32
    %max3A_16 = vector.broadcast %max3A : f32 to vector<1000x128xf32>
    %max3A_17 = arith.maximumf %add3A, %max3A_16 : vector<1000x128xf32>
    %swap3A = arith.constant 0 : index
    %swap3A_18 = arith.constant 0 : index
    %swap3A_19 = vector.load %arg4[%swap3A, %swap3A_18] : memref<1000x128xf32, #tpu.memory_space<vmem>>, vector<1000x128xf32>
    tpu.vector_store %arg4[%swap3A, %swap3A_18], %max3A_17 {strides = array<i32>} : memref<1000x128xf32, #tpu.memory_space<vmem>>, vector<1000x128xf32>,
    return
  }
  func.func @transform_0(%arg0: i32) -> (i32, i32) {
    %c0_i32 = arith.constant 0 : i32
    %c0_i32_0 = arith.constant 0 : i32
    return %arg0, %c0_i32 : i32, i32
  }
  func.func @transform_1(%arg0: i32) -> (i32, i32, i32) {
    %c0_i32 = arith.constant 0 : i32
    %c0_i32_0 = arith.constant 0 : i32
    %c0_i32_1 = arith.constant 0 : i32
    return %c0_i32, %arg0, %c0_i32_0 : i32, i32, i32
  }
  func.func @transform_2(%arg0: i32) -> (i32, i32) {
    %c0_i32 = arith.constant 0 : i32
    %c0_i32_0 = arith.constant 0 : i32
    %c0_i32_1 = arith.constant 0 : i32
    return %c0_i32, %c0_i32_0 : i32, i32
  }
  func.func @transform_3(%arg0: i32) -> (i32, i32) {
    %c0_i32 = arith.constant 0 : i32
    %c0_i32_0 = arith.constant 0 : i32
    return %arg0, %c0_i32 : i32, i32
  }
}

</mosaic_0001>

<sc_bundles>
// kernel: kernel.11.cloned.1.call-start
scs
__scs_entry_jumppad:
0x0: {  	(pc) =	sbr.rel $0x88, $3  }
0x1: {  	(tag) =	ssettag $0x0;
	lr =	simm.s32 $0x1  }
0x2: {  	[smem:$0x3F94] =	sst lr;
	_ =	strace $0xD0000000  }
0x3: {  	_ = 	snop  }
0x4: {  	_ = 	snop  }
0x5: {  	_ = 	snop  }
0x6: {  	_ = 	snop  }
0x7: {  	_ = 	snop  }
__scs_overlays_trampoline_lowered:
0x8: {  	[smem:$0x3FA3] =	sst s0  }
0x9: {  	[smem:$0x3FA4] =	sst s1  }
0xa: {  	[smem:$0x3FA5] =	sst s2  }
0xb: {  	[smem:$0x3FA6] =	sst s3  }
0xc: {  	[smem:$0x3FA7] =	sst s4  }
0xd: {  	[smem:$0x3FA8] =	sst s5  }
0xe: {  	[smem:$0x3FA9] =	sst s6  }
0xf: {  	[smem:$0x3FAA] =	sst s7  }
0x10: {  	[smem:$0x3FAB] =	sst s8  }
0x11: {  	[smem:$0x3FAC] =	sst s9;
	s0 =	simm.s32 @!p0 $0x0  }
0x12: {  	s1 =	sld [smem:$0x3F92];
	s0 =	simm.s32 @p0 $0x1  }
0x13: {  	[smem:$0x3FAD] =	sst s0;
	s0 =	simm.s32 @!p1 $0x0  }
0x14: {  	s2 =	sld [smem:$0x3F91];
	s0 =	simm.s32 @p1 $0x1  }
0x15: {  	[smem:$0x3FAE] =	sst s0;
	s0 =	simm.s32 @!p2 $0x0  }
0x16: {  	s3 =	sld [smem:$0x3FDB];
	s0 =	simm.s32 @p2 $0x1  }
0x17: {  	s4 =	simm.s32 $0x1BF5;
	[smem:$0x3FB0] =	sst s0  }
0x18: {  	s0 =	sld [smem:$0x3F93];
	_ =	swait.ge [sflag:s4], $0x0  }
0x19: {  	s7 =	sld [smem:$0x3F94]  }
0x1a: {  	s8 =	sadd.s32 $0xFFFFE003, lr  }
0x1b: {  	s9 =	sadd.s32 $0xFFFFFEF7, lr;
	s5 =	simm.s32 $0xFFFFFFFF;
	p2 =	slt.u32 s8, $0xFFFFF086  }
0x1c: {  	p1 =	slt.u32 s9, $0xF7A;
	s5 =	simm.s32 @!p2 $0x0  }
0x1d: {  	s5 =	simm.s32 @p1 $0x1;
	p0 =	seq.s32 s7, s2  }
0x1e: {  	s7 =	smul.u32 @!p0 $0xF7A, s2;
	p2 =	seq.s32 @!p0 s5, $0x0  }
0x1f: {  	s9 =	smul.u32 $0xF7A, s1;
	s8 =	simm.s32 @!p0 $0x1BF5;
	p2 =	por !p2, p0  }
0x20: {  	[sflag:s8] =	ssyncset.s32 @!p0 $0xFFFFF086;
	s6 =	sadd.s32 @!p0 s3, s7;
	s7 =	simm.s32 @!p0 $0x108  }
0x21: {  	s3 =	sadd.s32 s3, s9;
	s6 =	sadd.s32 @!p0 $0x88, s6;
	s7 =	simm.s32 @p2 $0x1082  }
0x22: {  	[simem:s7], [sflag:s8] =	dma.local @!p0 [hbm:s6], $0xF7A  }
0x23: {  	s9 =	sor.u32 $0xD0000000, s2;
	s6 =	simm.s32 $0x108;
	_ =	swait.ge @!p0 [sflag:s8], $0x0  }
0x24: {  	s3 =	sadd.s32 $0x88, s3;
	s6 =	simm.s32 @!p1 $0x1082;
	[sflag:s4] =	ssyncset.s32 $0xFFFFF086  }
0x25: {  	[simem:s6], [sflag:s4] =	dma.local [hbm:s3], $0xF7A  }
0x26: {  	[smem:$0x3F94] =	sst s1;
	(tag) =	ssettag s2;
	_ =	strace s9  }
0x27: {  	s1 =	sld [smem:$0x3FA4]  }
0x28: {  	s2 =	sld [smem:$0x3FA5]  }
0x29: {  	s4 =	sld [smem:$0x3FA7]  }
0x2a: {  	p0 =	seq.s32 s5, $0x0;
	s5 =	sld [smem:$0x3FA8]  }
0x2b: {  	s6 =	sld [smem:$0x3FA9]  }
0x2c: {  	s7 =	sld [smem:$0x3FAA]  }
0x2d: {  	s3 =	simm.s32 $0x108;
	s8 =	sld [smem:$0x3FAB]  }
0x2e: {  	s3 =	simm.s32 @!p0 $0x1082;
	s9 =	sld [smem:$0x3FAC]  }
0x2f: {  	lr =	sadd.s32 s0, s3;
	s0 =	sld [smem:$0x3FA3]  }
0x30: {  	s3 =	sld [smem:$0x3FA6]  }
0x31: {  	[smem:$0x3FAF] =	sst s10  }
0x32: {  	s10 =	sld [smem:$0x3FAD];
	_ =	sdelay $0x3  }
0x33: {  	p0 =	seq.s32 s10, $0x1;
	s10 =	sld [smem:$0x3FAF];
	_ =	sdelay $0x3  }
0x34: {  	[smem:$0x3FAF] =	sst s10  }
0x35: {  	s10 =	sld [smem:$0x3FAE];
	_ =	sdelay $0x3  }
0x36: {  	p1 =	seq.s32 s10, $0x1;
	s10 =	sld [smem:$0x3FAF];
	_ =	sdelay $0x3  }
0x37: {  	[smem:$0x3FAF] =	sst s10  }
0x38: {  	s10 =	sld [smem:$0x3FB0]  }
0x39: {  	_ = 	snop;
	(pc) =	sbr.ind lr, $3  }
0x3a: {  	_ = 	snop  }
0x3b: {  	_ = 	snop  }
0x3c: {  	p2 =	seq.s32 s10, $0x1;
	s10 =	sld [smem:$0x3FAF]  }
0x3d: {  	_ =	shalt  }
0x3e: {  	_ =	shalt  }
0x3f: {  	_ =	shalt  }
0x40: {  	_ =	shalt  }
0x41: {  	_ =	shalt  }
0x42: {  	_ =	shalt  }
0x43: {  	_ =	shalt  }
0x44: {  	_ =	shalt  }
0x45: {  	_ =	shalt  }
0x46: {  	_ =	shalt  }
0x47: {  	_ =	shalt  }
0x48: {  	_ =	shalt  }
0x49: {  	_ =	shalt  }
0x4a: {  	_ =	shalt  }
0x4b: {  	_ =	shalt  }
0x4c: {  	_ =	shalt  }
0x4d: {  	_ =	shalt  }
0x4e: {  	_ =	shalt  }
0x4f: {  	_ =	shalt  }
0x50: {  	_ =	shalt  }
0x51: {  	_ =	shalt  }
0x52: {  	_ =	shalt  }
0x53: {  	_ =	shalt  }
0x54: {  	_ =	shalt  }
0x55: {  	_ =	shalt  }
0x56: {  	_ =	shalt  }
0x57: {  	_ =	shalt  }
0x58: {  	_ =	shalt  }
0x59: {  	_ =	shalt  }
0x5a: {  	_ =	shalt  }
0x5b: {  	_ =	shalt  }
0x5c: {  	_ =	shalt  }
0x5d: {  	_ =	shalt  }
0x5e: {  	_ =	shalt  }
0x5f: {  	_ =	shalt  }
0x60: {  	_ =	shalt  }
0x61: {  	_ =	shalt  }
0x62: {  	_ =	shalt  }
0x63: {  	_ =	shalt  }
0x64: {  	_ =	shalt  }
0x65: {  	_ =	shalt  }
0x66: {  	_ =	shalt  }
0x67: {  	_ =	shalt  }
0x68: {  	_ =	shalt  }
0x69: {  	_ =	shalt  }
0x6a: {  	_ =	shalt  }
0x6b: {  	_ =	shalt  }
0x6c: {  	_ =	shalt  }
0x6d: {  	_ =	shalt  }
0x6e: {  	_ =	shalt  }
0x6f: {  	_ =	shalt  }
0x70: {  	_ =	shalt  }
0x71: {  	_ =	shalt  }
0x72: {  	_ =	shalt  }
0x73: {  	_ =	shalt  }
0x74: {  	_ =	shalt  }
0x75: {  	_ =	shalt  }
0x76: {  	_ =	shalt  }
0x77: {  	_ =	shalt  }
0x78: {  	_ =	shalt  }
0x79: {  	_ =	shalt  }
0x7a: {  	_ =	shalt  }
0x7b: {  	_ =	shalt  }
0x7c: {  	_ =	shalt  }
0x7d: {  	_ =	shalt  }
0x7e: {  	_ =	shalt  }
0x7f: {  	_ =	shalt  }
0x80: {  	_ =	shalt  }
0x81: {  	_ =	shalt  }
0x82: {  	_ =	shalt  }
0x83: {  	_ =	shalt  }
0x84: {  	_ =	shalt  }
0x85: {  	_ =	shalt  }
0x86: {  	_ =	shalt  }
0x87: {  	_ =	shalt  }
.Lfunc_end0:
.L_simem_size_0:
called_computation.1_lowered:
.L_overlay_start_0:
0x88: {  	s2 =	sld [smem:$0x3FD9]  }
0x89: {  	s3 =	sld [smem:$0x3FFE];
	_ =	sdelay $0x1  }
0x8a: {  	s1 =	srdreg.scid  }
0x8b: {  	s0 =	sand.u32 $0x1, s1  }
0x8c: {  	s17 =	sshll.u32 s0, $0xA;
	s2 =	sadd.s32 s3, s2  }
0x8d: {  	s2 =	sadd.s32 s2, s17  }
0x8e: {  	[smem:$0x3FBB] =	sst s2  }
0x8f: {  	_ = 	snop  }
0x90: {  	s2 =	sld [smem:$0x3FD0];
	(tm) =	ssettm $0x1  }
0x91: {  	s18 =	sld [smem:$0x3FFB];
	_ =	sdelay $0x3  }
0x92: {  	_ =	strace s18  }
0x93: {  	s3 =	sld [smem:$0x3FFC];
	_ =	sdelay $0x3  }
0x94: {  	_ =	strace s3  }
0x95: {  	s3 =	sld [smem:$0x3FFD];
	_ =	sdelay $0x3  }
0x96: {  	_ =	strace s3  }
0x97: {  	_ =	strace $0x8FFFFFFF  }
0x98: {  	s19 =	sld [smem:$0x3FDB];
	_ =	sdelay $0x1  }
0x99: {  	s4 =	simm.s32 $_scs_section_size  }
0x9a: {  	s5 =	simm.s32 $_size__tile_overlayer_lowered;
	s6 =	simm.s32 $_tile_overlayer_lowered  }
0x9b: {  	s22 =	simm.s32 $0x1BFF;
	s21 =	sshll.u32 s6, $0x1;
	s3 =	sadd.s32 s4, s19  }
0x9c: {  	s7 =	simm.s32 $0x0;
	s20 =	sshll.u32 s5, $0x1;
	s5 =	sadd.s32 s21, s3  }
0x9d: {  	[timem:s7], [sflag:s22] =	dma.local [hbm:s5], s20  }
0x9e: {  	_ =	swait.ge [sflag:s22], s20  }
0x9f: {  	s4 =	ssub.s32 $0x0, s20;
	[sflag:s22] =	ssyncset.done $0x0  }
0xa0: {  	[sflag:s22] =	ssyncadd.s32 s4;
	_ =	sdelay $0x1  }
0xa1: {  	s23 =	simm.s32 $0x1B8B  }
0xa2: {  	_ =	swait.ge [sflag:s23], $0x1  }
0xa3: {  	[sflag:s23] =	ssyncset.done $0x0  }
0xa4: {  	s25 =	simm.s32 $0x1B8E;
	s24 =	sld [smem:$0x3FFE];
	[sflag:s23] =	ssyncadd.s32 $0xFFFFFFFF  }
0xa5: {  	s26 =	simm.s32 $execute0_lowered;
	[smem:$0x3FD2] =	sst s25  }
0xa6: {  	s5 =	sshll.u32 s26, $0x1;
	_ =	strace $0x80000049;
	[dreg:$0x1] =	wrdreg $0xFFFFFFFF  }
0xa7: {  	s28 =	simm.s32 $_size_execute0_lowered;
	s3 =	sadd.s32 s3, s5;
	[dreg:$0x0] =	wrdreg $0x0  }
0xa8: {  	s5 =	sshll.u32 s28, $0x1;
	[dreg:$0x2] =	wrdreg s3  }
0xa9: {  	[dreg:$0x3] =	wrdreg s5  }
0xaa: {  	[dreg:$0x4] =	wrdreg $0xC0  }
0xab: {  	_ =	task [dreg:s7], $0x5FFFF  }
0xac: {  	[dreg:$0x1] =	wrdreg $0xFFFFFFFF  }
0xad: {  	[dreg:$0x0] =	wrdreg $0x60  }
0xae: {  	[dreg:$0x2] =	wrdreg s2  }
0xaf: {  	[dreg:$0x3] =	wrdreg s24  }
0xb0: {  	[dreg:$0x4] =	wrdreg $0x13C400  }
0xb1: {  	[dreg:$0x5] =	wrdreg $0x9  }
0xb2: {  	_ =	task.clear_ibuf [dreg:s7], $0x6FFFF;
	_ =	strace $0x90000049  }
0xb3: {  	s29 =	simm.s32 $0x9;
	_ =	strace $0x8000004B  }
0xb4: {  	_ =	swait.ge [sflag:s29], $0x1  }
0xb5: {  	[sflag:s29] =	ssyncadd.s32 $0xFFFFFFFF  }
0xb6: {  	_ =	strace $0x9000004B  }
0xb7: {  	_ =	sfence  }
0xb8: {  	s30 =	sld [smem:$0x0];
	_ =	sdelay $0x2  }
0xb9: {  	s31 =	sshll.u32 s1, $0xD;
	s1 =	sshrl.u32 s1, $0x2  }
0xba: {  	s3 =	sand.u32 $0x4000, s31;
	s1 =	sadd.s32 s1, s30  }
0xbb: {  	s0 =	sor.u32 s3, s0;
	s1 =	sshll.u32 s1, $0x11  }
0xbc: {  	s0 =	sor.u32 s1, s0  }
0xbd: {  	s0 =	sadd.s32 $0x8F2B, s0  }
0xbe: {  	[sflag:s0] =	ssyncadd.remote.s32 $0x1  }
0xbf: {  	_ =	sfence.sel $0xFFFF  }
0xc0: {  	[dreg:$0x0] =	wrdreg $0xFFFFFFFF;
	(pc) =	sbr.abs _section_cstart, $3  }
0xc1: {  	[dreg:$0x1] =	wrdreg $0xFFFFFFFF  }
0xc2: {  	_ =	task.clear_ibuf [dreg:s7], $0x2FFFF;
	_ =	strace $0x9FFFFFFF  }
0xc3: {  	(tm) =	ssettm $0x7FFFFFFF  }
tec
execute0_lowered:
.L_overlay_start_1:
0x0: {  	(tag) =	ssettag $0x1  }
0x1: {  	s0 =	rddreg [dreg:$0x0]  }
0x2: {  	s1 =	rddreg [dreg:$0x1]  }
0x3: {  	s2 =	rddreg [dreg:$0x2]  }
0x4: {  	s3 =	srdreg.scid;
	s11 =	stileid.u32  }
0x5: {  	s4 =	simm.s32 $0x0;
	s15 =	simm.s32 $0x7D;
	s16 =	simm.s32 $0xA000  }
0x6: {  	s18 =	simm.s32 $0xBF40;
	s20 =	simm.s32 $0xDE80;
	s28 =	simm.s32 $0x3  }
0x7: {  	s29 =	simm.s32 $0x4;
	s30 =	simm.s32 $0x5;
	s31 =	simm.s32 $0x6  }
0x8: {  	s17 =	simm.s32 $0x9;
	s19 =	simm.s32 $0xA;
	s5 =	smul.u32 $0x13C0, s11  }
0x9: {  	s3 =	sand.u32 $0x1, s3;
	[smem:$0x7FF] =	sst s4;
	s8 =	smul.u32 $0x5000, s11  }
0xa: {  	s7 =	sadd.s32 $0x2A00, s1;
	s4 =	sadd.s32 $0x16A00, s1;
	s9 =	smul.u32 $0x27800, s11  }
0xb: {  	s23 =	smul.u32 $0xA00, s11;
	s26 =	sshll.u32 s11, $0x6;
	s11 =	simm.s32 $0x5000  }
0xc: {  	s6 =	smul.u32 $0x13C00, s3;
	_ =	strace $0x8000004A;
	s21 =	ssub.s32 $0x2, s3  }
0xd: {  	s3 =	smul.u32 $0x13880, s3;
	s12 =	sor.u32 $0x1C0B, s26;
	s26 =	simm.s32 $0x2  }
0xe: {  	s22 =	sshrl.u32 s21, $0x1;
	s24 =	sshrl.u32 s8, $0x3;
	s25 =	sshrl.u32 s9, $0x2  }
0xf: {  	s5 =	sadd.s32 s5, s6;
	s10 =	ssub.s32 s21, s22;
	s6 =	sadd.s32 s7, s24  }
0x10: {  	s13 =	sadd.s32 s25, s2;
	s22 =	simm.s32 $0xFDC0;
	s24 =	simm.s32 $0x11D00  }
0x11: {  	s25 =	simm.s32 $0x1;
	s1 =	sadd.s32 s5, s1;
	s5 =	sadd.s32 s7, s23  }
0x12: {  	s6 =	sadd.s32 $0xA000, s6;
	s14 =	sadd.s32 $0x5000, s13;
	s7 =	sadd.s32 s0, s3  }
0x13: {  	s9 =	smax.u32 s10, $0x1;
	s10 =	simm.s32 $0xB;
	s13 =	sshrl.u32 s13, $0x3  }
0x14: {  	s0 =	simm.s32 $0x7;
	s23 =	simm.s32 $0x0;
	[dreg:$0x4] =	wrdreg s5  }
0x15: {  	s8 =	sadd.s32 $0x17400, s1;
	s14 =	sshrl.u32 s14, $0x3;
	s1 =	simm.s32 $0x8  }
.LBB2_1:
0x16: {  	s3 =	simm.s32 $0x0;
	s5 =	rddreg [dreg:$0x4]  }
0x17: {  	[tilespmem:s3], [sflag:$0xB] =	stream.linear.gather [hbm4b:s5+s3], $0x5000, $0x38;
	[tilespmem:$0x1DA40] =	vst v63  }
0x18: {  	_ =	swait.ge [sflag:s10], $0x5000  }
0x19: {  	[sflag:s10] =	ssyncset.done $0x0  }
0x1a: {  	[sflag:s10] =	ssyncadd.s32 $0xFFFFB000  }
0x1b: {  	[tilespmem:s11], [sflag:$0xB] =	stream.linear.gather [hbm4b:s6+s3], $0x5000, $0x38;
	[tilespmem:$0x1DA40] =	vst v63  }
0x1c: {  	_ =	swait.ge [sflag:s10], $0x5000  }
0x1d: {  	[sflag:s10] =	ssyncset.done $0x0  }
0x1e: {  	[sflag:s10] =	ssyncadd.s32 $0xFFFFB000  }
0x1f: {  	[spmem:s13], [sflag:s12] =	dma.local [hbm:s4], $0xA00  }
0x20: {  	_ =	swait.ge [sflag:s10], $0xA00  }
0x21: {  	[sflag:s10] =	ssyncset.done $0x0  }
0x22: {  	[sflag:s10] =	ssyncadd.s32 $0xFFFFF600  }
0x23: {  	[spmem:s14], [sflag:s12] =	dma.local [hbm:s4], $0x9C0  }
0x24: {  	_ =	swait.ge [sflag:s10], $0x9C0  }
0x25: {  	[sflag:s10] =	ssyncset.done $0x0  }
0x26: {  	[sflag:s10] =	ssyncadd.s32 $0xFFFFF640  }
0x27: {  	[bflag:$0x0] =	sbarrier.arrive $0xFFFF  }
0x28: {  	[tilespmem:s16], [sflag:$0x1] =	stream.indirect.gather [hbm4b:s7+s15], $0x40, s11, s15, $0xb8;
	[tilespmem:$0x1DA40] =	vst v63  }
0x29: {  	s21 =	simm.s32 $0x5080  }
0x2a: {  	[tilespmem:s18], [sflag:$0x2] =	stream.indirect.gather [hbm4b:s7+s15], $0x40, s21, s15, $0xb8;
	[tilespmem:$0x1DA40] =	vst v63  }
0x2b: {  	s5 =	simm.s32 $0x5100  }
0x2c: {  	[tilespmem:s20], [sflag:$0x3] =	stream.indirect.gather [hbm4b:s7+s15], $0x40, s5, s15, $0xb8;
	[tilespmem:$0x1DA40] =	vst v63  }
0x2d: {  	s21 =	simm.s32 $0x5180  }
0x2e: {  	[tilespmem:s22], [sflag:$0x4] =	stream.indirect.gather [hbm4b:s7+s15], $0x40, s21, s15, $0xb8;
	[tilespmem:$0x1DA40] =	vst v63  }
0x2f: {  	s5 =	simm.s32 $0x5200  }
0x30: {  	[tilespmem:s24], [sflag:$0x5] =	stream.indirect.gather [hbm4b:s7+s15], $0x40, s5, s15, $0xb8;
	[tilespmem:$0x1DA40] =	vst v63  }
0x31: {  	_ =	swait.ge [sflag:s25], $0x1F40  }
0x32: {  	[sflag:s25] =	ssyncset.done $0x0  }
0x33: {  	s21 =	simm.s32 $0x0;
	[sflag:s25] =	ssyncadd.s32 $0xFFFFE0C0  }
0x34: {  	[spmem:s2] =	stream.indirect.scatter.add.f32 [tilespmem:s16], [sflag:$0x6], $0x40, s21, s15, $0xb8;
	[tilespmem:$0x1DA40] =	vst v63  }
0x35: {  	_ =	swait.ge [sflag:s26], $0x1F40  }
0x36: {  	[sflag:s26] =	ssyncset.done $0x0  }
0x37: {  	s5 =	simm.s32 $0x80;
	[sflag:s26] =	ssyncadd.s32 $0xFFFFE0C0  }
0x38: {  	[spmem:s2] =	stream.indirect.scatter.add.f32 [tilespmem:s18], [sflag:$0x7], $0x40, s5, s15, $0xb8;
	[tilespmem:$0x1DA40] =	vst v63  }
0x39: {  	_ =	swait.ge [sflag:s28], $0x1F40  }
0x3a: {  	[sflag:s28] =	ssyncset.done $0x0  }
0x3b: {  	s21 =	simm.s32 $0x100;
	[sflag:s28] =	ssyncadd.s32 $0xFFFFE0C0  }
0x3c: {  	[spmem:s2] =	stream.indirect.scatter.add.f32 [tilespmem:s20], [sflag:$0x8], $0x40, s21, s15, $0xb8;
	[tilespmem:$0x1DA40] =	vst v63  }
0x3d: {  	_ =	swait.ge [sflag:s29], $0x1F40  }
0x3e: {  	[sflag:s29] =	ssyncset.done $0x0  }
0x3f: {  	s5 =	simm.s32 $0x180;
	[sflag:s29] =	ssyncadd.s32 $0xFFFFE0C0  }
0x40: {  	[spmem:s2] =	stream.indirect.scatter.add.f32 [tilespmem:s22], [sflag:$0x9], $0x40, s5, s15, $0xb8;
	[tilespmem:$0x1DA40] =	vst v63  }
0x41: {  	_ =	swait.ge [sflag:s30], $0x1F40  }
0x42: {  	[sflag:s30] =	ssyncset.done $0x0  }
0x43: {  	s21 =	simm.s32 $0x200;
	[sflag:s30] =	ssyncadd.s32 $0xFFFFE0C0  }
0x44: {  	[spmem:s2] =	stream.indirect.scatter.add.f32 [tilespmem:s24], [sflag:$0xA], $0x40, s21, s15, $0xb8;
	[tilespmem:$0x1DA40] =	vst v63  }
0x45: {  	_ =	swait.ge [sflag:s31], $0x1F40  }
0x46: {  	[sflag:s31] =	ssyncset.done $0x0  }
0x47: {  	s5 =	simm.s32 $0x5280;
	[sflag:s31] =	ssyncadd.s32 $0xFFFFE0C0  }
0x48: {  	[tilespmem:s16], [sflag:$0x1] =	stream.indirect.gather [hbm4b:s7+s15], $0x40, s5, s15, $0xb8;
	[tilespmem:$0x1DA40] =	vst v63  }
0x49: {  	_ =	swait.ge [sflag:s0], $0x1F40  }
0x4a: {  	[sflag:s0] =	ssyncset.done $0x0  }
0x4b: {  	s21 =	simm.s32 $0x5300;
	[sflag:s0] =	ssyncadd.s32 $0xFFFFE0C0  }
0x4c: {  	[tilespmem:s18], [sflag:$0x2] =	stream.indirect.gather [hbm4b:s7+s15], $0x40, s21, s15, $0xb8;
	[tilespmem:$0x1DA40] =	vst v63  }
0x4d: {  	_ =	swait.ge [sflag:s1], $0x1F40  }
0x4e: {  	[sflag:s1] =	ssyncset.done $0x0  }
0x4f: {  	s5 =	simm.s32 $0x5380;
	[sflag:s1] =	ssyncadd.s32 $0xFFFFE0C0  }
0x50: {  	[tilespmem:s20], [sflag:$0x3] =	stream.indirect.gather [hbm4b:s7+s15], $0x40, s5, s15, $0xb8;
	[tilespmem:$0x1DA40] =	vst v63  }
0x51: {  	_ =	swait.ge [sflag:s17], $0x1F40  }
0x52: {  	[sflag:s17] =	ssyncset.done $0x0  }
0x53: {  	s21 =	simm.s32 $0x5400;
	[sflag:s17] =	ssyncadd.s32 $0xFFFFE0C0  }
0x54: {  	[tilespmem:s22], [sflag:$0x4] =	stream.indirect.gather [hbm4b:s7+s15], $0x40, s21, s15, $0xb8;
	[tilespmem:$0x1DA40] =	vst v63  }
0x55: {  	_ =	swait.ge [sflag:s19], $0x1F40  }
0x56: {  	[sflag:s19] =	ssyncset.done $0x0  }
0x57: {  	s3 =	simm.s32 $0x5480;
	s21 =	simm.s32 $0xA00;
	[sflag:s19] =	ssyncadd.s32 $0xFFFFE0C0  }
.LBB2_2:
0x58: {  	[tilespmem:s24], [sflag:$0x5] =	stream.indirect.gather [hbm4b:s7+s15], $0x40, s3, s15, $0xb8;
	[tilespmem:$0x1DA40] =	vst v63  }
0x59: {  	s3 =	smov.u32 s21  }
0x5a: {  	p0 =	sne.s32 s21, $0x12C00;
	s21 =	sadd.s32 $0xA00, s21;
	_ =	swait.ge [sflag:s25], $0x1F40  }
0x5b: {  	[sflag:s25] =	ssyncset.done $0x0  }
0x5c: {  	s3 =	sshra.s32 s3, $0x2;
	[sflag:s25] =	ssyncadd.s32 $0xFFFFE0C0  }
0x5d: {  	[spmem:s2] =	stream.indirect.scatter.add.f32 [tilespmem:s16], [sflag:$0x6], $0x40, s3, s15, $0xb8;
	[tilespmem:$0x1DA40] =	vst v63  }
0x5e: {  	_ =	swait.ge [sflag:s26], $0x1F40  }
0x5f: {  	[sflag:s26] =	ssyncset.done $0x0  }
0x60: {  	s5 =	sadd.s32 $0x80, s3;
	[sflag:s26] =	ssyncadd.s32 $0xFFFFE0C0  }
0x61: {  	[spmem:s2] =	stream.indirect.scatter.add.f32 [tilespmem:s18], [sflag:$0x7], $0x40, s5, s15, $0xb8;
	[tilespmem:$0x1DA40] =	vst v63  }
0x62: {  	_ =	swait.ge [sflag:s28], $0x1F40  }
0x63: {  	[sflag:s28] =	ssyncset.done $0x0  }
0x64: {  	s5 =	sadd.s32 $0x100, s3;
	[sflag:s28] =	ssyncadd.s32 $0xFFFFE0C0  }
0x65: {  	[spmem:s2] =	stream.indirect.scatter.add.f32 [tilespmem:s20], [sflag:$0x8], $0x40, s5, s15, $0xb8;
	[tilespmem:$0x1DA40] =	vst v63  }
0x66: {  	_ =	swait.ge [sflag:s29], $0x1F40  }
0x67: {  	[sflag:s29] =	ssyncset.done $0x0  }
0x68: {  	s5 =	sadd.s32 $0x180, s3;
	[sflag:s29] =	ssyncadd.s32 $0xFFFFE0C0  }
0x69: {  	[spmem:s2] =	stream.indirect.scatter.add.f32 [tilespmem:s22], [sflag:$0x9], $0x40, s5, s15, $0xb8;
	[tilespmem:$0x1DA40] =	vst v63  }
0x6a: {  	_ =	swait.ge [sflag:s30], $0x1F40  }
0x6b: {  	[sflag:s30] =	ssyncset.done $0x0  }
0x6c: {  	s5 =	sadd.s32 $0x200, s3;
	[sflag:s30] =	ssyncadd.s32 $0xFFFFE0C0  }
0x6d: {  	[spmem:s2] =	stream.indirect.scatter.add.f32 [tilespmem:s24], [sflag:$0xA], $0x40, s5, s15, $0xb8;
	[tilespmem:$0x1DA40] =	vst v63  }
0x6e: {  	_ =	swait.ge [sflag:s31], $0x1F40  }
0x6f: {  	[sflag:s31] =	ssyncset.done $0x0  }
0x70: {  	s5 =	sadd.s32 $0x5280, s3;
	[sflag:s31] =	ssyncadd.s32 $0xFFFFE0C0  }
0x71: {  	[tilespmem:s16], [sflag:$0x1] =	stream.indirect.gather [hbm4b:s7+s15], $0x40, s5, s15, $0xb8;
	[tilespmem:$0x1DA40] =	vst v63  }
0x72: {  	_ =	swait.ge [sflag:s0], $0x1F40  }
0x73: {  	[sflag:s0] =	ssyncset.done $0x0  }
0x74: {  	s5 =	sadd.s32 $0x5300, s3;
	[sflag:s0] =	ssyncadd.s32 $0xFFFFE0C0  }
0x75: {  	[tilespmem:s18], [sflag:$0x2] =	stream.indirect.gather [hbm4b:s7+s15], $0x40, s5, s15, $0xb8;
	[tilespmem:$0x1DA40] =	vst v63  }
0x76: {  	_ =	swait.ge [sflag:s1], $0x1F40  }
0x77: {  	[sflag:s1] =	ssyncset.done $0x0  }
0x78: {  	s5 =	sadd.s32 $0x5380, s3;
	[sflag:s1] =	ssyncadd.s32 $0xFFFFE0C0  }
0x79: {  	[tilespmem:s20], [sflag:$0x3] =	stream.indirect.gather [hbm4b:s7+s15], $0x40, s5, s15, $0xb8;
	[tilespmem:$0x1DA40] =	vst v63  }
0x7a: {  	_ =	swait.ge [sflag:s17], $0x1F40  }
0x7b: {  	[sflag:s17] =	ssyncset.done $0x0  }
.Ltmp0:
0x7c: {  	s5 =	sadd.s32 $0x5400, s3;
	[sflag:s17] =	ssyncadd.s32 $0xFFFFE0C0;
	(pc) =	sbr.rel @p0 .LBB2_2-.Ltmp0, $4  }
0x7d: {  	[tilespmem:s22], [sflag:$0x4] =	stream.indirect.gather [hbm4b:s7+s15], $0x40, s5, s15, $0xb8;
	[tilespmem:$0x1DA40] =	vst v63  }
0x7e: {  	_ =	swait.ge [sflag:s19], $0x1F40  }
0x7f: {  	[sflag:s19] =	ssyncset.done $0x0  }
0x80: {  	s3 =	sadd.s32 $0x5480, s3;
	[sflag:s19] =	ssyncadd.s32 $0xFFFFE0C0  }
0x81: {  	[tilespmem:s24], [sflag:$0x5] =	stream.indirect.gather [hbm4b:s7+s15], $0x40, s3, s15, $0xb8;
	[tilespmem:$0x1DA40] =	vst v63  }
0x82: {  	_ =	swait.ge [sflag:s25], $0x1F40  }
0x83: {  	[sflag:s25] =	ssyncset.done $0x0  }
0x84: {  	s21 =	simm.s32 $0x4D80;
	[sflag:s25] =	ssyncadd.s32 $0xFFFFE0C0  }
0x85: {  	[spmem:s2] =	stream.indirect.scatter.add.f32 [tilespmem:s16], [sflag:$0x6], $0x40, s21, s15, $0xb8;
	[tilespmem:$0x1DA40] =	vst v63  }
0x86: {  	_ =	swait.ge [sflag:s26], $0x1F40  }
0x87: {  	[sflag:s26] =	ssyncset.done $0x0  }
0x88: {  	s5 =	simm.s32 $0x4E00;
	[sflag:s26] =	ssyncadd.s32 $0xFFFFE0C0  }
0x89: {  	[spmem:s2] =	stream.indirect.scatter.add.f32 [tilespmem:s18], [sflag:$0x7], $0x40, s5, s15, $0xb8;
	[tilespmem:$0x1DA40] =	vst v63  }
0x8a: {  	_ =	swait.ge [sflag:s28], $0x1F40  }
0x8b: {  	[sflag:s28] =	ssyncset.done $0x0  }
0x8c: {  	s21 =	simm.s32 $0x4E80;
	[sflag:s28] =	ssyncadd.s32 $0xFFFFE0C0  }
0x8d: {  	[spmem:s2] =	stream.indirect.scatter.add.f32 [tilespmem:s20], [sflag:$0x8], $0x40, s21, s15, $0xb8;
	[tilespmem:$0x1DA40] =	vst v63  }
0x8e: {  	_ =	swait.ge [sflag:s29], $0x1F40  }
0x8f: {  	[sflag:s29] =	ssyncset.done $0x0  }
0x90: {  	s5 =	simm.s32 $0x4F00;
	[sflag:s29] =	ssyncadd.s32 $0xFFFFE0C0  }
0x91: {  	[spmem:s2] =	stream.indirect.scatter.add.f32 [tilespmem:s22], [sflag:$0x9], $0x40, s5, s15, $0xb8;
	[tilespmem:$0x1DA40] =	vst v63  }
0x92: {  	_ =	swait.ge [sflag:s30], $0x1F40  }
0x93: {  	[sflag:s30] =	ssyncset.done $0x0  }
0x94: {  	s21 =	simm.s32 $0x4F80;
	[sflag:s30] =	ssyncadd.s32 $0xFFFFE0C0  }
0x95: {  	[spmem:s2] =	stream.indirect.scatter.add.f32 [tilespmem:s24], [sflag:$0xA], $0x40, s21, s15, $0xb8;
	[tilespmem:$0x1DA40] =	vst v63  }
0x96: {  	_ =	swait.ge [sflag:s31], $0x1F40  }
0x97: {  	[sflag:s31] =	ssyncset.done $0x0  }
0x98: {  	[sflag:s31] =	ssyncadd.s32 $0xFFFFE0C0  }
0x99: {  	_ =	swait.ge [sflag:s0], $0x1F40  }
0x9a: {  	[sflag:s0] =	ssyncset.done $0x0  }
0x9b: {  	[sflag:s0] =	ssyncadd.s32 $0xFFFFE0C0  }
0x9c: {  	_ =	swait.ge [sflag:s1], $0x1F40  }
0x9d: {  	[sflag:s1] =	ssyncset.done $0x0  }
0x9e: {  	[sflag:s1] =	ssyncadd.s32 $0xFFFFE0C0  }
0x9f: {  	_ =	swait.ge [sflag:s17], $0x1F40  }
0xa0: {  	[sflag:s17] =	ssyncset.done $0x0  }
0xa1: {  	[sflag:s17] =	ssyncadd.s32 $0xFFFFE0C0  }
0xa2: {  	_ =	swait.ge [sflag:s19], $0x1F40  }
0xa3: {  	s23 =	sadd.s32 $0x1, s23;
	[sflag:s19] =	ssyncset.done $0x0  }
0xa4: {  	p0 =	sne.s32 s23, s9;
	[sflag:s19] =	ssyncadd.s32 $0xFFFFE0C0  }
.Ltmp1:
0xa5: {  	[bflag:$0x0] =	sbarrier.arrive $0xFFFF;
	(pc) =	sbr.rel @p0 .LBB2_1-.Ltmp1, $4  }
0xa6: {  	[hbm:s8], [sflag:s12] =	dma.local [spmem:s13], $0x13C0  }
0xa7: {  	_ =	swait.ge [sflag:s10], $0x13C0  }
0xa8: {  	[sflag:s10] =	ssyncset.done $0x0  }
0xa9: {  	[sflag:s10] =	ssyncadd.s32 $0xFFFFEC40  }
0xaa: {  	_ =	sfence.sel $0x180000  }
0xab: {  	[bflag:$0x0] =	sbarrier.arrive $0xFFFF  }
0xac: {  	_ =	strace $0x9000004A  }
0xad: {  	s0 =	stileid.u32;
	[bflag:$0x2] =	sbarrier.arrive $0xFFFF  }
0xae: {  	p0 =	sne.s32 s0, $0x0;
	s0 =	rddreg [dreg:$0x3]  }
0xaf: {  	s0 =	sadd.s32 @!p0 $0x100000, s0  }
0xb0: {  	[sflag:s0] =	ssyncadd.tile.s32 @!p0 $0x1;
	_ =	shalt  }
.Lfunc_end2:
_tile_overlayer_lowered:
.L_overlay_start_2:
0xb1: {  	(tag) =	ssettag $0x2  }
0xb2: {  	s0 =	rddreg [dreg:$0x0];
	s2 =	stileid.u32  }
0xb3: {  	s1 =	rddreg [dreg:$0x1];
	p0 =	sne.s32 s2, $0x0  }
0xb4: {  	s3 =	rddreg [dreg:$0x2];
	[bflag:$0x3] =	sbarrier.arrive $0xFFFF;
	s2 =	simm.s32 @!p0 $0x1C0B  }
0xb5: {  	[timem:s3], [sflag:s2] =	dma.local @!p0 [hbm:s0], s1  }
0xb6: {  	s0 =	simm.s32 @!p0 $0xB  }
0xb7: {  	_ =	swait.ge @!p0 [sflag:s0], s1  }
0xb8: {  	s1 =	ssub.s32 @!p0 $0x0, s1;
	[sflag:s0] =	ssyncset.done @!p0 $0x0  }
0xb9: {  	[sflag:s0] =	ssyncadd.s32 @!p0 s1  }
0xba: {  	[bflag:$0x3] =	sbarrier.arrive $0xFFFF  }
0xbb: {  	_ =	shalt  }

// kernel: kernel.14.cloned.1.call-start
scs
__scs_entry_jumppad:
0x0: {  	(pc) =	sbr.rel $0x88, $3  }
0x1: {  	(tag) =	ssettag $0x0;
	lr =	simm.s32 $0x1  }
0x2: {  	[smem:$0x3F94] =	sst lr;
	_ =	strace $0xD0000000  }
0x3: {  	_ = 	snop  }
0x4: {  	_ = 	snop  }
0x5: {  	_ = 	snop  }
0x6: {  	_ = 	snop  }
0x7: {  	_ = 	snop  }
__scs_overlays_trampoline_lowered:
0x8: {  	[smem:$0x3FA3] =	sst s0  }
0x9: {  	[smem:$0x3FA4] =	sst s1  }
0xa: {  	[smem:$0x3FA5] =	sst s2  }
0xb: {  	[smem:$0x3FA6] =	sst s3  }
0xc: {  	[smem:$0x3FA7] =	sst s4  }
0xd: {  	[smem:$0x3FA8] =	sst s5  }
0xe: {  	[smem:$0x3FA9] =	sst s6  }
0xf: {  	[smem:$0x3FAA] =	sst s7  }
0x10: {  	[smem:$0x3FAB] =	sst s8  }
0x11: {  	[smem:$0x3FAC] =	sst s9;
	s0 =	simm.s32 @!p0 $0x0  }
0x12: {  	s1 =	sld [smem:$0x3F92];
	s0 =	simm.s32 @p0 $0x1  }
0x13: {  	[smem:$0x3FAD] =	sst s0;
	s0 =	simm.s32 @!p1 $0x0  }
0x14: {  	s2 =	sld [smem:$0x3F91];
	s0 =	simm.s32 @p1 $0x1  }
0x15: {  	[smem:$0x3FAE] =	sst s0;
	s0 =	simm.s32 @!p2 $0x0  }
0x16: {  	s3 =	sld [smem:$0x3FDB];
	s0 =	simm.s32 @p2 $0x1  }
0x17: {  	s4 =	simm.s32 $0x1BF5;
	[smem:$0x3FB0] =	sst s0  }
0x18: {  	s0 =	sld [smem:$0x3F93];
	_ =	swait.ge [sflag:s4], $0x0  }
0x19: {  	s7 =	sld [smem:$0x3F94]  }
0x1a: {  	s8 =	sadd.s32 $0xFFFFE003, lr  }
0x1b: {  	s9 =	sadd.s32 $0xFFFFFEF7, lr;
	s5 =	simm.s32 $0xFFFFFFFF;
	p2 =	slt.u32 s8, $0xFFFFF086  }
0x1c: {  	p1 =	slt.u32 s9, $0xF7A;
	s5 =	simm.s32 @!p2 $0x0  }
0x1d: {  	s5 =	simm.s32 @p1 $0x1;
	p0 =	seq.s32 s7, s2  }
0x1e: {  	s7 =	smul.u32 @!p0 $0xF7A, s2;
	p2 =	seq.s32 @!p0 s5, $0x0  }
0x1f: {  	s9 =	smul.u32 $0xF7A, s1;
	s8 =	simm.s32 @!p0 $0x1BF5;
	p2 =	por !p2, p0  }
0x20: {  	[sflag:s8] =	ssyncset.s32 @!p0 $0xFFFFF086;
	s6 =	sadd.s32 @!p0 s3, s7;
	s7 =	simm.s32 @!p0 $0x108  }
0x21: {  	s3 =	sadd.s32 s3, s9;
	s6 =	sadd.s32 @!p0 $0x88, s6;
	s7 =	simm.s32 @p2 $0x1082  }
0x22: {  	[simem:s7], [sflag:s8] =	dma.local @!p0 [hbm:s6], $0xF7A  }
0x23: {  	s9 =	sor.u32 $0xD0000000, s2;
	s6 =	simm.s32 $0x108;
	_ =	swait.ge @!p0 [sflag:s8], $0x0  }
0x24: {  	s3 =	sadd.s32 $0x88, s3;
	s6 =	simm.s32 @!p1 $0x1082;
	[sflag:s4] =	ssyncset.s32 $0xFFFFF086  }
0x25: {  	[simem:s6], [sflag:s4] =	dma.local [hbm:s3], $0xF7A  }
0x26: {  	[smem:$0x3F94] =	sst s1;
	(tag) =	ssettag s2;
	_ =	strace s9  }
0x27: {  	s1 =	sld [smem:$0x3FA4]  }
0x28: {  	s2 =	sld [smem:$0x3FA5]  }
0x29: {  	s4 =	sld [smem:$0x3FA7]  }
0x2a: {  	p0 =	seq.s32 s5, $0x0;
	s5 =	sld [smem:$0x3FA8]  }
0x2b: {  	s6 =	sld [smem:$0x3FA9]  }
0x2c: {  	s7 =	sld [smem:$0x3FAA]  }
0x2d: {  	s3 =	simm.s32 $0x108;
	s8 =	sld [smem:$0x3FAB]  }
0x2e: {  	s3 =	simm.s32 @!p0 $0x1082;
	s9 =	sld [smem:$0x3FAC]  }
0x2f: {  	lr =	sadd.s32 s0, s3;
	s0 =	sld [smem:$0x3FA3]  }
0x30: {  	s3 =	sld [smem:$0x3FA6]  }
0x31: {  	[smem:$0x3FAF] =	sst s10  }
0x32: {  	s10 =	sld [smem:$0x3FAD];
	_ =	sdelay $0x3  }
0x33: {  	p0 =	seq.s32 s10, $0x1;
	s10 =	sld [smem:$0x3FAF];
	_ =	sdelay $0x3  }
0x34: {  	[smem:$0x3FAF] =	sst s10  }
0x35: {  	s10 =	sld [smem:$0x3FAE];
	_ =	sdelay $0x3  }
0x36: {  	p1 =	seq.s32 s10, $0x1;
	s10 =	sld [smem:$0x3FAF];
	_ =	sdelay $0x3  }
0x37: {  	[smem:$0x3FAF] =	sst s10  }
0x38: {  	s10 =	sld [smem:$0x3FB0]  }
0x39: {  	_ = 	snop;
	(pc) =	sbr.ind lr, $3  }
0x3a: {  	_ = 	snop  }
0x3b: {  	_ = 	snop  }
0x3c: {  	p2 =	seq.s32 s10, $0x1;
	s10 =	sld [smem:$0x3FAF]  }
0x3d: {  	_ =	shalt  }
0x3e: {  	_ =	shalt  }
0x3f: {  	_ =	shalt  }
0x40: {  	_ =	shalt  }
0x41: {  	_ =	shalt  }
0x42: {  	_ =	shalt  }
0x43: {  	_ =	shalt  }
0x44: {  	_ =	shalt  }
0x45: {  	_ =	shalt  }
0x46: {  	_ =	shalt  }
0x47: {  	_ =	shalt  }
0x48: {  	_ =	shalt  }
0x49: {  	_ =	shalt  }
0x4a: {  	_ =	shalt  }
0x4b: {  	_ =	shalt  }
0x4c: {  	_ =	shalt  }
0x4d: {  	_ =	shalt  }
0x4e: {  	_ =	shalt  }
0x4f: {  	_ =	shalt  }
0x50: {  	_ =	shalt  }
0x51: {  	_ =	shalt  }
0x52: {  	_ =	shalt  }
0x53: {  	_ =	shalt  }
0x54: {  	_ =	shalt  }
0x55: {  	_ =	shalt  }
0x56: {  	_ =	shalt  }
0x57: {  	_ =	shalt  }
0x58: {  	_ =	shalt  }
0x59: {  	_ =	shalt  }
0x5a: {  	_ =	shalt  }
0x5b: {  	_ =	shalt  }
0x5c: {  	_ =	shalt  }
0x5d: {  	_ =	shalt  }
0x5e: {  	_ =	shalt  }
0x5f: {  	_ =	shalt  }
0x60: {  	_ =	shalt  }
0x61: {  	_ =	shalt  }
0x62: {  	_ =	shalt  }
0x63: {  	_ =	shalt  }
0x64: {  	_ =	shalt  }
0x65: {  	_ =	shalt  }
0x66: {  	_ =	shalt  }
0x67: {  	_ =	shalt  }
0x68: {  	_ =	shalt  }
0x69: {  	_ =	shalt  }
0x6a: {  	_ =	shalt  }
0x6b: {  	_ =	shalt  }
0x6c: {  	_ =	shalt  }
0x6d: {  	_ =	shalt  }
0x6e: {  	_ =	shalt  }
0x6f: {  	_ =	shalt  }
0x70: {  	_ =	shalt  }
0x71: {  	_ =	shalt  }
0x72: {  	_ =	shalt  }
0x73: {  	_ =	shalt  }
0x74: {  	_ =	shalt  }
0x75: {  	_ =	shalt  }
0x76: {  	_ =	shalt  }
0x77: {  	_ =	shalt  }
0x78: {  	_ =	shalt  }
0x79: {  	_ =	shalt  }
0x7a: {  	_ =	shalt  }
0x7b: {  	_ =	shalt  }
0x7c: {  	_ =	shalt  }
0x7d: {  	_ =	shalt  }
0x7e: {  	_ =	shalt  }
0x7f: {  	_ =	shalt  }
0x80: {  	_ =	shalt  }
0x81: {  	_ =	shalt  }
0x82: {  	_ =	shalt  }
0x83: {  	_ =	shalt  }
0x84: {  	_ =	shalt  }
0x85: {  	_ =	shalt  }
0x86: {  	_ =	shalt  }
0x87: {  	_ =	shalt  }
.Lfunc_end0:
.L_simem_size_0:
called_computation.2_lowered:
.L_overlay_start_0:
0x88: {  	s2 =	sld [smem:$0x3FD9]  }
0x89: {  	s3 =	sld [smem:$0x3FFE];
	_ =	sdelay $0x1  }
0x8a: {  	s1 =	srdreg.scid  }
0x8b: {  	s0 =	sand.u32 $0x1, s1  }
0x8c: {  	s17 =	sshll.u32 s0, $0xA;
	s2 =	sadd.s32 s3, s2  }
0x8d: {  	s2 =	sadd.s32 s2, s17  }
0x8e: {  	[smem:$0x3FBB] =	sst s2  }
0x8f: {  	_ = 	snop  }
0x90: {  	s2 =	sld [smem:$0x3FD0];
	(tm) =	ssettm $0x1  }
0x91: {  	s18 =	sld [smem:$0x3FFB];
	_ =	sdelay $0x3  }
0x92: {  	_ =	strace s18  }
0x93: {  	s3 =	sld [smem:$0x3FFC];
	_ =	sdelay $0x3  }
0x94: {  	_ =	strace s3  }
0x95: {  	s3 =	sld [smem:$0x3FFD];
	_ =	sdelay $0x3  }
0x96: {  	_ =	strace s3  }
0x97: {  	_ =	strace $0x8FFFFFFF  }
0x98: {  	s19 =	sld [smem:$0x3FDB];
	_ =	sdelay $0x1  }
0x99: {  	s4 =	simm.s32 $_scs_section_size  }
0x9a: {  	s5 =	simm.s32 $_size__tile_overlayer_lowered;
	s6 =	simm.s32 $_tile_overlayer_lowered  }
0x9b: {  	s22 =	simm.s32 $0x1BFF;
	s21 =	sshll.u32 s6, $0x1;
	s3 =	sadd.s32 s4, s19  }
0x9c: {  	s7 =	simm.s32 $0x0;
	s20 =	sshll.u32 s5, $0x1;
	s5 =	sadd.s32 s21, s3  }
0x9d: {  	[timem:s7], [sflag:s22] =	dma.local [hbm:s5], s20  }
0x9e: {  	_ =	swait.ge [sflag:s22], s20  }
0x9f: {  	s4 =	ssub.s32 $0x0, s20;
	[sflag:s22] =	ssyncset.done $0x0  }
0xa0: {  	[sflag:s22] =	ssyncadd.s32 s4;
	_ =	sdelay $0x1  }
0xa1: {  	s23 =	simm.s32 $0x1B8B  }
0xa2: {  	_ =	swait.ge [sflag:s23], $0x1  }
0xa3: {  	[sflag:s23] =	ssyncset.done $0x0  }
0xa4: {  	s25 =	simm.s32 $0x1B8E;
	s24 =	sld [smem:$0x3FFE];
	[sflag:s23] =	ssyncadd.s32 $0xFFFFFFFF  }
0xa5: {  	s26 =	simm.s32 $execute0_lowered;
	[smem:$0x3FD2] =	sst s25  }
0xa6: {  	s5 =	sshll.u32 s26, $0x1;
	_ =	strace $0x8000004C;
	[dreg:$0x1] =	wrdreg $0xFFFFFFFF  }
0xa7: {  	s28 =	simm.s32 $_size_execute0_lowered;
	s3 =	sadd.s32 s3, s5;
	[dreg:$0x0] =	wrdreg $0x0  }
0xa8: {  	s5 =	sshll.u32 s28, $0x1;
	[dreg:$0x2] =	wrdreg s3  }
0xa9: {  	[dreg:$0x3] =	wrdreg s5  }
0xaa: {  	[dreg:$0x4] =	wrdreg $0xC0  }
0xab: {  	_ =	task [dreg:s7], $0x5FFFF  }
0xac: {  	[dreg:$0x1] =	wrdreg $0xFFFFFFFF  }
0xad: {  	[dreg:$0x0] =	wrdreg $0x60  }
0xae: {  	[dreg:$0x2] =	wrdreg s2  }
0xaf: {  	[dreg:$0x3] =	wrdreg s24  }
0xb0: {  	[dreg:$0x4] =	wrdreg $0x13C400  }
0xb1: {  	[dreg:$0x5] =	wrdreg $0x9  }
0xb2: {  	_ =	task.clear_ibuf [dreg:s7], $0x6FFFF;
	_ =	strace $0x9000004C  }
0xb3: {  	s29 =	simm.s32 $0x9;
	_ =	strace $0x8000004E  }
0xb4: {  	_ =	swait.ge [sflag:s29], $0x1  }
0xb5: {  	[sflag:s29] =	ssyncadd.s32 $0xFFFFFFFF  }
0xb6: {  	_ =	strace $0x9000004E  }
0xb7: {  	_ =	sfence  }
0xb8: {  	s30 =	sld [smem:$0x0];
	_ =	sdelay $0x2  }
0xb9: {  	s31 =	sshll.u32 s1, $0xD;
	s1 =	sshrl.u32 s1, $0x2  }
0xba: {  	s3 =	sand.u32 $0x4000, s31;
	s1 =	sadd.s32 s1, s30  }
0xbb: {  	s0 =	sor.u32 s3, s0;
	s1 =	sshll.u32 s1, $0x11  }
0xbc: {  	s0 =	sor.u32 s1, s0  }
0xbd: {  	s0 =	sadd.s32 $0x8F2B, s0  }
0xbe: {  	[sflag:s0] =	ssyncadd.remote.s32 $0x1  }
0xbf: {  	_ =	sfence.sel $0xFFFF  }
0xc0: {  	[dreg:$0x0] =	wrdreg $0xFFFFFFFF;
	(pc) =	sbr.abs _section_cstart, $3  }
0xc1: {  	[dreg:$0x1] =	wrdreg $0xFFFFFFFF  }
0xc2: {  	_ =	task.clear_ibuf [dreg:s7], $0x2FFFF;
	_ =	strace $0x9FFFFFFF  }
0xc3: {  	(tm) =	ssettm $0x7FFFFFFF  }
tec
execute0_lowered:
.L_overlay_start_1:
0x0: {  	(tag) =	ssettag $0x1  }
0x1: {  	s0 =	rddreg [dreg:$0x0]  }
0x2: {  	s1 =	rddreg [dreg:$0x1]  }
0x3: {  	s2 =	rddreg [dreg:$0x2]  }
0x4: {  	s3 =	srdreg.scid;
	s11 =	stileid.u32  }
0x5: {  	s4 =	simm.s32 $0x0;
	s15 =	simm.s32 $0x7D;
	s16 =	simm.s32 $0xA000  }
0x6: {  	s18 =	simm.s32 $0xBF40;
	s20 =	simm.s32 $0xDE80;
	s28 =	simm.s32 $0x3  }
0x7: {  	s29 =	simm.s32 $0x4;
	s30 =	simm.s32 $0x5;
	s31 =	simm.s32 $0x6  }
0x8: {  	s17 =	simm.s32 $0x9;
	s19 =	simm.s32 $0xA;
	s5 =	smul.u32 $0x13C0, s11  }
0x9: {  	s3 =	sand.u32 $0x1, s3;
	[smem:$0x7FF] =	sst s4;
	s8 =	smul.u32 $0x5000, s11  }
0xa: {  	s7 =	sadd.s32 $0x2A00, s1;
	s4 =	sadd.s32 $0x16A00, s1;
	s9 =	smul.u32 $0x27800, s11  }
0xb: {  	s23 =	smul.u32 $0xA00, s11;
	s26 =	sshll.u32 s11, $0x6;
	s11 =	simm.s32 $0x5000  }
0xc: {  	s6 =	smul.u32 $0x13C00, s3;
	_ =	strace $0x8000004D;
	s21 =	ssub.s32 $0x2, s3  }
0xd: {  	s3 =	smul.u32 $0x13880, s3;
	s12 =	sor.u32 $0x1C0B, s26;
	s26 =	simm.s32 $0x2  }
0xe: {  	s22 =	sshrl.u32 s21, $0x1;
	s24 =	sshrl.u32 s8, $0x3;
	s25 =	sshrl.u32 s9, $0x2  }
0xf: {  	s5 =	sadd.s32 s5, s6;
	s10 =	ssub.s32 s21, s22;
	s6 =	sadd.s32 s7, s24  }
0x10: {  	s13 =	sadd.s32 s25, s2;
	s22 =	simm.s32 $0xFDC0;
	s24 =	simm.s32 $0x11D00  }
0x11: {  	s25 =	simm.s32 $0x1;
	s1 =	sadd.s32 s5, s1;
	s5 =	sadd.s32 s7, s23  }
0x12: {  	s6 =	sadd.s32 $0xA000, s6;
	s14 =	sadd.s32 $0x5000, s13;
	s7 =	sadd.s32 s0, s3  }
0x13: {  	s9 =	smax.u32 s10, $0x1;
	s10 =	simm.s32 $0xB;
	s13 =	sshrl.u32 s13, $0x3  }
0x14: {  	s0 =	simm.s32 $0x7;
	s23 =	simm.s32 $0x0;
	[dreg:$0x4] =	wrdreg s5  }
0x15: {  	s8 =	sadd.s32 $0x17400, s1;
	s14 =	sshrl.u32 s14, $0x3;
	s1 =	simm.s32 $0x8  }
.LBB2_1:
0x16: {  	s3 =	simm.s32 $0x0;
	s5 =	rddreg [dreg:$0x4]  }
0x17: {  	[tilespmem:s3], [sflag:$0xB] =	stream.linear.gather [hbm4b:s5+s3], $0x5000, $0x38;
	[tilespmem:$0x1DA40] =	vst v63  }
0x18: {  	_ =	swait.ge [sflag:s10], $0x5000  }
0x19: {  	[sflag:s10] =	ssyncset.done $0x0  }
0x1a: {  	[sflag:s10] =	ssyncadd.s32 $0xFFFFB000  }
0x1b: {  	[tilespmem:s11], [sflag:$0xB] =	stream.linear.gather [hbm4b:s6+s3], $0x5000, $0x38;
	[tilespmem:$0x1DA40] =	vst v63  }
0x1c: {  	_ =	swait.ge [sflag:s10], $0x5000  }
0x1d: {  	[sflag:s10] =	ssyncset.done $0x0  }
0x1e: {  	[sflag:s10] =	ssyncadd.s32 $0xFFFFB000  }
0x1f: {  	[spmem:s13], [sflag:s12] =	dma.local [hbm:s4], $0xA00  }
0x20: {  	_ =	swait.ge [sflag:s10], $0xA00  }
0x21: {  	[sflag:s10] =	ssyncset.done $0x0  }
0x22: {  	[sflag:s10] =	ssyncadd.s32 $0xFFFFF600  }
0x23: {  	[spmem:s14], [sflag:s12] =	dma.local [hbm:s4], $0x9C0  }
0x24: {  	_ =	swait.ge [sflag:s10], $0x9C0  }
0x25: {  	[sflag:s10] =	ssyncset.done $0x0  }
0x26: {  	[sflag:s10] =	ssyncadd.s32 $0xFFFFF640  }
0x27: {  	[bflag:$0x0] =	sbarrier.arrive $0xFFFF  }
0x28: {  	[tilespmem:s16], [sflag:$0x1] =	stream.indirect.gather [hbm4b:s7+s15], $0x40, s11, s15, $0xb8;
	[tilespmem:$0x1DA40] =	vst v63  }
0x29: {  	s21 =	simm.s32 $0x5080  }
0x2a: {  	[tilespmem:s18], [sflag:$0x2] =	stream.indirect.gather [hbm4b:s7+s15], $0x40, s21, s15, $0xb8;
	[tilespmem:$0x1DA40] =	vst v63  }
0x2b: {  	s5 =	simm.s32 $0x5100  }
0x2c: {  	[tilespmem:s20], [sflag:$0x3] =	stream.indirect.gather [hbm4b:s7+s15], $0x40, s5, s15, $0xb8;
	[tilespmem:$0x1DA40] =	vst v63  }
0x2d: {  	s21 =	simm.s32 $0x5180  }
0x2e: {  	[tilespmem:s22], [sflag:$0x4] =	stream.indirect.gather [hbm4b:s7+s15], $0x40, s21, s15, $0xb8;
	[tilespmem:$0x1DA40] =	vst v63  }
0x2f: {  	s5 =	simm.s32 $0x5200  }
0x30: {  	[tilespmem:s24], [sflag:$0x5] =	stream.indirect.gather [hbm4b:s7+s15], $0x40, s5, s15, $0xb8;
	[tilespmem:$0x1DA40] =	vst v63  }
0x31: {  	_ =	swait.ge [sflag:s25], $0x1F40  }
0x32: {  	[sflag:s25] =	ssyncset.done $0x0  }
0x33: {  	s21 =	simm.s32 $0x0;
	[sflag:s25] =	ssyncadd.s32 $0xFFFFE0C0  }
0x34: {  	[spmem:s2] =	stream.indirect.scatter.add.f32 [tilespmem:s16], [sflag:$0x6], $0x40, s21, s15, $0xb8;
	[tilespmem:$0x1DA40] =	vst v63  }
0x35: {  	_ =	swait.ge [sflag:s26], $0x1F40  }
0x36: {  	[sflag:s26] =	ssyncset.done $0x0  }
0x37: {  	s5 =	simm.s32 $0x80;
	[sflag:s26] =	ssyncadd.s32 $0xFFFFE0C0  }
0x38: {  	[spmem:s2] =	stream.indirect.scatter.add.f32 [tilespmem:s18], [sflag:$0x7], $0x40, s5, s15, $0xb8;
	[tilespmem:$0x1DA40] =	vst v63  }
0x39: {  	_ =	swait.ge [sflag:s28], $0x1F40  }
0x3a: {  	[sflag:s28] =	ssyncset.done $0x0  }
0x3b: {  	s21 =	simm.s32 $0x100;
	[sflag:s28] =	ssyncadd.s32 $0xFFFFE0C0  }
0x3c: {  	[spmem:s2] =	stream.indirect.scatter.add.f32 [tilespmem:s20], [sflag:$0x8], $0x40, s21, s15, $0xb8;
	[tilespmem:$0x1DA40] =	vst v63  }
0x3d: {  	_ =	swait.ge [sflag:s29], $0x1F40  }
0x3e: {  	[sflag:s29] =	ssyncset.done $0x0  }
0x3f: {  	s5 =	simm.s32 $0x180;
	[sflag:s29] =	ssyncadd.s32 $0xFFFFE0C0  }
0x40: {  	[spmem:s2] =	stream.indirect.scatter.add.f32 [tilespmem:s22], [sflag:$0x9], $0x40, s5, s15, $0xb8;
	[tilespmem:$0x1DA40] =	vst v63  }
0x41: {  	_ =	swait.ge [sflag:s30], $0x1F40  }
0x42: {  	[sflag:s30] =	ssyncset.done $0x0  }
0x43: {  	s21 =	simm.s32 $0x200;
	[sflag:s30] =	ssyncadd.s32 $0xFFFFE0C0  }
0x44: {  	[spmem:s2] =	stream.indirect.scatter.add.f32 [tilespmem:s24], [sflag:$0xA], $0x40, s21, s15, $0xb8;
	[tilespmem:$0x1DA40] =	vst v63  }
0x45: {  	_ =	swait.ge [sflag:s31], $0x1F40  }
0x46: {  	[sflag:s31] =	ssyncset.done $0x0  }
0x47: {  	s5 =	simm.s32 $0x5280;
	[sflag:s31] =	ssyncadd.s32 $0xFFFFE0C0  }
0x48: {  	[tilespmem:s16], [sflag:$0x1] =	stream.indirect.gather [hbm4b:s7+s15], $0x40, s5, s15, $0xb8;
	[tilespmem:$0x1DA40] =	vst v63  }
0x49: {  	_ =	swait.ge [sflag:s0], $0x1F40  }
0x4a: {  	[sflag:s0] =	ssyncset.done $0x0  }
0x4b: {  	s21 =	simm.s32 $0x5300;
	[sflag:s0] =	ssyncadd.s32 $0xFFFFE0C0  }
0x4c: {  	[tilespmem:s18], [sflag:$0x2] =	stream.indirect.gather [hbm4b:s7+s15], $0x40, s21, s15, $0xb8;
	[tilespmem:$0x1DA40] =	vst v63  }
0x4d: {  	_ =	swait.ge [sflag:s1], $0x1F40  }
0x4e: {  	[sflag:s1] =	ssyncset.done $0x0  }
0x4f: {  	s5 =	simm.s32 $0x5380;
	[sflag:s1] =	ssyncadd.s32 $0xFFFFE0C0  }
0x50: {  	[tilespmem:s20], [sflag:$0x3] =	stream.indirect.gather [hbm4b:s7+s15], $0x40, s5, s15, $0xb8;
	[tilespmem:$0x1DA40] =	vst v63  }
0x51: {  	_ =	swait.ge [sflag:s17], $0x1F40  }
0x52: {  	[sflag:s17] =	ssyncset.done $0x0  }
0x53: {  	s21 =	simm.s32 $0x5400;
	[sflag:s17] =	ssyncadd.s32 $0xFFFFE0C0  }
0x54: {  	[tilespmem:s22], [sflag:$0x4] =	stream.indirect.gather [hbm4b:s7+s15], $0x40, s21, s15, $0xb8;
	[tilespmem:$0x1DA40] =	vst v63  }
0x55: {  	_ =	swait.ge [sflag:s19], $0x1F40  }
0x56: {  	[sflag:s19] =	ssyncset.done $0x0  }
0x57: {  	s3 =	simm.s32 $0x5480;
	s21 =	simm.s32 $0xA00;
	[sflag:s19] =	ssyncadd.s32 $0xFFFFE0C0  }
.LBB2_2:
0x58: {  	[tilespmem:s24], [sflag:$0x5] =	stream.indirect.gather [hbm4b:s7+s15], $0x40, s3, s15, $0xb8;
	[tilespmem:$0x1DA40] =	vst v63  }
0x59: {  	s3 =	smov.u32 s21  }
0x5a: {  	p0 =	sne.s32 s21, $0x12C00;
	s21 =	sadd.s32 $0xA00, s21;
	_ =	swait.ge [sflag:s25], $0x1F40  }
0x5b: {  	[sflag:s25] =	ssyncset.done $0x0  }
0x5c: {  	s3 =	sshra.s32 s3, $0x2;
	[sflag:s25] =	ssyncadd.s32 $0xFFFFE0C0  }
0x5d: {  	[spmem:s2] =	stream.indirect.scatter.add.f32 [tilespmem:s16], [sflag:$0x6], $0x40, s3, s15, $0xb8;
	[tilespmem:$0x1DA40] =	vst v63  }
0x5e: {  	_ =	swait.ge [sflag:s26], $0x1F40  }
0x5f: {  	[sflag:s26] =	ssyncset.done $0x0  }
0x60: {  	s5 =	sadd.s32 $0x80, s3;
	[sflag:s26] =	ssyncadd.s32 $0xFFFFE0C0  }
0x61: {  	[spmem:s2] =	stream.indirect.scatter.add.f32 [tilespmem:s18], [sflag:$0x7], $0x40, s5, s15, $0xb8;
	[tilespmem:$0x1DA40] =	vst v63  }
0x62: {  	_ =	swait.ge [sflag:s28], $0x1F40  }
0x63: {  	[sflag:s28] =	ssyncset.done $0x0  }
0x64: {  	s5 =	sadd.s32 $0x100, s3;
	[sflag:s28] =	ssyncadd.s32 $0xFFFFE0C0  }
0x65: {  	[spmem:s2] =	stream.indirect.scatter.add.f32 [tilespmem:s20], [sflag:$0x8], $0x40, s5, s15, $0xb8;
	[tilespmem:$0x1DA40] =	vst v63  }
0x66: {  	_ =	swait.ge [sflag:s29], $0x1F40  }
0x67: {  	[sflag:s29] =	ssyncset.done $0x0  }
0x68: {  	s5 =	sadd.s32 $0x180, s3;
	[sflag:s29] =	ssyncadd.s32 $0xFFFFE0C0  }
0x69: {  	[spmem:s2] =	stream.indirect.scatter.add.f32 [tilespmem:s22], [sflag:$0x9], $0x40, s5, s15, $0xb8;
	[tilespmem:$0x1DA40] =	vst v63  }
0x6a: {  	_ =	swait.ge [sflag:s30], $0x1F40  }
0x6b: {  	[sflag:s30] =	ssyncset.done $0x0  }
0x6c: {  	s5 =	sadd.s32 $0x200, s3;
	[sflag:s30] =	ssyncadd.s32 $0xFFFFE0C0  }
0x6d: {  	[spmem:s2] =	stream.indirect.scatter.add.f32 [tilespmem:s24], [sflag:$0xA], $0x40, s5, s15, $0xb8;
	[tilespmem:$0x1DA40] =	vst v63  }
0x6e: {  	_ =	swait.ge [sflag:s31], $0x1F40  }
0x6f: {  	[sflag:s31] =	ssyncset.done $0x0  }
0x70: {  	s5 =	sadd.s32 $0x5280, s3;
	[sflag:s31] =	ssyncadd.s32 $0xFFFFE0C0  }
0x71: {  	[tilespmem:s16], [sflag:$0x1] =	stream.indirect.gather [hbm4b:s7+s15], $0x40, s5, s15, $0xb8;
	[tilespmem:$0x1DA40] =	vst v63  }
0x72: {  	_ =	swait.ge [sflag:s0], $0x1F40  }
0x73: {  	[sflag:s0] =	ssyncset.done $0x0  }
0x74: {  	s5 =	sadd.s32 $0x5300, s3;
	[sflag:s0] =	ssyncadd.s32 $0xFFFFE0C0  }
0x75: {  	[tilespmem:s18], [sflag:$0x2] =	stream.indirect.gather [hbm4b:s7+s15], $0x40, s5, s15, $0xb8;
	[tilespmem:$0x1DA40] =	vst v63  }
0x76: {  	_ =	swait.ge [sflag:s1], $0x1F40  }
0x77: {  	[sflag:s1] =	ssyncset.done $0x0  }
0x78: {  	s5 =	sadd.s32 $0x5380, s3;
	[sflag:s1] =	ssyncadd.s32 $0xFFFFE0C0  }
0x79: {  	[tilespmem:s20], [sflag:$0x3] =	stream.indirect.gather [hbm4b:s7+s15], $0x40, s5, s15, $0xb8;
	[tilespmem:$0x1DA40] =	vst v63  }
0x7a: {  	_ =	swait.ge [sflag:s17], $0x1F40  }
0x7b: {  	[sflag:s17] =	ssyncset.done $0x0  }
.Ltmp0:
0x7c: {  	s5 =	sadd.s32 $0x5400, s3;
	[sflag:s17] =	ssyncadd.s32 $0xFFFFE0C0;
	(pc) =	sbr.rel @p0 .LBB2_2-.Ltmp0, $4  }
0x7d: {  	[tilespmem:s22], [sflag:$0x4] =	stream.indirect.gather [hbm4b:s7+s15], $0x40, s5, s15, $0xb8;
	[tilespmem:$0x1DA40] =	vst v63  }
0x7e: {  	_ =	swait.ge [sflag:s19], $0x1F40  }
0x7f: {  	[sflag:s19] =	ssyncset.done $0x0  }
0x80: {  	s3 =	sadd.s32 $0x5480, s3;
	[sflag:s19] =	ssyncadd.s32 $0xFFFFE0C0  }
0x81: {  	[tilespmem:s24], [sflag:$0x5] =	stream.indirect.gather [hbm4b:s7+s15], $0x40, s3, s15, $0xb8;
	[tilespmem:$0x1DA40] =	vst v63  }
0x82: {  	_ =	swait.ge [sflag:s25], $0x1F40  }
0x83: {  	[sflag:s25] =	ssyncset.done $0x0  }
0x84: {  	s21 =	simm.s32 $0x4D80;
	[sflag:s25] =	ssyncadd.s32 $0xFFFFE0C0  }
0x85: {  	[spmem:s2] =	stream.indirect.scatter.add.f32 [tilespmem:s16], [sflag:$0x6], $0x40, s21, s15, $0xb8;
	[tilespmem:$0x1DA40] =	vst v63  }
0x86: {  	_ =	swait.ge [sflag:s26], $0x1F40  }
0x87: {  	[sflag:s26] =	ssyncset.done $0x0  }
0x88: {  	s5 =	simm.s32 $0x4E00;
	[sflag:s26] =	ssyncadd.s32 $0xFFFFE0C0  }
0x89: {  	[spmem:s2] =	stream.indirect.scatter.add.f32 [tilespmem:s18], [sflag:$0x7], $0x40, s5, s15, $0xb8;
	[tilespmem:$0x1DA40] =	vst v63  }
0x8a: {  	_ =	swait.ge [sflag:s28], $0x1F40  }
0x8b: {  	[sflag:s28] =	ssyncset.done $0x0  }
0x8c: {  	s21 =	simm.s32 $0x4E80;
	[sflag:s28] =	ssyncadd.s32 $0xFFFFE0C0  }
0x8d: {  	[spmem:s2] =	stream.indirect.scatter.add.f32 [tilespmem:s20], [sflag:$0x8], $0x40, s21, s15, $0xb8;
	[tilespmem:$0x1DA40] =	vst v63  }
0x8e: {  	_ =	swait.ge [sflag:s29], $0x1F40  }
0x8f: {  	[sflag:s29] =	ssyncset.done $0x0  }
0x90: {  	s5 =	simm.s32 $0x4F00;
	[sflag:s29] =	ssyncadd.s32 $0xFFFFE0C0  }
0x91: {  	[spmem:s2] =	stream.indirect.scatter.add.f32 [tilespmem:s22], [sflag:$0x9], $0x40, s5, s15, $0xb8;
	[tilespmem:$0x1DA40] =	vst v63  }
0x92: {  	_ =	swait.ge [sflag:s30], $0x1F40  }
0x93: {  	[sflag:s30] =	ssyncset.done $0x0  }
0x94: {  	s21 =	simm.s32 $0x4F80;
	[sflag:s30] =	ssyncadd.s32 $0xFFFFE0C0  }
0x95: {  	[spmem:s2] =	stream.indirect.scatter.add.f32 [tilespmem:s24], [sflag:$0xA], $0x40, s21, s15, $0xb8;
	[tilespmem:$0x1DA40] =	vst v63  }
0x96: {  	_ =	swait.ge [sflag:s31], $0x1F40  }
0x97: {  	[sflag:s31] =	ssyncset.done $0x0  }
0x98: {  	[sflag:s31] =	ssyncadd.s32 $0xFFFFE0C0  }
0x99: {  	_ =	swait.ge [sflag:s0], $0x1F40  }
0x9a: {  	[sflag:s0] =	ssyncset.done $0x0  }
0x9b: {  	[sflag:s0] =	ssyncadd.s32 $0xFFFFE0C0  }
0x9c: {  	_ =	swait.ge [sflag:s1], $0x1F40  }
0x9d: {  	[sflag:s1] =	ssyncset.done $0x0  }
0x9e: {  	[sflag:s1] =	ssyncadd.s32 $0xFFFFE0C0  }
0x9f: {  	_ =	swait.ge [sflag:s17], $0x1F40  }
0xa0: {  	[sflag:s17] =	ssyncset.done $0x0  }
0xa1: {  	[sflag:s17] =	ssyncadd.s32 $0xFFFFE0C0  }
0xa2: {  	_ =	swait.ge [sflag:s19], $0x1F40  }
0xa3: {  	s23 =	sadd.s32 $0x1, s23;
	[sflag:s19] =	ssyncset.done $0x0  }
0xa4: {  	p0 =	sne.s32 s23, s9;
	[sflag:s19] =	ssyncadd.s32 $0xFFFFE0C0  }
.Ltmp1:
0xa5: {  	[bflag:$0x0] =	sbarrier.arrive $0xFFFF;
	(pc) =	sbr.rel @p0 .LBB2_1-.Ltmp1, $4  }
0xa6: {  	[hbm:s8], [sflag:s12] =	dma.local [spmem:s13], $0x13C0  }
0xa7: {  	_ =	swait.ge [sflag:s10], $0x13C0  }
0xa8: {  	[sflag:s10] =	ssyncset.done $0x0  }
0xa9: {  	[sflag:s10] =	ssyncadd.s32 $0xFFFFEC40  }
0xaa: {  	_ =	sfence.sel $0x180000  }
0xab: {  	[bflag:$0x0] =	sbarrier.arrive $0xFFFF  }
0xac: {  	_ =	strace $0x9000004D  }
0xad: {  	s0 =	stileid.u32;
	[bflag:$0x2] =	sbarrier.arrive $0xFFFF  }
0xae: {  	p0 =	sne.s32 s0, $0x0;
	s0 =	rddreg [dreg:$0x3]  }
0xaf: {  	s0 =	sadd.s32 @!p0 $0x100000, s0  }
0xb0: {  	[sflag:s0] =	ssyncadd.tile.s32 @!p0 $0x1;
	_ =	shalt  }
.Lfunc_end2:
_tile_overlayer_lowered:
.L_overlay_start_2:
0xb1: {  	(tag) =	ssettag $0x2  }
0xb2: {  	s0 =	rddreg [dreg:$0x0];
	s2 =	stileid.u32  }
0xb3: {  	s1 =	rddreg [dreg:$0x1];
	p0 =	sne.s32 s2, $0x0  }
0xb4: {  	s3 =	rddreg [dreg:$0x2];
	[bflag:$0x3] =	sbarrier.arrive $0xFFFF;
	s2 =	simm.s32 @!p0 $0x1C0B  }
0xb5: {  	[timem:s3], [sflag:s2] =	dma.local @!p0 [hbm:s0], s1  }
0xb6: {  	s0 =	simm.s32 @!p0 $0xB  }
0xb7: {  	_ =	swait.ge @!p0 [sflag:s0], s1  }
0xb8: {  	s1 =	ssub.s32 @!p0 $0x0, s1;
	[sflag:s0] =	ssyncset.done @!p0 $0x0  }
0xb9: {  	[sflag:s0] =	ssyncadd.s32 @!p0 s1  }
0xba: {  	[bflag:$0x3] =	sbarrier.arrive $0xFFFF  }
0xbb: {  	_ =	shalt  }

// kernel: kernel.8.cloned.1.call-start
scs
__scs_entry_jumppad:
0x0: {  	(pc) =	sbr.rel $0x88, $3  }
0x1: {  	(tag) =	ssettag $0x0;
	lr =	simm.s32 $0x1  }
0x2: {  	[smem:$0x3F94] =	sst lr;
	_ =	strace $0xD0000000  }
0x3: {  	_ = 	snop  }
0x4: {  	_ = 	snop  }
0x5: {  	_ = 	snop  }
0x6: {  	_ = 	snop  }
0x7: {  	_ = 	snop  }
__scs_overlays_trampoline_lowered:
0x8: {  	[smem:$0x3FA3] =	sst s0  }
0x9: {  	[smem:$0x3FA4] =	sst s1  }
0xa: {  	[smem:$0x3FA5] =	sst s2  }
0xb: {  	[smem:$0x3FA6] =	sst s3  }
0xc: {  	[smem:$0x3FA7] =	sst s4  }
0xd: {  	[smem:$0x3FA8] =	sst s5  }
0xe: {  	[smem:$0x3FA9] =	sst s6  }
0xf: {  	[smem:$0x3FAA] =	sst s7  }
0x10: {  	[smem:$0x3FAB] =	sst s8  }
0x11: {  	[smem:$0x3FAC] =	sst s9;
	s0 =	simm.s32 @!p0 $0x0  }
0x12: {  	s1 =	sld [smem:$0x3F92];
	s0 =	simm.s32 @p0 $0x1  }
0x13: {  	[smem:$0x3FAD] =	sst s0;
	s0 =	simm.s32 @!p1 $0x0  }
0x14: {  	s2 =	sld [smem:$0x3F91];
	s0 =	simm.s32 @p1 $0x1  }
0x15: {  	[smem:$0x3FAE] =	sst s0;
	s0 =	simm.s32 @!p2 $0x0  }
0x16: {  	s3 =	sld [smem:$0x3FDB];
	s0 =	simm.s32 @p2 $0x1  }
0x17: {  	s4 =	simm.s32 $0x1BF5;
	[smem:$0x3FB0] =	sst s0  }
0x18: {  	s0 =	sld [smem:$0x3F93];
	_ =	swait.ge [sflag:s4], $0x0  }
0x19: {  	s7 =	sld [smem:$0x3F94]  }
0x1a: {  	s8 =	sadd.s32 $0xFFFFE003, lr  }
0x1b: {  	s9 =	sadd.s32 $0xFFFFFEF7, lr;
	s5 =	simm.s32 $0xFFFFFFFF;
	p2 =	slt.u32 s8, $0xFFFFF086  }
0x1c: {  	p1 =	slt.u32 s9, $0xF7A;
	s5 =	simm.s32 @!p2 $0x0  }
0x1d: {  	s5 =	simm.s32 @p1 $0x1;
	p0 =	seq.s32 s7, s2  }
0x1e: {  	s7 =	smul.u32 @!p0 $0xF7A, s2;
	p2 =	seq.s32 @!p0 s5, $0x0  }
0x1f: {  	s9 =	smul.u32 $0xF7A, s1;
	s8 =	simm.s32 @!p0 $0x1BF5;
	p2 =	por !p2, p0  }
0x20: {  	[sflag:s8] =	ssyncset.s32 @!p0 $0xFFFFF086;
	s6 =	sadd.s32 @!p0 s3, s7;
	s7 =	simm.s32 @!p0 $0x108  }
0x21: {  	s3 =	sadd.s32 s3, s9;
	s6 =	sadd.s32 @!p0 $0x88, s6;
	s7 =	simm.s32 @p2 $0x1082  }
0x22: {  	[simem:s7], [sflag:s8] =	dma.local @!p0 [hbm:s6], $0xF7A  }
0x23: {  	s9 =	sor.u32 $0xD0000000, s2;
	s6 =	simm.s32 $0x108;
	_ =	swait.ge @!p0 [sflag:s8], $0x0  }
0x24: {  	s3 =	sadd.s32 $0x88, s3;
	s6 =	simm.s32 @!p1 $0x1082;
	[sflag:s4] =	ssyncset.s32 $0xFFFFF086  }
0x25: {  	[simem:s6], [sflag:s4] =	dma.local [hbm:s3], $0xF7A  }
0x26: {  	[smem:$0x3F94] =	sst s1;
	(tag) =	ssettag s2;
	_ =	strace s9  }
0x27: {  	s1 =	sld [smem:$0x3FA4]  }
0x28: {  	s2 =	sld [smem:$0x3FA5]  }
0x29: {  	s4 =	sld [smem:$0x3FA7]  }
0x2a: {  	p0 =	seq.s32 s5, $0x0;
	s5 =	sld [smem:$0x3FA8]  }
0x2b: {  	s6 =	sld [smem:$0x3FA9]  }
0x2c: {  	s7 =	sld [smem:$0x3FAA]  }
0x2d: {  	s3 =	simm.s32 $0x108;
	s8 =	sld [smem:$0x3FAB]  }
0x2e: {  	s3 =	simm.s32 @!p0 $0x1082;
	s9 =	sld [smem:$0x3FAC]  }
0x2f: {  	lr =	sadd.s32 s0, s3;
	s0 =	sld [smem:$0x3FA3]  }
0x30: {  	s3 =	sld [smem:$0x3FA6]  }
0x31: {  	[smem:$0x3FAF] =	sst s10  }
0x32: {  	s10 =	sld [smem:$0x3FAD];
	_ =	sdelay $0x3  }
0x33: {  	p0 =	seq.s32 s10, $0x1;
	s10 =	sld [smem:$0x3FAF];
	_ =	sdelay $0x3  }
0x34: {  	[smem:$0x3FAF] =	sst s10  }
0x35: {  	s10 =	sld [smem:$0x3FAE];
	_ =	sdelay $0x3  }
0x36: {  	p1 =	seq.s32 s10, $0x1;
	s10 =	sld [smem:$0x3FAF];
	_ =	sdelay $0x3  }
0x37: {  	[smem:$0x3FAF] =	sst s10  }
0x38: {  	s10 =	sld [smem:$0x3FB0]  }
0x39: {  	_ = 	snop;
	(pc) =	sbr.ind lr, $3  }
0x3a: {  	_ = 	snop  }
0x3b: {  	_ = 	snop  }
0x3c: {  	p2 =	seq.s32 s10, $0x1;
	s10 =	sld [smem:$0x3FAF]  }
0x3d: {  	_ =	shalt  }
0x3e: {  	_ =	shalt  }
0x3f: {  	_ =	shalt  }
0x40: {  	_ =	shalt  }
0x41: {  	_ =	shalt  }
0x42: {  	_ =	shalt  }
0x43: {  	_ =	shalt  }
0x44: {  	_ =	shalt  }
0x45: {  	_ =	shalt  }
0x46: {  	_ =	shalt  }
0x47: {  	_ =	shalt  }
0x48: {  	_ =	shalt  }
0x49: {  	_ =	shalt  }
0x4a: {  	_ =	shalt  }
0x4b: {  	_ =	shalt  }
0x4c: {  	_ =	shalt  }
0x4d: {  	_ =	shalt  }
0x4e: {  	_ =	shalt  }
0x4f: {  	_ =	shalt  }
0x50: {  	_ =	shalt  }
0x51: {  	_ =	shalt  }
0x52: {  	_ =	shalt  }
0x53: {  	_ =	shalt  }
0x54: {  	_ =	shalt  }
0x55: {  	_ =	shalt  }
0x56: {  	_ =	shalt  }
0x57: {  	_ =	shalt  }
0x58: {  	_ =	shalt  }
0x59: {  	_ =	shalt  }
0x5a: {  	_ =	shalt  }
0x5b: {  	_ =	shalt  }
0x5c: {  	_ =	shalt  }
0x5d: {  	_ =	shalt  }
0x5e: {  	_ =	shalt  }
0x5f: {  	_ =	shalt  }
0x60: {  	_ =	shalt  }
0x61: {  	_ =	shalt  }
0x62: {  	_ =	shalt  }
0x63: {  	_ =	shalt  }
0x64: {  	_ =	shalt  }
0x65: {  	_ =	shalt  }
0x66: {  	_ =	shalt  }
0x67: {  	_ =	shalt  }
0x68: {  	_ =	shalt  }
0x69: {  	_ =	shalt  }
0x6a: {  	_ =	shalt  }
0x6b: {  	_ =	shalt  }
0x6c: {  	_ =	shalt  }
0x6d: {  	_ =	shalt  }
0x6e: {  	_ =	shalt  }
0x6f: {  	_ =	shalt  }
0x70: {  	_ =	shalt  }
0x71: {  	_ =	shalt  }
0x72: {  	_ =	shalt  }
0x73: {  	_ =	shalt  }
0x74: {  	_ =	shalt  }
0x75: {  	_ =	shalt  }
0x76: {  	_ =	shalt  }
0x77: {  	_ =	shalt  }
0x78: {  	_ =	shalt  }
0x79: {  	_ =	shalt  }
0x7a: {  	_ =	shalt  }
0x7b: {  	_ =	shalt  }
0x7c: {  	_ =	shalt  }
0x7d: {  	_ =	shalt  }
0x7e: {  	_ =	shalt  }
0x7f: {  	_ =	shalt  }
0x80: {  	_ =	shalt  }
0x81: {  	_ =	shalt  }
0x82: {  	_ =	shalt  }
0x83: {  	_ =	shalt  }
0x84: {  	_ =	shalt  }
0x85: {  	_ =	shalt  }
0x86: {  	_ =	shalt  }
0x87: {  	_ =	shalt  }
.Lfunc_end0:
.L_simem_size_0:
called_computation_lowered:
.L_overlay_start_0:
0x88: {  	s2 =	sld [smem:$0x3FD9]  }
0x89: {  	s3 =	sld [smem:$0x3FFE];
	_ =	sdelay $0x1  }
0x8a: {  	s1 =	srdreg.scid  }
0x8b: {  	s0 =	sand.u32 $0x1, s1  }
0x8c: {  	s17 =	sshll.u32 s0, $0xA;
	s2 =	sadd.s32 s3, s2  }
0x8d: {  	s2 =	sadd.s32 s2, s17  }
0x8e: {  	[smem:$0x3FBB] =	sst s2  }
0x8f: {  	_ = 	snop  }
0x90: {  	s2 =	sld [smem:$0x3FD0];
	(tm) =	ssettm $0x1  }
0x91: {  	s18 =	sld [smem:$0x3FFB];
	_ =	sdelay $0x3  }
0x92: {  	_ =	strace s18  }
0x93: {  	s3 =	sld [smem:$0x3FFC];
	_ =	sdelay $0x3  }
0x94: {  	_ =	strace s3  }
0x95: {  	s3 =	sld [smem:$0x3FFD];
	_ =	sdelay $0x3  }
0x96: {  	_ =	strace s3  }
0x97: {  	_ =	strace $0x8FFFFFFF  }
0x98: {  	s19 =	sld [smem:$0x3FDB];
	_ =	sdelay $0x1  }
0x99: {  	s4 =	simm.s32 $_scs_section_size  }
0x9a: {  	s5 =	simm.s32 $_size__tile_overlayer_lowered;
	s6 =	simm.s32 $_tile_overlayer_lowered  }
0x9b: {  	s22 =	simm.s32 $0x1BFF;
	s21 =	sshll.u32 s6, $0x1;
	s3 =	sadd.s32 s4, s19  }
0x9c: {  	s7 =	simm.s32 $0x0;
	s20 =	sshll.u32 s5, $0x1;
	s5 =	sadd.s32 s21, s3  }
0x9d: {  	[timem:s7], [sflag:s22] =	dma.local [hbm:s5], s20  }
0x9e: {  	_ =	swait.ge [sflag:s22], s20  }
0x9f: {  	s4 =	ssub.s32 $0x0, s20;
	[sflag:s22] =	ssyncset.done $0x0  }
0xa0: {  	[sflag:s22] =	ssyncadd.s32 s4;
	_ =	sdelay $0x1  }
0xa1: {  	s23 =	simm.s32 $0x1B8B  }
0xa2: {  	_ =	swait.ge [sflag:s23], $0x1  }
0xa3: {  	[sflag:s23] =	ssyncset.done $0x0  }
0xa4: {  	s25 =	simm.s32 $0x1B8E;
	s24 =	sld [smem:$0x3FFE];
	[sflag:s23] =	ssyncadd.s32 $0xFFFFFFFF  }
0xa5: {  	s26 =	simm.s32 $execute0_lowered;
	[smem:$0x3FD2] =	sst s25  }
0xa6: {  	s5 =	sshll.u32 s26, $0x1;
	_ =	strace $0x80000046;
	[dreg:$0x1] =	wrdreg $0xFFFFFFFF  }
0xa7: {  	s28 =	simm.s32 $_size_execute0_lowered;
	s3 =	sadd.s32 s3, s5;
	[dreg:$0x0] =	wrdreg $0x0  }
0xa8: {  	s5 =	sshll.u32 s28, $0x1;
	[dreg:$0x2] =	wrdreg s3  }
0xa9: {  	[dreg:$0x3] =	wrdreg s5  }
0xaa: {  	[dreg:$0x4] =	wrdreg $0xC0  }
0xab: {  	_ =	task [dreg:s7], $0x5FFFF  }
0xac: {  	[dreg:$0x1] =	wrdreg $0xFFFFFFFF  }
0xad: {  	[dreg:$0x0] =	wrdreg $0x60  }
0xae: {  	[dreg:$0x2] =	wrdreg s24  }
0xaf: {  	[dreg:$0x3] =	wrdreg s2  }
0xb0: {  	[dreg:$0x4] =	wrdreg $0x43D00  }
0xb1: {  	[dreg:$0x5] =	wrdreg $0x9  }
0xb2: {  	_ =	task.clear_ibuf [dreg:s7], $0x6FFFF;
	_ =	strace $0x90000046  }
0xb3: {  	s29 =	simm.s32 $0x9;
	_ =	strace $0x80000048  }
0xb4: {  	_ =	swait.ge [sflag:s29], $0x1  }
0xb5: {  	[sflag:s29] =	ssyncadd.s32 $0xFFFFFFFF  }
0xb6: {  	_ =	strace $0x90000048  }
0xb7: {  	_ =	sfence  }
0xb8: {  	s30 =	sld [smem:$0x0];
	_ =	sdelay $0x2  }
0xb9: {  	s31 =	sshll.u32 s1, $0xD;
	s1 =	sshrl.u32 s1, $0x2  }
0xba: {  	s3 =	sand.u32 $0x4000, s31;
	s1 =	sadd.s32 s1, s30  }
0xbb: {  	s0 =	sor.u32 s3, s0;
	s1 =	sshll.u32 s1, $0x11  }
0xbc: {  	s0 =	sor.u32 s1, s0  }
0xbd: {  	s0 =	sadd.s32 $0x8F2B, s0  }
0xbe: {  	[sflag:s0] =	ssyncadd.remote.s32 $0x1  }
0xbf: {  	_ =	sfence.sel $0xFFFF  }
0xc0: {  	[dreg:$0x0] =	wrdreg $0xFFFFFFFF;
	(pc) =	sbr.abs _section_cstart, $3  }
0xc1: {  	[dreg:$0x1] =	wrdreg $0xFFFFFFFF  }
0xc2: {  	_ =	task.clear_ibuf [dreg:s7], $0x2FFFF;
	_ =	strace $0x9FFFFFFF  }
0xc3: {  	(tm) =	ssettm $0x7FFFFFFF  }
tec
execute0_lowered:
.L_overlay_start_1:
0x0: {  	(tag) =	ssettag $0x1  }
0x1: {  	s5 =	rddreg [dreg:$0x0]  }
0x2: {  	s0 =	srdreg.scid;
	s7 =	rddreg [dreg:$0x1]  }
0x3: {  	s2 =	rddreg [dreg:$0x2];
	s3 =	simm.s32 $0x0;
	s13 =	simm.s32 $0x2800  }
0x4: {  	s14 =	simm.s32 $0x2FD0;
	s6 =	sand.u32 $0x1, s0;
	s0 =	stileid.u32  }
0x5: {  	s15 =	simm.s32 $0x7D;
	s16 =	simm.s32 $0x0;
	s8 =	smul.u32 $0x278, s0  }
0x6: {  	[smem:$0x7FF] =	sst s3;
	s1 =	sshll.u32 s6, $0x4;
	s9 =	smul.u32 $0x2780, s6  }
0x7: {  	s11 =	smul.u32 $0x9E00, s0;
	s6 =	ssub.s32 $0x2, s6;
	s4 =	sor.u32 s0, s1  }
0x8: {  	s1 =	rddreg [dreg:$0x3];
	_ =	strace $0x80000047;
	s31 =	sshrl.u32 s6, $0x1  }
0x9: {  	s4 =	smul.u32 $0x500, s4;
	s8 =	sadd.s32 s8, s9;
	s11 =	sshrl.u32 s11, $0x2  }
0xa: {  	s12 =	ssub.s32 s6, s31;
	s8 =	sshll.u32 s8, $0x1;
	s6 =	sadd.s32 s11, s2  }
0xb: {  	s11 =	smax.u32 s12, $0x1;
	s12 =	simm.s32 $0x1;
	s10 =	sadd.s32 s4, s5  }
0xc: {  	s4 =	sadd.s32 $0x16E00, s5;
	s5 =	sadd.s32 $0x16A00, s5;
	s7 =	sadd.s32 s7, s8  }
0xd: {  	s9 =	sadd.s32 $0x1400, s6;
	s8 =	sadd.s32 $0x2A00, s10;
	s10 =	sadd.s32 $0x280, s7  }
.LBB2_1:
0xe: {  	[tilespmem:s3], [sflag:$0x1] =	stream.linear.gather [hbm4b:s8+s3], $0x2800, $0x38;
	[tilespmem:$0x6B50] =	vst v63  }
0xf: {  	_ =	swait.ge [sflag:s12], $0x2800  }
0x10: {  	[sflag:s12] =	ssyncset.done $0x0  }
0x11: {  	[sflag:s12] =	ssyncadd.s32 $0xFFFFD800  }
0x12: {  	[tilespmem:s13], [sflag:$0x1] =	stream.linear.gather [hbm4b:s4+s3], $0x7D0, $0x38;
	[tilespmem:$0x6B50] =	vst v63  }
0x13: {  	_ =	swait.ge [sflag:s12], $0x7D0  }
0x14: {  	[sflag:s12] =	ssyncset.done $0x0  }
0x15: {  	[sflag:s12] =	ssyncadd.s32 $0xFFFFF830  }
0x16: {  	[tilespmem:s14], [sflag:$0x1] =	stream.linear.gather [hbm4b:s5+s3], $0x1400, $0x38;
	[tilespmem:$0x6B50] =	vst v63  }
0x17: {  	_ =	swait.ge [sflag:s12], $0x1400  }
0x18: {  	[sflag:s12] =	ssyncset.done $0x0  }
0x19: {  	[sflag:s12] =	ssyncadd.s32 $0xFFFFEC00  }
0x1a: {  	[spmem:s6] =	stream.linear.scatter [tilespmem:s14], [sflag:$0x1], $0x1400, $0x38;
	[tilespmem:$0x6B50] =	vst v63  }
0x1b: {  	_ =	swait.ge [sflag:s12], $0x1400  }
0x1c: {  	[sflag:s12] =	ssyncset.done $0x0  }
0x1d: {  	[sflag:s12] =	ssyncadd.s32 $0xFFFFEC00  }
0x1e: {  	[spmem:s9] =	stream.linear.scatter [tilespmem:s14], [sflag:$0x1], $0x1380, $0x38;
	[tilespmem:$0x6B50] =	vst v63  }
0x1f: {  	_ =	swait.ge [sflag:s12], $0x1380  }
0x20: {  	[sflag:s12] =	ssyncset.done $0x0  }
0x21: {  	[sflag:s12] =	ssyncadd.s32 $0xFFFFEC80  }
0x22: {  	s17 =	simm.s32 $0x0;
	[bflag:$0x0] =	sbarrier.arrive $0xFFFF  }
0x23: {  	[spmem:s2] =	stream.indirect.scatter.add.f32 [tilespmem:s13], [sflag:$0x1], $0x10, s17, s15, $0xb8;
	[tilespmem:$0x6B50] =	vst v63  }
0x24: {  	_ =	swait.ge [sflag:s12], $0x7D0  }
0x25: {  	s17 =	simm.s32 $0x200;
	[sflag:s12] =	ssyncset.done $0x0  }
.LBB2_2:
0x26: {  	s18 =	sshra.s32 s17, $0x2;
	[sflag:s12] =	ssyncadd.s32 $0xFFFFF830;
	p0 =	sne.s32 s17, $0x9E00  }
0x27: {  	[spmem:s2] =	stream.indirect.scatter.add.f32 [tilespmem:s13], [sflag:$0x1], $0x10, s18, s15, $0xb8;
	[tilespmem:$0x6B50] =	vst v63  }
.Ltmp0:
0x28: {  	_ = 	snop;
	(pc) =	sbr.rel @p0 .LBB2_2-.Ltmp0, $4  }
0x29: {  	_ = 	snop  }
0x2a: {  	s17 =	sadd.s32 $0x200, s17  }
0x2b: {  	_ =	swait.ge [sflag:s12], $0x7D0  }
0x2c: {  	[sflag:s12] =	ssyncset.done $0x0  }
0x2d: {  	[sflag:s12] =	ssyncadd.s32 $0xFFFFF830  }
0x2e: {  	[bflag:$0x0] =	sbarrier.arrive $0xFFFF  }
0x2f: {  	[tilespmem:s14], [sflag:$0x1] =	stream.linear.gather [spmem:s6], $0x1400, $0x38;
	[tilespmem:$0x6B50] =	vst v63  }
0x30: {  	_ =	swait.ge [sflag:s12], $0x1400  }
0x31: {  	[sflag:s12] =	ssyncset.done $0x0  }
0x32: {  	[sflag:s12] =	ssyncadd.s32 $0xFFFFEC00  }
0x33: {  	[hbm4b:s7+s3] =	stream.linear.scatter [tilespmem:s14], [sflag:$0x1], $0x1400, $0x38;
	[tilespmem:$0x6B50] =	vst v63  }
0x34: {  	_ =	swait.ge [sflag:s12], $0x1400  }
0x35: {  	[sflag:s12] =	ssyncset.done $0x0  }
0x36: {  	[sflag:s12] =	ssyncadd.s32 $0xFFFFEC00  }
0x37: {  	[tilespmem:s14], [sflag:$0x1] =	stream.linear.gather [spmem:s9], $0x1380, $0x38;
	[tilespmem:$0x6B50] =	vst v63  }
0x38: {  	s16 =	sadd.s32 $0x1, s16;
	_ =	swait.ge [sflag:s12], $0x1380  }
0x39: {  	p0 =	sne.s32 s16, s11;
	[sflag:s12] =	ssyncset.done $0x0  }
.Ltmp1:
0x3a: {  	[sflag:s12] =	ssyncadd.s32 $0xFFFFEC80;
	(pc) =	sbr.rel @p0 .LBB2_1-.Ltmp1, $4  }
0x3b: {  	[hbm4b:s10+s3] =	stream.linear.scatter [tilespmem:s14], [sflag:$0x1], $0x1380, $0x38;
	[tilespmem:$0x6B50] =	vst v63  }
0x3c: {  	_ =	swait.ge [sflag:s12], $0x1380  }
0x3d: {  	[sflag:s12] =	ssyncset.done $0x0  }
0x3e: {  	[sflag:s12] =	ssyncadd.s32 $0xFFFFEC80  }
0x3f: {  	_ =	sfence.sel $0x180000  }
0x40: {  	[bflag:$0x0] =	sbarrier.arrive $0xFFFF  }
0x41: {  	p0 =	sne.s32 s0, $0x0;
	_ =	strace $0x90000047  }
0x42: {  	s0 =	sadd.s32 @!p0 $0x100000, s1;
	[bflag:$0x2] =	sbarrier.arrive $0xFFFF  }
0x43: {  	[sflag:s0] =	ssyncadd.tile.s32 @!p0 $0x1;
	_ =	shalt  }
.Lfunc_end2:
_tile_overlayer_lowered:
.L_overlay_start_2:
0x44: {  	(tag) =	ssettag $0x2  }
0x45: {  	s0 =	rddreg [dreg:$0x0];
	s2 =	stileid.u32  }
0x46: {  	s1 =	rddreg [dreg:$0x1];
	p0 =	sne.s32 s2, $0x0  }
0x47: {  	s3 =	rddreg [dreg:$0x2];
	[bflag:$0x3] =	sbarrier.arrive $0xFFFF;
	s2 =	simm.s32 @!p0 $0x1C01  }
0x48: {  	[timem:s3], [sflag:s2] =	dma.local @!p0 [hbm:s0], s1  }
0x49: {  	s0 =	simm.s32 @!p0 $0x1  }
0x4a: {  	_ =	swait.ge @!p0 [sflag:s0], s1  }
0x4b: {  	s1 =	ssub.s32 @!p0 $0x0, s1;
	[sflag:s0] =	ssyncset.done @!p0 $0x0  }
0x4c: {  	[sflag:s0] =	ssyncadd.s32 @!p0 s1  }
0x4d: {  	[bflag:$0x3] =	sbarrier.arrive $0xFFFF  }
0x4e: {  	_ =	shalt  }

</sc_bundles>
